<compile_context>
chip_gen: v7x
topology: tpu7x:2x2x1
jax: 0.10.2.dev20260603
libtpu: 0.0.44.dev20260713+nightly
codegen_flags: <defaults>
</compile_context>

<pallas_src>
import functools

import jax
import jax.numpy as jnp
from jax import lax
from jax.experimental import pallas as pl
from jax.experimental.pallas import tpu as pltpu
from jax.experimental.pallas import tpu_sc as plsc

F32 = jnp.float32

N = 50000
E = 800000
B = 256
DIM = 32

NC = 2
NS = 16
NW = NC * NS

NBLK = 2000
EBLK4 = 1000

EPW = E // NW
K2C = 200
K4C = 200
NPAD = 50048
ROWS_PT = NPAD // NS
ZCH = 184
ZCH4 = 136


def _relu(v):
    return jnp.maximum(v, 0.0)


def _dot(a, b):
    return jnp.dot(a, b, preferred_element_type=F32)


def _k1_body(x_ref, batch_ref, u_ref,
             wnd1_ref, bnd1_ref, wnd2_ref, bnd2_ref,
             wgd1_ref, bgd1_ref, wgd2_ref, bgd2_ref,
             w1a_ref, w1b_ref, w1d_ref, b1_ref,
             wn1b_ref, wn1c_ref, bn1_ref,
             tab_ref, nxu_ref, uh_ref):
    x = x_ref[...]
    xh = _dot(_relu(_dot(x, wnd1_ref[...]) + bnd1_ref[...]), wnd2_ref[...]) + bnd2_ref[...]
    uh = _dot(_relu(_dot(u_ref[...], wgd1_ref[...]) + bgd1_ref[...]), wgd2_ref[...]) + bgd2_ref[...]
    iota = lax.broadcasted_iota(jnp.int32, (x.shape[0], B), 1)
    oh = (batch_ref[...] == iota).astype(F32)
    t1 = _dot(uh, w1d_ref[...])
    t2 = _dot(uh, wn1c_ref[...])
    ga = _dot(xh, w1a_ref[...]) + _dot(oh, t1) + b1_ref[...]
    gb = _dot(xh, w1b_ref[...])
    tab_ref[0, :, :] = ga.astype(jnp.bfloat16)
    tab_ref[1, :, :] = gb.astype(jnp.bfloat16)
    nxu_ref[...] = _dot(xh, wn1b_ref[...]) + _dot(oh, t2) + bn1_ref[...]
    uh_ref[...] = uh


def _run_k1(x, batch2, u, wnd1, bnd1, wnd2, bnd2, wgd1, bgd1, wgd2, bgd2,
            w1a, w1b, w1d, b1, wn1b, wn1c, bn1):
    nblocks = N // NBLK
    full = lambda shape: pl.BlockSpec(shape, lambda i: (0,) * len(shape))
    return pl.pallas_call(
        _k1_body,
        grid=(nblocks,),
        in_specs=[
            pl.BlockSpec((NBLK, DIM), lambda i: (i, 0)),
            pl.BlockSpec((NBLK, 1), lambda i: (i, 0)),
            full((B, DIM)),
            full((DIM, 64)), full((1, 64)), full((64, DIM)), full((1, DIM)),
            full((DIM, 64)), full((1, 64)), full((64, DIM)), full((1, DIM)),
            full((DIM, 64)), full((DIM, 64)), full((DIM, 64)), full((1, 64)),
            full((DIM, 64)), full((DIM, 64)), full((1, 64)),
        ],
        out_specs=[
            pl.BlockSpec((2, NBLK, 64), lambda i: (0, i, 0)),
            pl.BlockSpec((NBLK, 64), lambda i: (i, 0)),
            pl.BlockSpec((B, DIM), lambda i: (0, 0)),
        ],
        out_shape=[
            jax.ShapeDtypeStruct((2, N, 64), jnp.bfloat16),
            jax.ShapeDtypeStruct((N, 64), F32),
            jax.ShapeDtypeStruct((B, DIM), F32),
        ],
    )(x, batch2, u, wnd1, bnd1, wnd2, bnd2, wgd1, bgd1, wgd2, bgd2,
      w1a, w1b, w1d, b1, wn1b, wn1c, bn1)


def _k2_body(tab_hbm, idxp_hbm,
             g_hbm, cnt_hbm,
             idx0, idx1, bufa0, bufb0, bufa1, bufb1,
             out_v, ones_v, zbuf, cnt_sh,
             sa0, sb0, sa1, sb1, so, scnt0, scnt1):
    cid = lax.axis_index("c")
    sid = lax.axis_index("s")
    wid = cid * NS + sid
    base = pl.multiple_of(wid * EPW, 8)
    M = EPW // K2C
    cbase = wid * M
    idx = (idx0, idx1)
    bufa = (bufa0, bufa1)
    bufb = (bufb0, bufb1)
    sa = (sa0, sa1)
    sb = (sb0, sb1)
    scnt = (scnt0, scnt1)

    def fill_ones(i, _):
        ones_v[i] = jnp.ones((16,), F32)
        return 0
    lax.fori_loop(0, K2C, fill_ones, 0)

    def fill_z(i, _):
        zbuf[i] = jnp.zeros((16,), F32)
        return 0
    lax.fori_loop(0, ZCH, fill_z, 0)

    off = pl.multiple_of(sid * ROWS_PT, 8)

    def zero_sl(c, _):
        pltpu.sync_copy(zbuf, cnt_sh.at[pl.ds(off + c * ZCH, ZCH)])
        return 0
    lax.fori_loop(0, ROWS_PT // ZCH, zero_sl, 0)
    plsc.subcore_barrier()

    def issue(ci, p):
        @pl.when(ci >= 2)
        def _():
            pltpu.make_async_copy(ones_v, cnt_sh.at[idx[p].at[0]], scnt[p]).wait()
        pltpu.sync_copy(idxp_hbm.at[cbase + ci], idx[p])
        pltpu.async_copy(tab_hbm.at[idx[p].at[0]], bufa[p], sa[p])
        pltpu.async_copy(tab_hbm.at[idx[p].at[1]], bufb[p], sb[p])

    def process(ci, p):
        pltpu.make_async_copy(tab_hbm.at[idx[p].at[0]], bufa[p], sa[p]).wait()
        pltpu.make_async_copy(tab_hbm.at[idx[p].at[1]], bufb[p], sb[p]).wait()
        ba, bb = bufa[p], bufb[p]

        @pl.when(ci > 0)
        def _():
            bp = pl.multiple_of(base + (ci - 1) * K2C, 8)
            pltpu.make_async_copy(out_v, g_hbm.at[pl.ds(bp // 4, K2C // 4)], so).wait()

        def addrow(r4, _):
            for sub in range(4):
                r = 4 * r4 + sub
                for j in range(2):
                    s = pl.ds(j * 32, 32)
                    out_v[r4, pl.ds(sub * 64 + j * 32, 32)] = ba[r, s] + bb[r, s]
            return 0
        lax.fori_loop(0, K2C // 4, addrow, 0)

        b = pl.multiple_of(base + ci * K2C, 8)
        pltpu.async_copy(out_v, g_hbm.at[pl.ds(b // 4, K2C // 4)], so)
        pltpu.async_copy(ones_v, cnt_sh.at[idx[p].at[0]], scnt[p], add=True)

    issue(0, 0)

    def pair(j, _):
        i0 = 2 * j

        @pl.when(i0 + 1 < M)
        def _():
            issue(i0 + 1, 1)
        process(i0, 0)

        @pl.when(i0 + 2 < M)
        def _():
            issue(i0 + 2, 0)

        @pl.when(i0 + 1 < M)
        def _():
            process(i0 + 1, 1)
        return 0
    lax.fori_loop(0, (M + 1) // 2, pair, 0)

    bl = pl.multiple_of(base + (M - 1) * K2C, 8)
    pltpu.make_async_copy(out_v, g_hbm.at[pl.ds(bl // 4, K2C // 4)], so).wait()
    pltpu.make_async_copy(ones_v, cnt_sh.at[idx[0].at[0]], scnt[0]).wait()
    pltpu.make_async_copy(ones_v, cnt_sh.at[idx[1].at[0]], scnt[1]).wait()
    plsc.subcore_barrier()
    pltpu.sync_copy(cnt_sh.at[pl.ds(off, ROWS_PT)], cnt_hbm.at[cid, pl.ds(off, ROWS_PT)])


def _run_k2(tab2, idxp):
    mesh = plsc.VectorSubcoreMesh(core_axis_name="c", subcore_axis_name="s")
    kfn = pl.kernel(
        _k2_body,
        out_type=[
            jax.ShapeDtypeStruct((E // 4, 256), jnp.bfloat16),
            jax.ShapeDtypeStruct((NC, NPAD, 16), F32),
        ],
        mesh=mesh,
        compiler_params=pltpu.CompilerParams(use_tc_tiling_on_sc=False),
        scratch_types=[
            pltpu.VMEM((2, K2C), jnp.int32),
            pltpu.VMEM((2, K2C), jnp.int32),
            pltpu.VMEM((K2C, 64), jnp.bfloat16),
            pltpu.VMEM((K2C, 64), jnp.bfloat16),
            pltpu.VMEM((K2C, 64), jnp.bfloat16),
            pltpu.VMEM((K2C, 64), jnp.bfloat16),
            pltpu.VMEM((K2C // 4, 256), jnp.bfloat16),
            pltpu.VMEM((K2C, 16), F32),
            pltpu.VMEM((ZCH, 16), F32),
            pltpu.VMEM_SHARED((NPAD, 16), F32),
            pltpu.SemaphoreType.DMA,
            pltpu.SemaphoreType.DMA,
            pltpu.SemaphoreType.DMA,
            pltpu.SemaphoreType.DMA,
            pltpu.SemaphoreType.DMA,
            pltpu.SemaphoreType.DMA,
            pltpu.SemaphoreType.DMA,
        ],
    )
    return kfn(tab2, idxp)


def _k3_body(ea_ref, g_ref,
             we1_ref, be1_ref, wc_ref, cc_ref, w2_ref, b2_ref, w3_ref, b3_ref,
             eo4_ref):
    ea = ea_ref[...]
    g4 = g_ref[...].astype(F32)
    pre1 = _relu(_dot(ea, we1_ref[...]) + be1_ref[...])
    h1 = _relu(g4 + _dot(pre1, wc_ref[...]) + cc_ref[...])
    h2 = _relu(_dot(h1, w2_ref[...]) + b2_ref[...])
    eo4_ref[...] = _dot(h2, w3_ref[...]) + b3_ref[...] + ea


def _run_k3(ea4, g4, we1d, be1d, wcd, ccd, w2d, b2d, w3d, b3d):
    nblocks = (E // 4) // EBLK4
    full = lambda shape: pl.BlockSpec(shape, lambda i: (0,) * len(shape))
    return pl.pallas_call(
        _k3_body,
        grid=(nblocks,),
        in_specs=[
            pl.BlockSpec((EBLK4, 128), lambda i: (i, 0)),
            pl.BlockSpec((EBLK4, 256), lambda i: (i, 0)),
            full((128, 256)), full((1, 256)), full((256, 256)), full((1, 256)),
            full((256, 256)), full((1, 256)), full((256, 128)), full((1, 128)),
        ],
        out_specs=pl.BlockSpec((EBLK4, 128), lambda i: (i, 0)),
        out_shape=jax.ShapeDtypeStruct((E // 4, 128), F32),
    )(ea4, g4, we1d, be1d, wcd, ccd, w2d, b2d, w3d, b3d)


def _k4_body(eo_hbm, idxp_hbm,
             nsum_hbm,
             idx0, idx1, data40, data41, data0, data1, zbuf, acc_sh,
             sd0, sd1, ss0, ss1):
    cid = lax.axis_index("c")
    sid = lax.axis_index("s")
    wid = cid * NS + sid
    base = pl.multiple_of(wid * EPW, 8)
    off = pl.multiple_of(sid * ROWS_PT, 8)
    M = EPW // K4C
    cbase = wid * M
    idx = (idx0, idx1)
    data4 = (data40, data41)
    data = (data0, data1)
    sd = (sd0, sd1)
    ss = (ss0, ss1)

    def fill_z(i, _):
        for j in range(2):
            zbuf[i, pl.ds(j * 16, 16)] = jnp.zeros((16,), F32)
        return 0
    lax.fori_loop(0, ZCH4, fill_z, 0)

    def zero_sl(c, _):
        pltpu.sync_copy(zbuf, acc_sh.at[pl.ds(off + c * ZCH4, ZCH4)])
        return 0
    lax.fori_loop(0, ROWS_PT // ZCH4, zero_sl, 0)
    plsc.subcore_barrier()

    def issue(ci, p):
        @pl.when(ci >= 2)
        def _():
            pltpu.make_async_copy(data[p], acc_sh.at[idx[p].at[0]], ss[p]).wait()
        pltpu.sync_copy(idxp_hbm.at[cbase + ci], idx[p])
        b = pl.multiple_of(base + ci * K4C, 8)
        pltpu.async_copy(eo_hbm.at[pl.ds(b // 4, K4C // 4)], data4[p], sd[p])

    def process(ci, p):
        b = pl.multiple_of(base + ci * K4C, 8)
        pltpu.make_async_copy(eo_hbm.at[pl.ds(b // 4, K4C // 4)], data4[p], sd[p]).wait()

        def ung(r4, _):
            for sub in range(4):
                for j in range(2):
                    data[p][4 * r4 + sub, pl.ds(j * 16, 16)] = (
                        data4[p][r4, pl.ds(sub * 32 + j * 16, 16)])
            return 0
        lax.fori_loop(0, K4C // 4, ung, 0)
        pltpu.async_copy(data[p], acc_sh.at[idx[p].at[0]], ss[p], add=True)

    issue(0, 0)

    def pair(j, _):
        i0 = 2 * j

        @pl.when(i0 + 1 < M)
        def _():
            issue(i0 + 1, 1)
        process(i0, 0)

        @pl.when(i0 + 2 < M)
        def _():
            issue(i0 + 2, 0)

        @pl.when(i0 + 1 < M)
        def _():
            process(i0 + 1, 1)
        return 0
    lax.fori_loop(0, (M + 1) // 2, pair, 0)

    pltpu.make_async_copy(data[0], acc_sh.at[idx[0].at[0]], ss[0]).wait()
    pltpu.make_async_copy(data[1], acc_sh.at[idx[1].at[0]], ss[1]).wait()
    plsc.subcore_barrier()
    pltpu.sync_copy(acc_sh.at[pl.ds(off, ROWS_PT)], nsum_hbm.at[cid, pl.ds(off, ROWS_PT)])


def _run_k4(eo, idxp):
    mesh = plsc.VectorSubcoreMesh(core_axis_name="c", subcore_axis_name="s")
    kfn = pl.kernel(
        _k4_body,
        out_type=jax.ShapeDtypeStruct((NC, NPAD, DIM), F32),
        mesh=mesh,
        compiler_params=pltpu.CompilerParams(use_tc_tiling_on_sc=False),
        scratch_types=[
            pltpu.VMEM((2, K4C), jnp.int32),
            pltpu.VMEM((2, K4C), jnp.int32),
            pltpu.VMEM((K4C // 4, 128), F32),
            pltpu.VMEM((K4C // 4, 128), F32),
            pltpu.VMEM((K4C, DIM), F32),
            pltpu.VMEM((K4C, DIM), F32),
            pltpu.VMEM((ZCH4, DIM), F32),
            pltpu.VMEM_SHARED((NPAD, DIM), F32),
            pltpu.SemaphoreType.DMA,
            pltpu.SemaphoreType.DMA,
            pltpu.SemaphoreType.DMA,
            pltpu.SemaphoreType.DMA,
        ],
    )
    return kfn(eo, idxp)


def _k5_body(sp_ref, cp_ref, nxu_ref, x_ref, batch_ref,
             wn1a_ref, wn2_ref, bn2_ref, wn3_ref, bn3_ref,
             xo_ref, bacc_ref):
    nsum = sp_ref[0, :, :] + sp_ref[1, :, :]
    cnt = cp_ref[0, :, 0:1] + cp_ref[1, :, 0:1]
    pooled = nsum / jnp.maximum(cnt, 1.0)
    h = _relu(_dot(pooled, wn1a_ref[...]) + nxu_ref[...])
    h2 = _relu(_dot(h, wn2_ref[...]) + bn2_ref[...])
    xo = _dot(h2, wn3_ref[...]) + bn3_ref[...] + x_ref[...]
    xo_ref[...] = xo

    nb = xo.shape[0]
    iota = lax.broadcasted_iota(jnp.int32, (nb, B), 1)
    oh = (batch_ref[...] == iota).astype(F32)
    ones = jnp.ones((nb, 1), F32)
    zeros = jnp.zeros((nb, 62), F32)
    payload = jnp.concatenate([xo, nsum, cnt, ones, zeros], axis=1)
    contrib = lax.dot_general(oh, payload, (((0,), (0,)), ((), ())),
                              preferred_element_type=F32)
    pid = pl.program_id(0)

    @pl.when(pid == 0)
    def _():
        bacc_ref[...] = contrib

    @pl.when(pid != 0)
    def _():
        bacc_ref[...] = bacc_ref[...] + contrib


def _run_k5(nsum_part, cnt_part, nxu, x, batch2, wn1a, wn2, bn2, wn3, bn3):
    nblocks = N // NBLK
    full = lambda shape: pl.BlockSpec(shape, lambda i: (0,) * len(shape))
    return pl.pallas_call(
        _k5_body,
        grid=(nblocks,),
        in_specs=[
            pl.BlockSpec((NC, NBLK, DIM), lambda i: (0, i, 0)),
            pl.BlockSpec((NC, NBLK, 16), lambda i: (0, i, 0)),
            pl.BlockSpec((NBLK, 64), lambda i: (i, 0)),
            pl.BlockSpec((NBLK, DIM), lambda i: (i, 0)),
            pl.BlockSpec((NBLK, 1), lambda i: (i, 0)),
            full((DIM, 64)), full((64, 64)), full((1, 64)),
            full((64, DIM)), full((1, DIM)),
        ],
        out_specs=[
            pl.BlockSpec((NBLK, DIM), lambda i: (i, 0)),
            pl.BlockSpec((B, 128), lambda i: (0, 0)),
        ],
        out_shape=[
            jax.ShapeDtypeStruct((N, DIM), F32),
            jax.ShapeDtypeStruct((B, 128), F32),
        ],
    )(nsum_part, cnt_part, nxu, x, batch2, wn1a, wn2, bn2, wn3, bn3)


def _k6_body(uh_ref, bacc_ref, u_ref,
             wg1a_ref, wg1b_ref, wg1c_ref, bg1_ref,
             wg2_ref, bg2_ref, wg3_ref, bg3_ref,
             uo_ref):
    bacc = bacc_ref[...]
    x_mean = bacc[:, 0:32] / jnp.maximum(bacc[:, 65:66], 1.0)
    edge_mean = bacc[:, 32:64] / jnp.maximum(bacc[:, 64:65], 1.0)
    h = _relu(_dot(uh_ref[...], wg1a_ref[...]) + _dot(x_mean, wg1b_ref[...])
              + _dot(edge_mean, wg1c_ref[...]) + bg1_ref[...])
    h2 = _relu(_dot(h, wg2_ref[...]) + bg2_ref[...])
    uo_ref[...] = _dot(h2, wg3_ref[...]) + bg3_ref[...] + u_ref[...]


def _run_k6(uh, bacc, u, wg1a, wg1b, wg1c, bg1, wg2, bg2, wg3, bg3):
    return pl.pallas_call(
        _k6_body,
        out_shape=jax.ShapeDtypeStruct((B, DIM), F32),
    )(uh, bacc, u, wg1a, wg1b, wg1c, bg1, wg2, bg2, wg3, bg3)


def kernel(x, edge_index, edge_attr, u, batch, params):
    (wnd1, bnd1), (wnd2, bnd2) = params["node_dense"]
    (wgd1, bgd1), (wgd2, bgd2) = params["global_dense"]
    (we1, be1), (we2, be2) = params["edge_dense"]
    (w1, b1), (w2, b2), (w3, b3) = params["edge_msg"]
    (wn1, bn1), (wn2, bn2), (wn3, bn3) = params["node_msg"]
    (wg1, bg1), (wg2, bg2), (wg3, bg3) = params["global_msg"]

    w1a, w1b, w1c, w1d = w1[0:32], w1[32:64], w1[64:96], w1[96:128]
    wn1a, wn1b, wn1c = wn1[0:32], wn1[32:64], wn1[64:96]
    wg1a, wg1b, wg1c = wg1[0:32], wg1[32:64], wg1[64:96]
    wc = we2 @ w1c
    cc = be2 @ w1c

    eye4 = jnp.eye(4, dtype=F32)
    kd = lambda w: jnp.kron(eye4, w)
    t4 = lambda v: jnp.tile(v, 4)[None, :]

    r2 = lambda v: v[None, :]
    batch2 = batch[:, None]

    tab, nxu, uh = _run_k1(
        x, batch2, u,
        wnd1, r2(bnd1), wnd2, r2(bnd2),
        wgd1, r2(bgd1), wgd2, r2(bgd2),
        w1a, w1b, w1d, r2(b1), wn1b, wn1c, r2(bn1))
    tab2 = tab.reshape(2 * N, 64)

    row = edge_index[0]
    colp = edge_index[1] + N
    idxp = jnp.stack([row.reshape(E // K2C, K2C),
                      colp.reshape(E // K2C, K2C)], axis=1)

    ea4 = edge_attr.reshape(E // 4, 128)
    g4, cnt_part = _run_k2(tab2, idxp)
    eo4 = _run_k3(ea4, g4, kd(we1), t4(be1), kd(wc), t4(cc),
                  kd(w2), t4(b2), kd(w3), t4(b3))
    nsum_part = _run_k4(eo4, idxp)
    xo, bacc = _run_k5(nsum_part, cnt_part, nxu, x, batch2,
                       wn1a, wn2, r2(bn2), wn3, r2(bn3))
    uo = _run_k6(uh, bacc, u, wg1a, wg1b, wg1c, r2(bg1), wg2, r2(bg2), wg3, r2(bg3))
    return xo, eo4.reshape(E, DIM), uo

# --- scband reference (transcript-rebuilt; emitter-appended) ---
"""Pipeline reference for scband-meg-net-block-v3-55851754717351 (READ-ONLY COPY).

The authoritative reference and input builder live on the scoring server;
editing this copy changes nothing except your own understanding.
"""

import jax, jax.numpy as jnp
import numpy as np

N = 50000
E = 800000
B = 256
DIM = 32

def _mlp_params(key, dims):
    ps = []
    for i in range(len(dims) - 1):
        key, k1 = jax.random.split(key)
        W = jax.random.normal(k1, (dims[i], dims[i + 1]), jnp.float32) / np.sqrt(dims[i])
        b = jnp.zeros((dims[i + 1],), jnp.float32)
        ps.append((W, b))
    return ps

def _mlp_apply(ps, x):
    n = len(ps)
    for i, (W, b) in enumerate(ps):
        x = x @ W + b
        if i < n - 1:
            x = jax.nn.relu(x)
    return x

def _scatter_mean(data, idx, num):
    s = jax.ops.segment_sum(data, idx, num_segments=num)
    c = jax.ops.segment_sum(jnp.ones((data.shape[0],), jnp.float32), idx, num_segments=num)
    return s / jnp.clip(c, 1.0)[:, None]

def setup_inputs(seed: int = 0):
    key = jax.random.key(seed)
    ks = jax.random.split(key, 11)
    x = jax.random.normal(ks[0], (N, DIM), jnp.float32)
    edge_index = jax.random.randint(ks[1], (2, E), 0, N, dtype=jnp.int32)
    edge_attr = jax.random.normal(ks[2], (E, DIM), jnp.float32)
    u = jax.random.normal(ks[3], (B, DIM), jnp.float32)
    batch = jnp.sort(jax.random.randint(ks[4], (N,), 0, B, dtype=jnp.int32))
    params = {
        "edge_dense": _mlp_params(ks[5], [DIM, 2 * DIM, DIM]),
        "node_dense": _mlp_params(ks[6], [DIM, 2 * DIM, DIM]),
        "global_dense": _mlp_params(ks[7], [DIM, 2 * DIM, DIM]),
        "edge_msg": _mlp_params(ks[8], [4 * DIM, 2 * DIM, 2 * DIM, DIM]),
        "node_msg": _mlp_params(ks[9], [3 * DIM, 2 * DIM, 2 * DIM, DIM]),
        "global_msg": _mlp_params(ks[10], [3 * DIM, 2 * DIM, 2 * DIM, DIM]),
    }
    return {"x": x, "edge_index": edge_index, "edge_attr": edge_attr, "u": u, "batch": batch, "params": params}

def reference(x, edge_index, edge_attr, u, batch, params):
    # dense blocks
    edge_h = _mlp_apply(params["edge_dense"], edge_attr)
    x_h = _mlp_apply(params["node_dense"], x)
    u_h = _mlp_apply(params["global_dense"], u)
    row, col = edge_index[0], edge_index[1]
    eb = batch[row]
    # edge model (first_block=False -> residual bases are the raw inputs)
    e_in = jnp.concatenate([x_h[row], x_h[col], edge_h, u_h[eb]], axis=1)
    edge_out = _mlp_apply(params["edge_msg"], e_in) + edge_attr
    # node model: scatter_mean of updated edge features onto src nodes (row)
    pooled = _scatter_mean(edge_out, row, N)
    n_in = jnp.concatenate([pooled, x_h, u_h[batch]], axis=1)
    x_out = _mlp_apply(params["node_msg"], n_in) + x
    # global model
    edge_mean = _scatter_mean(edge_out, eb, B)
    x_mean = _scatter_mean(x_out, batch, B)
    g_in = jnp.concatenate([u_h, x_mean, edge_mean], axis=1)
    u_out = _mlp_apply(params["global_msg"], g_in) + u
    return (x_out, edge_out, u_out)

if __name__ == "__main__":
    import jax
    _d = setup_inputs()
    print(jax.jit(kernel)(*tuple(_d.values())))

</pallas_src>

<mosaic_0001>
#map = affine_map<(d0, d1) -> (0, 0)>
#map1 = affine_map<(d0, d1) -> (0, 0, 0)>
module attributes {stable_mosaic.version = 14 : i64} {
  func.func @_k4_body(%arg0: i32, %arg1: i32, %arg2: memref<200000x128xf32, #tpu.memory_space<hbm>>, %arg3: memref<4000x2x200xi32, #tpu.memory_space<hbm>>, %arg4: memref<2x50048x32xf32, #tpu.memory_space<hbm>>, %arg5: memref<2x200xi32, #tpu.memory_space<vmem>>, %arg6: memref<2x200xi32, #tpu.memory_space<vmem>>, %arg7: memref<50x128xf32, #tpu.memory_space<vmem>>, %arg8: memref<50x128xf32, #tpu.memory_space<vmem>>, %arg9: memref<200x32xf32, #tpu.memory_space<vmem>>, %arg10: memref<200x32xf32, #tpu.memory_space<vmem>>, %arg11: memref<136x32xf32, #tpu.memory_space<vmem>>, %arg12: memref<50048x32xf32, #tpu.memory_space<vmem_shared>>, %arg13: memref<!tpu.dma_semaphore, #tpu.memory_space<semaphore_mem>>, %arg14: memref<!tpu.dma_semaphore, #tpu.memory_space<semaphore_mem>>, %arg15: memref<!tpu.dma_semaphore, #tpu.memory_space<semaphore_mem>>, %arg16: memref<!tpu.dma_semaphore, #tpu.memory_space<semaphore_mem>>) attributes {dimension_semantics = [#tpu.dimension_semantics<core_parallel>, #tpu.dimension_semantics<subcore_parallel>], iteration_bounds = array<i64: 2, 16>, scalar_prefetch = 0 : i64, scratch_operands = 12 : i64, tpu.core_type = #tpu.core_type<sc_vector_subcore>, window_params = [{transform_indices = #map}, {transform_indices = #map1}, {transform_indices = #map1}]} {
    %mul3A = arith.constant 16 : i32
    %mul3A_0 = arith.muli %arg0, %mul3A : i32
    %add3A = arith.addi %mul3A_0, %arg1 : i32
    %mul3A_1 = arith.constant 25000 : i32
    %mul3A_2 = arith.muli %add3A, %mul3A_1 : i32
    %multiple_of3A = tpu.assume_multiple %mul3A_2, 8 : i32
    %mul3A_3 = arith.constant 3128 : i32
    %mul3A_4 = arith.muli %arg1, %mul3A_3 : i32
    %multiple_of3A_5 = tpu.assume_multiple %mul3A_4, 8 : i32
    %mul3A_6 = arith.constant 125 : i32
    %mul3A_7 = arith.muli %add3A, %mul3A_6 : i32
    %scan3A = arith.constant 0 : i32
    %scan3A_8 = arith.constant 0 : i32
    %scan3A_9 = arith.constant 136 : i32
    %scan3A_10 = arith.addi %scan3A_8, %scan3A_9 : i32
    %scan3A_11 = arith.constant 1 : i32
    %scan3A_12 = scf.for %scan3A_66 = %scan3A_8 to %scan3A_10 step %scan3A_11 iter_args(%scan3A_67 = %scan3A) -> (i32)  : i32 {
      %broadcast_in_dim3A = arith.constant 0.000000e+00 : f32
      %broadcast_in_dim3A_68 = vector.broadcast %broadcast_in_dim3A : f32 to vector<16xf32>
      %swap3A = arith.index_cast %scan3A_66 : i32 to index
      %swap3A_69 = arith.constant 0 : index
      %swap3A_70 = tpu.vector_load %arg11[%swap3A, %swap3A_69] {strides = array<i32>} : memref<136x32xf32, #tpu.memory_space<vmem>>, vector<1x16xf32>,
      %swap3A_71 = vector.shape_cast %swap3A_70 : vector<1x16xf32> to vector<16xf32>
      %swap3A_72 = vector.shape_cast %broadcast_in_dim3A_68 : vector<16xf32> to vector<1x16xf32>
      tpu.vector_store %arg11[%swap3A, %swap3A_69], %swap3A_72 {strides = array<i32>} : memref<136x32xf32, #tpu.memory_space<vmem>>, vector<1x16xf32>,
      %broadcast_in_dim3A_73 = arith.constant 0.000000e+00 : f32
      %broadcast_in_dim3A_74 = vector.broadcast %broadcast_in_dim3A_73 : f32 to vector<16xf32>
      %swap3A_75 = arith.index_cast %scan3A_66 : i32 to index
      %swap3A_76 = arith.constant 16 : index
      %swap3A_77 = tpu.vector_load %arg11[%swap3A_75, %swap3A_76] {strides = array<i32>} : memref<136x32xf32, #tpu.memory_space<vmem>>, vector<1x16xf32>,
      %swap3A_78 = vector.shape_cast %swap3A_77 : vector<1x16xf32> to vector<16xf32>
      %swap3A_79 = vector.shape_cast %broadcast_in_dim3A_74 : vector<16xf32> to vector<1x16xf32>
      tpu.vector_store %arg11[%swap3A_75, %swap3A_76], %swap3A_79 {strides = array<i32>} : memref<136x32xf32, #tpu.memory_space<vmem>>, vector<1x16xf32>,
      %scan3A_80 = arith.constant 0 : i32
      scf.yield %scan3A_80 : i32
    }
    %scan3A_13 = arith.constant 136 : i32
    %scan3A_14 = arith.constant 0 : i32
    %scan3A_15 = arith.constant 0 : i32
    %scan3A_16 = arith.constant 23 : i32
    %scan3A_17 = arith.addi %scan3A_15, %scan3A_16 : i32
    %scan3A_18 = arith.constant 1 : i32
    %scan3A_19 = scf.for %scan3A_66 = %scan3A_15 to %scan3A_17 step %scan3A_18 iter_args(%scan3A_67 = %scan3A_14) -> (i32)  : i32 {
      %mul3A_68 = arith.constant 136 : i32
      %mul3A_69 = arith.muli %scan3A_66, %mul3A_68 : i32
      %add3A_70 = arith.addi %multiple_of3A_5, %mul3A_69 : i32
      "tpu.region"() ({
        %run_scoped3A = tpu.sem_alloc : memref<!tpu.dma_semaphore, #tpu.memory_space<semaphore_mem>>
        %dma_start3A_72 = arith.constant 0 : i32
        %dma_start3A_73 = tpu.memref_slice %arg12[%add3A_70, %dma_start3A_72] : memref<50048x32xf32, #tpu.memory_space<vmem_shared>> -> memref<136x32xf32, #tpu.memory_space<vmem_shared>>
        %dma_start3A_74 = arith.constant 0 : i32
        %dma_start3A_75 = tpu.memref_slice %arg12[%add3A_70, %dma_start3A_74] : memref<50048x32xf32, #tpu.memory_space<vmem_shared>> -> memref<136x32xf32, #tpu.memory_space<vmem_shared>>
        tpu.enqueue_dma source(%arg11 : memref<136x32xf32, #tpu.memory_space<vmem>>) target(%dma_start3A_75 : memref<136x32xf32, #tpu.memory_space<vmem_shared>>) target_semaphore(%run_scoped3A : memref<!tpu.dma_semaphore, #tpu.memory_space<semaphore_mem>>)
        %dma_wait3A_76 = arith.constant 0 : i32
        %dma_wait3A_77 = tpu.memref_slice %arg12[%add3A_70, %dma_wait3A_76] : memref<50048x32xf32, #tpu.memory_space<vmem_shared>> -> memref<136x32xf32, #tpu.memory_space<vmem_shared>>
        %dma_wait3A_78 = arith.constant 0 : i32
        %dma_wait3A_79 = tpu.memref_slice %arg12[%add3A_70, %dma_wait3A_78] : memref<50048x32xf32, #tpu.memory_space<vmem_shared>> -> memref<136x32xf32, #tpu.memory_space<vmem_shared>>
        tpu.wait_dma2 semaphore(%run_scoped3A : memref<!tpu.dma_semaphore, #tpu.memory_space<semaphore_mem>>) src(%arg11 : memref<136x32xf32, #tpu.memory_space<vmem>>) dst(%dma_wait3A_79 : memref<136x32xf32, #tpu.memory_space<vmem_shared>>)
        tpu.yield
      }) : () -> ()
      %scan3A_71 = arith.constant 0 : i32
      scf.yield %scan3A_71 : i32
    }
    %scan3A_20 = arith.constant 23 : i32
    %barrier3A = arith.constant 0 : index
    tpu.barrier barrier_id(%barrier3A)
    %add3A_21 = arith.constant 0 : i32
    %add3A_22 = arith.addi %mul3A_7, %add3A_21 : i32
    "tpu.region"() ({
      %run_scoped3A = tpu.sem_alloc : memref<!tpu.dma_semaphore, #tpu.memory_space<semaphore_mem>>
      %dma_start3A_66 = arith.constant 0 : i32
      %dma_start3A_67 = arith.constant 0 : i32
      %dma_start3A_68 = tpu.memref_slice %arg3[%add3A_22, %dma_start3A_66, %dma_start3A_67] : memref<4000x2x200xi32, #tpu.memory_space<hbm>> -> memref<1x2x200xi32, #tpu.memory_space<hbm>>
      %dma_start3A_69 = tpu.memref_squeeze %dma_start3A_68 : memref<1x2x200xi32, #tpu.memory_space<hbm>> -> memref<2x200xi32, #tpu.memory_space<hbm>>
      %dma_start3A_70 = arith.constant 0 : i32
      %dma_start3A_71 = arith.constant 0 : i32
      %dma_start3A_72 = tpu.memref_slice %arg3[%add3A_22, %dma_start3A_70, %dma_start3A_71] : memref<4000x2x200xi32, #tpu.memory_space<hbm>> -> memref<1x2x200xi32, #tpu.memory_space<hbm>>
      %dma_start3A_73 = tpu.memref_squeeze %dma_start3A_72 : memref<1x2x200xi32, #tpu.memory_space<hbm>> -> memref<2x200xi32, #tpu.memory_space<hbm>>
      tpu.enqueue_dma source(%dma_start3A_73 : memref<2x200xi32, #tpu.memory_space<hbm>>) target(%arg5 : memref<2x200xi32, #tpu.memory_space<vmem>>) target_semaphore(%run_scoped3A : memref<!tpu.dma_semaphore, #tpu.memory_space<semaphore_mem>>)
      %dma_wait3A_74 = arith.constant 0 : i32
      %dma_wait3A_75 = arith.constant 0 : i32
      %dma_wait3A_76 = tpu.memref_slice %arg3[%add3A_22, %dma_wait3A_74, %dma_wait3A_75] : memref<4000x2x200xi32, #tpu.memory_space<hbm>> -> memref<1x2x200xi32, #tpu.memory_space<hbm>>
      %dma_wait3A_77 = tpu.memref_squeeze %dma_wait3A_76 : memref<1x2x200xi32, #tpu.memory_space<hbm>> -> memref<2x200xi32, #tpu.memory_space<hbm>>
      %dma_wait3A_78 = arith.constant 0 : i32
      %dma_wait3A_79 = arith.constant 0 : i32
      %dma_wait3A_80 = tpu.memref_slice %arg3[%add3A_22, %dma_wait3A_78, %dma_wait3A_79] : memref<4000x2x200xi32, #tpu.memory_space<hbm>> -> memref<1x2x200xi32, #tpu.memory_space<hbm>>
      %dma_wait3A_81 = tpu.memref_squeeze %dma_wait3A_80 : memref<1x2x200xi32, #tpu.memory_space<hbm>> -> memref<2x200xi32, #tpu.memory_space<hbm>>
      tpu.wait_dma2 semaphore(%run_scoped3A : memref<!tpu.dma_semaphore, #tpu.memory_space<semaphore_mem>>) src(%dma_wait3A_81 : memref<2x200xi32, #tpu.memory_space<hbm>>) dst(%arg5 : memref<2x200xi32, #tpu.memory_space<vmem>>)
      tpu.yield
    }) : () -> ()
    %add3A_23 = arith.constant 0 : i32
    %add3A_24 = arith.addi %multiple_of3A, %add3A_23 : i32
    %multiple_of3A_25 = tpu.assume_multiple %add3A_24, 8 : i32
    %jit3A = arith.constant 4 : i32
    %div3A = arith.divsi %multiple_of3A_25, %jit3A : i32
    %sign3A = arith.constant 0 : i32
    %sign3A_26 = arith.cmpi sgt, %multiple_of3A_25, %sign3A : i32
    %sign3A_27 = arith.extui %sign3A_26 : i1 to i32
    %sign3A_28 = arith.constant 0 : i32
    %sign3A_29 = arith.cmpi slt, %multiple_of3A_25, %sign3A_28 : i32
    %sign3A_30 = arith.extui %sign3A_29 : i1 to i32
    %sign3A_31 = arith.subi %sign3A_27, %sign3A_30 : i32
    %sign3A_32 = arith.constant 0 : i32
    %sign3A_33 = arith.cmpi sgt, %jit3A, %sign3A_32 : i32
    %sign3A_34 = arith.extui %sign3A_33 : i1 to i32
    %sign3A_35 = arith.constant 0 : i32
    %sign3A_36 = arith.cmpi slt, %jit3A, %sign3A_35 : i32
    %sign3A_37 = arith.extui %sign3A_36 : i1 to i32
    %sign3A_38 = arith.subi %sign3A_34, %sign3A_37 : i32
    %ne3A = arith.cmpi ne, %sign3A_31, %sign3A_38 : i32
    %rem3A = arith.remsi %multiple_of3A_25, %jit3A : i32
    %ne3A_39 = arith.constant 0 : i32
    %ne3A_40 = arith.cmpi ne, %rem3A, %ne3A_39 : i32
    %and3A = arith.andi %ne3A, %ne3A_40 : i1
    %sub3A = arith.constant 1 : i32
    %sub3A_41 = arith.subi %div3A, %sub3A : i32
    %select_n3A = arith.select %and3A, %sub3A_41, %div3A : i32
    %dma_start3A = arith.constant 0 : i32
    %dma_start3A_42 = tpu.memref_slice %arg2[%select_n3A, %dma_start3A] : memref<200000x128xf32, #tpu.memory_space<hbm>> -> memref<50x128xf32, #tpu.memory_space<hbm>>
    %dma_start3A_43 = arith.constant 0 : i32
    %dma_start3A_44 = tpu.memref_slice %arg2[%select_n3A, %dma_start3A_43] : memref<200000x128xf32, #tpu.memory_space<hbm>> -> memref<50x128xf32, #tpu.memory_space<hbm>>
    tpu.enqueue_dma source(%dma_start3A_44 : memref<50x128xf32, #tpu.memory_space<hbm>>) target(%arg7 : memref<50x128xf32, #tpu.memory_space<vmem>>) target_semaphore(%arg13 : memref<!tpu.dma_semaphore, #tpu.memory_space<semaphore_mem>>)
    %scan3A_45 = arith.constant 0 : i32
    %scan3A_46 = arith.constant 0 : i32
    %scan3A_47 = arith.constant 63 : i32
    %scan3A_48 = arith.addi %scan3A_46, %scan3A_47 : i32
    %scan3A_49 = arith.constant 1 : i32
    %scan3A_50 = scf.for %scan3A_66 = %scan3A_46 to %scan3A_48 step %scan3A_49 iter_args(%scan3A_67 = %scan3A_45) -> (i32)  : i32 {
      %mul3A_68 = arith.constant 2 : i32
      %mul3A_69 = arith.muli %mul3A_68, %scan3A_66 : i32
      %add3A_70 = arith.constant 1 : i32
      %add3A_71 = arith.addi %mul3A_69, %add3A_70 : i32
      %lt3A = arith.constant 125 : i32
      %lt3A_72 = arith.cmpi slt, %add3A_71, %lt3A : i32
      %convert_element_type3A = arith.extui %lt3A_72 : i1 to i32
      %cond3A = arith.constant 0 : i32
      %cond3A_73 = arith.cmpi ne, %convert_element_type3A, %cond3A : i32
      scf.if %cond3A_73 {
        %add3A_135 = arith.constant 1 : i32
        %add3A_136 = arith.addi %mul3A_69, %add3A_135 : i32
        %ge3A = arith.constant 2 : i32
        %ge3A_137 = arith.cmpi sge, %add3A_136, %ge3A : i32
        %convert_element_type3A_138 = arith.extui %ge3A_137 : i1 to i32
        %cond3A_139 = arith.constant 0 : i32
        %cond3A_140 = arith.cmpi ne, %convert_element_type3A_138, %cond3A_139 : i32
        scf.if %cond3A_140 {
          %dma_wait3A_174 = arith.constant 0 : i32
          %dma_wait3A_175 = arith.constant 0 : i32
          %dma_wait3A_176 = tpu.memref_slice %arg6[%dma_wait3A_174, %dma_wait3A_175] : memref<2x200xi32, #tpu.memory_space<vmem>> -> memref<1x200xi32, #tpu.memory_space<vmem>>
          %dma_wait3A_177 = tpu.memref_squeeze %dma_wait3A_176 : memref<1x200xi32, #tpu.memory_space<vmem>> -> memref<200xi32, #tpu.memory_space<vmem>>
          %dma_wait3A_178 = arith.constant 0 : i32
          %dma_wait3A_179 = arith.constant 0 : i32
          %dma_wait3A_180 = tpu.memref_slice %arg12[%dma_wait3A_178, %dma_wait3A_179] : memref<50048x32xf32, #tpu.memory_space<vmem_shared>> -> memref<50048x32xf32, #tpu.memory_space<vmem_shared>>
          tpu.wait_indirect_dma semaphore(%arg16 : memref<!tpu.dma_semaphore, #tpu.memory_space<semaphore_mem>>) src(%arg10 : memref<200x32xf32, #tpu.memory_space<vmem>>) dst(%dma_wait3A_180 : memref<50048x32xf32, #tpu.memory_space<vmem_shared>>)
        } else {
        }
        %add3A_141 = arith.addi %mul3A_7, %add3A_136 : i32
        "tpu.region"() ({
          %run_scoped3A = tpu.sem_alloc : memref<!tpu.dma_semaphore, #tpu.memory_space<semaphore_mem>>
          %dma_start3A_174 = arith.constant 0 : i32
          %dma_start3A_175 = arith.constant 0 : i32
          %dma_start3A_176 = tpu.memref_slice %arg3[%add3A_141, %dma_start3A_174, %dma_start3A_175] : memref<4000x2x200xi32, #tpu.memory_space<hbm>> -> memref<1x2x200xi32, #tpu.memory_space<hbm>>
          %dma_start3A_177 = tpu.memref_squeeze %dma_start3A_176 : memref<1x2x200xi32, #tpu.memory_space<hbm>> -> memref<2x200xi32, #tpu.memory_space<hbm>>
          %dma_start3A_178 = arith.constant 0 : i32
          %dma_start3A_179 = arith.constant 0 : i32
          %dma_start3A_180 = tpu.memref_slice %arg3[%add3A_141, %dma_start3A_178, %dma_start3A_179] : memref<4000x2x200xi32, #tpu.memory_space<hbm>> -> memref<1x2x200xi32, #tpu.memory_space<hbm>>
          %dma_start3A_181 = tpu.memref_squeeze %dma_start3A_180 : memref<1x2x200xi32, #tpu.memory_space<hbm>> -> memref<2x200xi32, #tpu.memory_space<hbm>>
          tpu.enqueue_dma source(%dma_start3A_181 : memref<2x200xi32, #tpu.memory_space<hbm>>) target(%arg6 : memref<2x200xi32, #tpu.memory_space<vmem>>) target_semaphore(%run_scoped3A : memref<!tpu.dma_semaphore, #tpu.memory_space<semaphore_mem>>)
          %dma_wait3A_182 = arith.constant 0 : i32
          %dma_wait3A_183 = arith.constant 0 : i32
          %dma_wait3A_184 = tpu.memref_slice %arg3[%add3A_141, %dma_wait3A_182, %dma_wait3A_183] : memref<4000x2x200xi32, #tpu.memory_space<hbm>> -> memref<1x2x200xi32, #tpu.memory_space<hbm>>
          %dma_wait3A_185 = tpu.memref_squeeze %dma_wait3A_184 : memref<1x2x200xi32, #tpu.memory_space<hbm>> -> memref<2x200xi32, #tpu.memory_space<hbm>>
          %dma_wait3A_186 = arith.constant 0 : i32
          %dma_wait3A_187 = arith.constant 0 : i32
          %dma_wait3A_188 = tpu.memref_slice %arg3[%add3A_141, %dma_wait3A_186, %dma_wait3A_187] : memref<4000x2x200xi32, #tpu.memory_space<hbm>> -> memref<1x2x200xi32, #tpu.memory_space<hbm>>
          %dma_wait3A_189 = tpu.memref_squeeze %dma_wait3A_188 : memref<1x2x200xi32, #tpu.memory_space<hbm>> -> memref<2x200xi32, #tpu.memory_space<hbm>>
          tpu.wait_dma2 semaphore(%run_scoped3A : memref<!tpu.dma_semaphore, #tpu.memory_space<semaphore_mem>>) src(%dma_wait3A_189 : memref<2x200xi32, #tpu.memory_space<hbm>>) dst(%arg6 : memref<2x200xi32, #tpu.memory_space<vmem>>)
          tpu.yield
        }) : () -> ()
        %mul3A_142 = arith.constant 200 : i32
        %mul3A_143 = arith.muli %add3A_136, %mul3A_142 : i32
        %add3A_144 = arith.addi %multiple_of3A, %mul3A_143 : i32
        %multiple_of3A_145 = tpu.assume_multiple %add3A_144, 8 : i32
        %jit3A_146 = arith.constant 4 : i32
        %div3A_147 = arith.divsi %multiple_of3A_145, %jit3A_146 : i32
        %sign3A_148 = arith.constant 0 : i32
        %sign3A_149 = arith.cmpi sgt, %multiple_of3A_145, %sign3A_148 : i32
        %sign3A_150 = arith.extui %sign3A_149 : i1 to i32
        %sign3A_151 = arith.constant 0 : i32
        %sign3A_152 = arith.cmpi slt, %multiple_of3A_145, %sign3A_151 : i32
        %sign3A_153 = arith.extui %sign3A_152 : i1 to i32
        %sign3A_154 = arith.subi %sign3A_150, %sign3A_153 : i32
        %sign3A_155 = arith.constant 0 : i32
        %sign3A_156 = arith.cmpi sgt, %jit3A_146, %sign3A_155 : i32
        %sign3A_157 = arith.extui %sign3A_156 : i1 to i32
        %sign3A_158 = arith.constant 0 : i32
        %sign3A_159 = arith.cmpi slt, %jit3A_146, %sign3A_158 : i32
        %sign3A_160 = arith.extui %sign3A_159 : i1 to i32
        %sign3A_161 = arith.subi %sign3A_157, %sign3A_160 : i32
        %ne3A_162 = arith.cmpi ne, %sign3A_154, %sign3A_161 : i32
        %rem3A_163 = arith.remsi %multiple_of3A_145, %jit3A_146 : i32
        %ne3A_164 = arith.constant 0 : i32
        %ne3A_165 = arith.cmpi ne, %rem3A_163, %ne3A_164 : i32
        %and3A_166 = arith.andi %ne3A_162, %ne3A_165 : i1
        %sub3A_167 = arith.constant 1 : i32
        %sub3A_168 = arith.subi %div3A_147, %sub3A_167 : i32
        %select_n3A_169 = arith.select %and3A_166, %sub3A_168, %div3A_147 : i32
        %dma_start3A_170 = arith.constant 0 : i32
        %dma_start3A_171 = tpu.memref_slice %arg2[%select_n3A_169, %dma_start3A_170] : memref<200000x128xf32, #tpu.memory_space<hbm>> -> memref<50x128xf32, #tpu.memory_space<hbm>>
        %dma_start3A_172 = arith.constant 0 : i32
        %dma_start3A_173 = tpu.memref_slice %arg2[%select_n3A_169, %dma_start3A_172] : memref<200000x128xf32, #tpu.memory_space<hbm>> -> memref<50x128xf32, #tpu.memory_space<hbm>>
        tpu.enqueue_dma source(%dma_start3A_173 : memref<50x128xf32, #tpu.memory_space<hbm>>) target(%arg8 : memref<50x128xf32, #tpu.memory_space<vmem>>) target_semaphore(%arg14 : memref<!tpu.dma_semaphore, #tpu.memory_space<semaphore_mem>>)
      } else {
      }
      %mul3A_74 = arith.constant 200 : i32
      %mul3A_75 = arith.muli %mul3A_69, %mul3A_74 : i32
      %add3A_76 = arith.addi %multiple_of3A, %mul3A_75 : i32
      %multiple_of3A_77 = tpu.assume_multiple %add3A_76, 8 : i32
      %jit3A_78 = arith.constant 4 : i32
      %div3A_79 = arith.divsi %multiple_of3A_77, %jit3A_78 : i32
      %sign3A_80 = arith.constant 0 : i32
      %sign3A_81 = arith.cmpi sgt, %multiple_of3A_77, %sign3A_80 : i32
      %sign3A_82 = arith.extui %sign3A_81 : i1 to i32
      %sign3A_83 = arith.constant 0 : i32
      %sign3A_84 = arith.cmpi slt, %multiple_of3A_77, %sign3A_83 : i32
      %sign3A_85 = arith.extui %sign3A_84 : i1 to i32
      %sign3A_86 = arith.subi %sign3A_82, %sign3A_85 : i32
      %sign3A_87 = arith.constant 0 : i32
      %sign3A_88 = arith.cmpi sgt, %jit3A_78, %sign3A_87 : i32
      %sign3A_89 = arith.extui %sign3A_88 : i1 to i32
      %sign3A_90 = arith.constant 0 : i32
      %sign3A_91 = arith.cmpi slt, %jit3A_78, %sign3A_90 : i32
      %sign3A_92 = arith.extui %sign3A_91 : i1 to i32
      %sign3A_93 = arith.subi %sign3A_89, %sign3A_92 : i32
      %ne3A_94 = arith.cmpi ne, %sign3A_86, %sign3A_93 : i32
      %rem3A_95 = arith.remsi %multiple_of3A_77, %jit3A_78 : i32
      %ne3A_96 = arith.constant 0 : i32
      %ne3A_97 = arith.cmpi ne, %rem3A_95, %ne3A_96 : i32
      %and3A_98 = arith.andi %ne3A_94, %ne3A_97 : i1
      %sub3A_99 = arith.constant 1 : i32
      %sub3A_100 = arith.subi %div3A_79, %sub3A_99 : i32
      %select_n3A_101 = arith.select %and3A_98, %sub3A_100, %div3A_79 : i32
      %dma_wait3A_102 = arith.constant 0 : i32
      %dma_wait3A_103 = tpu.memref_slice %arg2[%select_n3A_101, %dma_wait3A_102] : memref<200000x128xf32, #tpu.memory_space<hbm>> -> memref<50x128xf32, #tpu.memory_space<hbm>>
      %dma_wait3A_104 = arith.constant 0 : i32
      %dma_wait3A_105 = tpu.memref_slice %arg2[%select_n3A_101, %dma_wait3A_104] : memref<200000x128xf32, #tpu.memory_space<hbm>> -> memref<50x128xf32, #tpu.memory_space<hbm>>
      tpu.wait_dma2 semaphore(%arg13 : memref<!tpu.dma_semaphore, #tpu.memory_space<semaphore_mem>>) src(%dma_wait3A_105 : memref<50x128xf32, #tpu.memory_space<hbm>>) dst(%arg7 : memref<50x128xf32, #tpu.memory_space<vmem>>)
      %scan3A_106 = arith.constant 0 : i32
      %scan3A_107 = arith.constant 0 : i32
      %scan3A_108 = arith.constant 50 : i32
      %scan3A_109 = arith.addi %scan3A_107, %scan3A_108 : i32
      %scan3A_110 = arith.constant 1 : i32
      %scan3A_111 = scf.for %scan3A_135 = %scan3A_107 to %scan3A_109 step %scan3A_110 iter_args(%scan3A_136 = %scan3A_106) -> (i32)  : i32 {
        %get3A = arith.index_cast %scan3A_135 : i32 to index
        %get3A_137 = arith.constant 0 : index
        %get3A_138 = tpu.vector_load %arg7[%get3A, %get3A_137] {strides = array<i32>} : memref<50x128xf32, #tpu.memory_space<vmem>>, vector<1x16xf32>,
        %get3A_139 = vector.shape_cast %get3A_138 : vector<1x16xf32> to vector<16xf32>
        %mul3A_140 = arith.constant 4 : i32
        %mul3A_141 = arith.muli %mul3A_140, %scan3A_135 : i32
        %add3A_142 = arith.constant 0 : i32
        %add3A_143 = arith.addi %mul3A_141, %add3A_142 : i32
        %swap3A = arith.index_cast %add3A_143 : i32 to index
        %swap3A_144 = arith.constant 0 : index
        %swap3A_145 = tpu.vector_load %arg9[%swap3A, %swap3A_144] {strides = array<i32>} : memref<200x32xf32, #tpu.memory_space<vmem>>, vector<1x16xf32>,
        %swap3A_146 = vector.shape_cast %swap3A_145 : vector<1x16xf32> to vector<16xf32>
        %swap3A_147 = vector.shape_cast %get3A_139 : vector<16xf32> to vector<1x16xf32>
        tpu.vector_store %arg9[%swap3A, %swap3A_144], %swap3A_147 {strides = array<i32>} : memref<200x32xf32, #tpu.memory_space<vmem>>, vector<1x16xf32>,
        %get3A_148 = arith.index_cast %scan3A_135 : i32 to index
        %get3A_149 = arith.constant 16 : index
        %get3A_150 = tpu.vector_load %arg7[%get3A_148, %get3A_149] {strides = array<i32>} : memref<50x128xf32, #tpu.memory_space<vmem>>, vector<1x16xf32>,
        %get3A_151 = vector.shape_cast %get3A_150 : vector<1x16xf32> to vector<16xf32>
        %mul3A_152 = arith.constant 4 : i32
        %mul3A_153 = arith.muli %mul3A_152, %scan3A_135 : i32
        %add3A_154 = arith.constant 0 : i32
        %add3A_155 = arith.addi %mul3A_153, %add3A_154 : i32
        %swap3A_156 = arith.index_cast %add3A_155 : i32 to index
        %swap3A_157 = arith.constant 16 : index
        %swap3A_158 = tpu.vector_load %arg9[%swap3A_156, %swap3A_157] {strides = array<i32>} : memref<200x32xf32, #tpu.memory_space<vmem>>, vector<1x16xf32>,
        %swap3A_159 = vector.shape_cast %swap3A_158 : vector<1x16xf32> to vector<16xf32>
        %swap3A_160 = vector.shape_cast %get3A_151 : vector<16xf32> to vector<1x16xf32>
        tpu.vector_store %arg9[%swap3A_156, %swap3A_157], %swap3A_160 {strides = array<i32>} : memref<200x32xf32, #tpu.memory_space<vmem>>, vector<1x16xf32>,
        %get3A_161 = arith.index_cast %scan3A_135 : i32 to index
        %get3A_162 = arith.constant 32 : index
        %get3A_163 = tpu.vector_load %arg7[%get3A_161, %get3A_162] {strides = array<i32>} : memref<50x128xf32, #tpu.memory_space<vmem>>, vector<1x16xf32>,
        %get3A_164 = vector.shape_cast %get3A_163 : vector<1x16xf32> to vector<16xf32>
        %mul3A_165 = arith.constant 4 : i32
        %mul3A_166 = arith.muli %mul3A_165, %scan3A_135 : i32
        %add3A_167 = arith.constant 1 : i32
        %add3A_168 = arith.addi %mul3A_166, %add3A_167 : i32
        %swap3A_169 = arith.index_cast %add3A_168 : i32 to index
        %swap3A_170 = arith.constant 0 : index
        %swap3A_171 = tpu.vector_load %arg9[%swap3A_169, %swap3A_170] {strides = array<i32>} : memref<200x32xf32, #tpu.memory_space<vmem>>, vector<1x16xf32>,
        %swap3A_172 = vector.shape_cast %swap3A_171 : vector<1x16xf32> to vector<16xf32>
        %swap3A_173 = vector.shape_cast %get3A_164 : vector<16xf32> to vector<1x16xf32>
        tpu.vector_store %arg9[%swap3A_169, %swap3A_170], %swap3A_173 {strides = array<i32>} : memref<200x32xf32, #tpu.memory_space<vmem>>, vector<1x16xf32>,
        %get3A_174 = arith.index_cast %scan3A_135 : i32 to index
        %get3A_175 = arith.constant 48 : index
        %get3A_176 = tpu.vector_load %arg7[%get3A_174, %get3A_175] {strides = array<i32>} : memref<50x128xf32, #tpu.memory_space<vmem>>, vector<1x16xf32>,
        %get3A_177 = vector.shape_cast %get3A_176 : vector<1x16xf32> to vector<16xf32>
        %mul3A_178 = arith.constant 4 : i32
        %mul3A_179 = arith.muli %mul3A_178, %scan3A_135 : i32
        %add3A_180 = arith.constant 1 : i32
        %add3A_181 = arith.addi %mul3A_179, %add3A_180 : i32
        %swap3A_182 = arith.index_cast %add3A_181 : i32 to index
        %swap3A_183 = arith.constant 16 : index
        %swap3A_184 = tpu.vector_load %arg9[%swap3A_182, %swap3A_183] {strides = array<i32>} : memref<200x32xf32, #tpu.memory_space<vmem>>, vector<1x16xf32>,
        %swap3A_185 = vector.shape_cast %swap3A_184 : vector<1x16xf32> to vector<16xf32>
        %swap3A_186 = vector.shape_cast %get3A_177 : vector<16xf32> to vector<1x16xf32>
        tpu.vector_store %arg9[%swap3A_182, %swap3A_183], %swap3A_186 {strides = array<i32>} : memref<200x32xf32, #tpu.memory_space<vmem>>, vector<1x16xf32>,
        %get3A_187 = arith.index_cast %scan3A_135 : i32 to index
        %get3A_188 = arith.constant 64 : index
        %get3A_189 = tpu.vector_load %arg7[%get3A_187, %get3A_188] {strides = array<i32>} : memref<50x128xf32, #tpu.memory_space<vmem>>, vector<1x16xf32>,
        %get3A_190 = vector.shape_cast %get3A_189 : vector<1x16xf32> to vector<16xf32>
        %mul3A_191 = arith.constant 4 : i32
        %mul3A_192 = arith.muli %mul3A_191, %scan3A_135 : i32
        %add3A_193 = arith.constant 2 : i32
        %add3A_194 = arith.addi %mul3A_192, %add3A_193 : i32
        %swap3A_195 = arith.index_cast %add3A_194 : i32 to index
        %swap3A_196 = arith.constant 0 : index
        %swap3A_197 = tpu.vector_load %arg9[%swap3A_195, %swap3A_196] {strides = array<i32>} : memref<200x32xf32, #tpu.memory_space<vmem>>, vector<1x16xf32>,
        %swap3A_198 = vector.shape_cast %swap3A_197 : vector<1x16xf32> to vector<16xf32>
        %swap3A_199 = vector.shape_cast %get3A_190 : vector<16xf32> to vector<1x16xf32>
        tpu.vector_store %arg9[%swap3A_195, %swap3A_196], %swap3A_199 {strides = array<i32>} : memref<200x32xf32, #tpu.memory_space<vmem>>, vector<1x16xf32>,
        %get3A_200 = arith.index_cast %scan3A_135 : i32 to index
        %get3A_201 = arith.constant 80 : index
        %get3A_202 = tpu.vector_load %arg7[%get3A_200, %get3A_201] {strides = array<i32>} : memref<50x128xf32, #tpu.memory_space<vmem>>, vector<1x16xf32>,
        %get3A_203 = vector.shape_cast %get3A_202 : vector<1x16xf32> to vector<16xf32>
        %mul3A_204 = arith.constant 4 : i32
        %mul3A_205 = arith.muli %mul3A_204, %scan3A_135 : i32
        %add3A_206 = arith.constant 2 : i32
        %add3A_207 = arith.addi %mul3A_205, %add3A_206 : i32
        %swap3A_208 = arith.index_cast %add3A_207 : i32 to index
        %swap3A_209 = arith.constant 16 : index
        %swap3A_210 = tpu.vector_load %arg9[%swap3A_208, %swap3A_209] {strides = array<i32>} : memref<200x32xf32, #tpu.memory_space<vmem>>, vector<1x16xf32>,
        %swap3A_211 = vector.shape_cast %swap3A_210 : vector<1x16xf32> to vector<16xf32>
        %swap3A_212 = vector.shape_cast %get3A_203 : vector<16xf32> to vector<1x16xf32>
        tpu.vector_store %arg9[%swap3A_208, %swap3A_209], %swap3A_212 {strides = array<i32>} : memref<200x32xf32, #tpu.memory_space<vmem>>, vector<1x16xf32>,
        %get3A_213 = arith.index_cast %scan3A_135 : i32 to index
        %get3A_214 = arith.constant 96 : index
        %get3A_215 = tpu.vector_load %arg7[%get3A_213, %get3A_214] {strides = array<i32>} : memref<50x128xf32, #tpu.memory_space<vmem>>, vector<1x16xf32>,
        %get3A_216 = vector.shape_cast %get3A_215 : vector<1x16xf32> to vector<16xf32>
        %mul3A_217 = arith.constant 4 : i32
        %mul3A_218 = arith.muli %mul3A_217, %scan3A_135 : i32
        %add3A_219 = arith.constant 3 : i32
        %add3A_220 = arith.addi %mul3A_218, %add3A_219 : i32
        %swap3A_221 = arith.index_cast %add3A_220 : i32 to index
        %swap3A_222 = arith.constant 0 : index
        %swap3A_223 = tpu.vector_load %arg9[%swap3A_221, %swap3A_222] {strides = array<i32>} : memref<200x32xf32, #tpu.memory_space<vmem>>, vector<1x16xf32>,
        %swap3A_224 = vector.shape_cast %swap3A_223 : vector<1x16xf32> to vector<16xf32>
        %swap3A_225 = vector.shape_cast %get3A_216 : vector<16xf32> to vector<1x16xf32>
        tpu.vector_store %arg9[%swap3A_221, %swap3A_222], %swap3A_225 {strides = array<i32>} : memref<200x32xf32, #tpu.memory_space<vmem>>, vector<1x16xf32>,
        %get3A_226 = arith.index_cast %scan3A_135 : i32 to index
        %get3A_227 = arith.constant 112 : index
        %get3A_228 = tpu.vector_load %arg7[%get3A_226, %get3A_227] {strides = array<i32>} : memref<50x128xf32, #tpu.memory_space<vmem>>, vector<1x16xf32>,
        %get3A_229 = vector.shape_cast %get3A_228 : vector<1x16xf32> to vector<16xf32>
        %mul3A_230 = arith.constant 4 : i32
        %mul3A_231 = arith.muli %mul3A_230, %scan3A_135 : i32
        %add3A_232 = arith.constant 3 : i32
        %add3A_233 = arith.addi %mul3A_231, %add3A_232 : i32
        %swap3A_234 = arith.index_cast %add3A_233 : i32 to index
        %swap3A_235 = arith.constant 16 : index
        %swap3A_236 = tpu.vector_load %arg9[%swap3A_234, %swap3A_235] {strides = array<i32>} : memref<200x32xf32, #tpu.memory_space<vmem>>, vector<1x16xf32>,
        %swap3A_237 = vector.shape_cast %swap3A_236 : vector<1x16xf32> to vector<16xf32>
        %swap3A_238 = vector.shape_cast %get3A_229 : vector<16xf32> to vector<1x16xf32>
        tpu.vector_store %arg9[%swap3A_234, %swap3A_235], %swap3A_238 {strides = array<i32>} : memref<200x32xf32, #tpu.memory_space<vmem>>, vector<1x16xf32>,
        %scan3A_239 = arith.constant 0 : i32
        scf.yield %scan3A_239 : i32
      }
      %scan3A_112 = arith.constant 50 : i32
      %dma_start3A_113 = arith.constant 0 : i32
      %dma_start3A_114 = arith.constant 0 : i32
      %dma_start3A_115 = tpu.memref_slice %arg5[%dma_start3A_113, %dma_start3A_114] : memref<2x200xi32, #tpu.memory_space<vmem>> -> memref<1x200xi32, #tpu.memory_space<vmem>>
      %dma_start3A_116 = tpu.memref_squeeze %dma_start3A_115 : memref<1x200xi32, #tpu.memory_space<vmem>> -> memref<200xi32, #tpu.memory_space<vmem>>
      %dma_start3A_117 = arith.constant 0 : i32
      %dma_start3A_118 = arith.constant 0 : i32
      %dma_start3A_119 = tpu.memref_slice %arg12[%dma_start3A_117, %dma_start3A_118] : memref<50048x32xf32, #tpu.memory_space<vmem_shared>> -> memref<50048x32xf32, #tpu.memory_space<vmem_shared>>
      tpu.enqueue_indirect_dma source(%arg9 : memref<200x32xf32, #tpu.memory_space<vmem>>) target(%dma_start3A_119 : memref<50048x32xf32, #tpu.memory_space<vmem_shared>>) offsets(%dma_start3A_116 : memref<200xi32, #tpu.memory_space<vmem>>) semaphore(%arg15 : memref<!tpu.dma_semaphore, #tpu.memory_space<semaphore_mem>>) {add = true}
      %add3A_120 = arith.constant 2 : i32
      %add3A_121 = arith.addi %mul3A_69, %add3A_120 : i32
      %lt3A_122 = arith.constant 125 : i32
      %lt3A_123 = arith.cmpi slt, %add3A_121, %lt3A_122 : i32
      %convert_element_type3A_124 = arith.extui %lt3A_123 : i1 to i32
      %cond3A_125 = arith.constant 0 : i32
      %cond3A_126 = arith.cmpi ne, %convert_element_type3A_124, %cond3A_125 : i32
      scf.if %cond3A_126 {
        %add3A_135 = arith.constant 2 : i32
        %add3A_136 = arith.addi %mul3A_69, %add3A_135 : i32
        %ge3A = arith.constant 2 : i32
        %ge3A_137 = arith.cmpi sge, %add3A_136, %ge3A : i32
        %convert_element_type3A_138 = arith.extui %ge3A_137 : i1 to i32
        %cond3A_139 = arith.constant 0 : i32
        %cond3A_140 = arith.cmpi ne, %convert_element_type3A_138, %cond3A_139 : i32
        scf.if %cond3A_140 {
          %dma_wait3A_174 = arith.constant 0 : i32
          %dma_wait3A_175 = arith.constant 0 : i32
          %dma_wait3A_176 = tpu.memref_slice %arg5[%dma_wait3A_174, %dma_wait3A_175] : memref<2x200xi32, #tpu.memory_space<vmem>> -> memref<1x200xi32, #tpu.memory_space<vmem>>
          %dma_wait3A_177 = tpu.memref_squeeze %dma_wait3A_176 : memref<1x200xi32, #tpu.memory_space<vmem>> -> memref<200xi32, #tpu.memory_space<vmem>>
          %dma_wait3A_178 = arith.constant 0 : i32
          %dma_wait3A_179 = arith.constant 0 : i32
          %dma_wait3A_180 = tpu.memref_slice %arg12[%dma_wait3A_178, %dma_wait3A_179] : memref<50048x32xf32, #tpu.memory_space<vmem_shared>> -> memref<50048x32xf32, #tpu.memory_space<vmem_shared>>
          tpu.wait_indirect_dma semaphore(%arg15 : memref<!tpu.dma_semaphore, #tpu.memory_space<semaphore_mem>>) src(%arg9 : memref<200x32xf32, #tpu.memory_space<vmem>>) dst(%dma_wait3A_180 : memref<50048x32xf32, #tpu.memory_space<vmem_shared>>)
        } else {
        }
        %add3A_141 = arith.addi %mul3A_7, %add3A_136 : i32
        "tpu.region"() ({
          %run_scoped3A = tpu.sem_alloc : memref<!tpu.dma_semaphore, #tpu.memory_space<semaphore_mem>>
          %dma_start3A_174 = arith.constant 0 : i32
          %dma_start3A_175 = arith.constant 0 : i32
          %dma_start3A_176 = tpu.memref_slice %arg3[%add3A_141, %dma_start3A_174, %dma_start3A_175] : memref<4000x2x200xi32, #tpu.memory_space<hbm>> -> memref<1x2x200xi32, #tpu.memory_space<hbm>>
          %dma_start3A_177 = tpu.memref_squeeze %dma_start3A_176 : memref<1x2x200xi32, #tpu.memory_space<hbm>> -> memref<2x200xi32, #tpu.memory_space<hbm>>
          %dma_start3A_178 = arith.constant 0 : i32
          %dma_start3A_179 = arith.constant 0 : i32
          %dma_start3A_180 = tpu.memref_slice %arg3[%add3A_141, %dma_start3A_178, %dma_start3A_179] : memref<4000x2x200xi32, #tpu.memory_space<hbm>> -> memref<1x2x200xi32, #tpu.memory_space<hbm>>
          %dma_start3A_181 = tpu.memref_squeeze %dma_start3A_180 : memref<1x2x200xi32, #tpu.memory_space<hbm>> -> memref<2x200xi32, #tpu.memory_space<hbm>>
          tpu.enqueue_dma source(%dma_start3A_181 : memref<2x200xi32, #tpu.memory_space<hbm>>) target(%arg5 : memref<2x200xi32, #tpu.memory_space<vmem>>) target_semaphore(%run_scoped3A : memref<!tpu.dma_semaphore, #tpu.memory_space<semaphore_mem>>)
          %dma_wait3A_182 = arith.constant 0 : i32
          %dma_wait3A_183 = arith.constant 0 : i32
          %dma_wait3A_184 = tpu.memref_slice %arg3[%add3A_141, %dma_wait3A_182, %dma_wait3A_183] : memref<4000x2x200xi32, #tpu.memory_space<hbm>> -> memref<1x2x200xi32, #tpu.memory_space<hbm>>
          %dma_wait3A_185 = tpu.memref_squeeze %dma_wait3A_184 : memref<1x2x200xi32, #tpu.memory_space<hbm>> -> memref<2x200xi32, #tpu.memory_space<hbm>>
          %dma_wait3A_186 = arith.constant 0 : i32
          %dma_wait3A_187 = arith.constant 0 : i32
          %dma_wait3A_188 = tpu.memref_slice %arg3[%add3A_141, %dma_wait3A_186, %dma_wait3A_187] : memref<4000x2x200xi32, #tpu.memory_space<hbm>> -> memref<1x2x200xi32, #tpu.memory_space<hbm>>
          %dma_wait3A_189 = tpu.memref_squeeze %dma_wait3A_188 : memref<1x2x200xi32, #tpu.memory_space<hbm>> -> memref<2x200xi32, #tpu.memory_space<hbm>>
          tpu.wait_dma2 semaphore(%run_scoped3A : memref<!tpu.dma_semaphore, #tpu.memory_space<semaphore_mem>>) src(%dma_wait3A_189 : memref<2x200xi32, #tpu.memory_space<hbm>>) dst(%arg5 : memref<2x200xi32, #tpu.memory_space<vmem>>)
          tpu.yield
        }) : () -> ()
        %mul3A_142 = arith.constant 200 : i32
        %mul3A_143 = arith.muli %add3A_136, %mul3A_142 : i32
        %add3A_144 = arith.addi %multiple_of3A, %mul3A_143 : i32
        %multiple_of3A_145 = tpu.assume_multiple %add3A_144, 8 : i32
        %jit3A_146 = arith.constant 4 : i32
        %div3A_147 = arith.divsi %multiple_of3A_145, %jit3A_146 : i32
        %sign3A_148 = arith.constant 0 : i32
        %sign3A_149 = arith.cmpi sgt, %multiple_of3A_145, %sign3A_148 : i32
        %sign3A_150 = arith.extui %sign3A_149 : i1 to i32
        %sign3A_151 = arith.constant 0 : i32
        %sign3A_152 = arith.cmpi slt, %multiple_of3A_145, %sign3A_151 : i32
        %sign3A_153 = arith.extui %sign3A_152 : i1 to i32
        %sign3A_154 = arith.subi %sign3A_150, %sign3A_153 : i32
        %sign3A_155 = arith.constant 0 : i32
        %sign3A_156 = arith.cmpi sgt, %jit3A_146, %sign3A_155 : i32
        %sign3A_157 = arith.extui %sign3A_156 : i1 to i32
        %sign3A_158 = arith.constant 0 : i32
        %sign3A_159 = arith.cmpi slt, %jit3A_146, %sign3A_158 : i32
        %sign3A_160 = arith.extui %sign3A_159 : i1 to i32
        %sign3A_161 = arith.subi %sign3A_157, %sign3A_160 : i32
        %ne3A_162 = arith.cmpi ne, %sign3A_154, %sign3A_161 : i32
        %rem3A_163 = arith.remsi %multiple_of3A_145, %jit3A_146 : i32
        %ne3A_164 = arith.constant 0 : i32
        %ne3A_165 = arith.cmpi ne, %rem3A_163, %ne3A_164 : i32
        %and3A_166 = arith.andi %ne3A_162, %ne3A_165 : i1
        %sub3A_167 = arith.constant 1 : i32
        %sub3A_168 = arith.subi %div3A_147, %sub3A_167 : i32
        %select_n3A_169 = arith.select %and3A_166, %sub3A_168, %div3A_147 : i32
        %dma_start3A_170 = arith.constant 0 : i32
        %dma_start3A_171 = tpu.memref_slice %arg2[%select_n3A_169, %dma_start3A_170] : memref<200000x128xf32, #tpu.memory_space<hbm>> -> memref<50x128xf32, #tpu.memory_space<hbm>>
        %dma_start3A_172 = arith.constant 0 : i32
        %dma_start3A_173 = tpu.memref_slice %arg2[%select_n3A_169, %dma_start3A_172] : memref<200000x128xf32, #tpu.memory_space<hbm>> -> memref<50x128xf32, #tpu.memory_space<hbm>>
        tpu.enqueue_dma source(%dma_start3A_173 : memref<50x128xf32, #tpu.memory_space<hbm>>) target(%arg7 : memref<50x128xf32, #tpu.memory_space<vmem>>) target_semaphore(%arg13 : memref<!tpu.dma_semaphore, #tpu.memory_space<semaphore_mem>>)
      } else {
      }
      %add3A_127 = arith.constant 1 : i32
      %add3A_128 = arith.addi %mul3A_69, %add3A_127 : i32
      %lt3A_129 = arith.constant 125 : i32
      %lt3A_130 = arith.cmpi slt, %add3A_128, %lt3A_129 : i32
      %convert_element_type3A_131 = arith.extui %lt3A_130 : i1 to i32
      %cond3A_132 = arith.constant 0 : i32
      %cond3A_133 = arith.cmpi ne, %convert_element_type3A_131, %cond3A_132 : i32
      scf.if %cond3A_133 {
        %add3A_135 = arith.constant 1 : i32
        %add3A_136 = arith.addi %mul3A_69, %add3A_135 : i32
        %mul3A_137 = arith.constant 200 : i32
        %mul3A_138 = arith.muli %add3A_136, %mul3A_137 : i32
        %add3A_139 = arith.addi %multiple_of3A, %mul3A_138 : i32
        %multiple_of3A_140 = tpu.assume_multiple %add3A_139, 8 : i32
        %jit3A_141 = arith.constant 4 : i32
        %div3A_142 = arith.divsi %multiple_of3A_140, %jit3A_141 : i32
        %sign3A_143 = arith.constant 0 : i32
        %sign3A_144 = arith.cmpi sgt, %multiple_of3A_140, %sign3A_143 : i32
        %sign3A_145 = arith.extui %sign3A_144 : i1 to i32
        %sign3A_146 = arith.constant 0 : i32
        %sign3A_147 = arith.cmpi slt, %multiple_of3A_140, %sign3A_146 : i32
        %sign3A_148 = arith.extui %sign3A_147 : i1 to i32
        %sign3A_149 = arith.subi %sign3A_145, %sign3A_148 : i32
        %sign3A_150 = arith.constant 0 : i32
        %sign3A_151 = arith.cmpi sgt, %jit3A_141, %sign3A_150 : i32
        %sign3A_152 = arith.extui %sign3A_151 : i1 to i32
        %sign3A_153 = arith.constant 0 : i32
        %sign3A_154 = arith.cmpi slt, %jit3A_141, %sign3A_153 : i32
        %sign3A_155 = arith.extui %sign3A_154 : i1 to i32
        %sign3A_156 = arith.subi %sign3A_152, %sign3A_155 : i32
        %ne3A_157 = arith.cmpi ne, %sign3A_149, %sign3A_156 : i32
        %rem3A_158 = arith.remsi %multiple_of3A_140, %jit3A_141 : i32
        %ne3A_159 = arith.constant 0 : i32
        %ne3A_160 = arith.cmpi ne, %rem3A_158, %ne3A_159 : i32
        %and3A_161 = arith.andi %ne3A_157, %ne3A_160 : i1
        %sub3A_162 = arith.constant 1 : i32
        %sub3A_163 = arith.subi %div3A_142, %sub3A_162 : i32
        %select_n3A_164 = arith.select %and3A_161, %sub3A_163, %div3A_142 : i32
        %dma_wait3A_165 = arith.constant 0 : i32
        %dma_wait3A_166 = tpu.memref_slice %arg2[%select_n3A_164, %dma_wait3A_165] : memref<200000x128xf32, #tpu.memory_space<hbm>> -> memref<50x128xf32, #tpu.memory_space<hbm>>
        %dma_wait3A_167 = arith.constant 0 : i32
        %dma_wait3A_168 = tpu.memref_slice %arg2[%select_n3A_164, %dma_wait3A_167] : memref<200000x128xf32, #tpu.memory_space<hbm>> -> memref<50x128xf32, #tpu.memory_space<hbm>>
        tpu.wait_dma2 semaphore(%arg14 : memref<!tpu.dma_semaphore, #tpu.memory_space<semaphore_mem>>) src(%dma_wait3A_168 : memref<50x128xf32, #tpu.memory_space<hbm>>) dst(%arg8 : memref<50x128xf32, #tpu.memory_space<vmem>>)
        %scan3A_169 = arith.constant 0 : i32
        %scan3A_170 = arith.constant 0 : i32
        %scan3A_171 = arith.constant 50 : i32
        %scan3A_172 = arith.addi %scan3A_170, %scan3A_171 : i32
        %scan3A_173 = arith.constant 1 : i32
        %scan3A_174 = scf.for %scan3A_183 = %scan3A_170 to %scan3A_172 step %scan3A_173 iter_args(%scan3A_184 = %scan3A_169) -> (i32)  : i32 {
          %get3A = arith.index_cast %scan3A_183 : i32 to index
          %get3A_185 = arith.constant 0 : index
          %get3A_186 = tpu.vector_load %arg8[%get3A, %get3A_185] {strides = array<i32>} : memref<50x128xf32, #tpu.memory_space<vmem>>, vector<1x16xf32>,
          %get3A_187 = vector.shape_cast %get3A_186 : vector<1x16xf32> to vector<16xf32>
          %mul3A_188 = arith.constant 4 : i32
          %mul3A_189 = arith.muli %mul3A_188, %scan3A_183 : i32
          %add3A_190 = arith.constant 0 : i32
          %add3A_191 = arith.addi %mul3A_189, %add3A_190 : i32
          %swap3A = arith.index_cast %add3A_191 : i32 to index
          %swap3A_192 = arith.constant 0 : index
          %swap3A_193 = tpu.vector_load %arg10[%swap3A, %swap3A_192] {strides = array<i32>} : memref<200x32xf32, #tpu.memory_space<vmem>>, vector<1x16xf32>,
          %swap3A_194 = vector.shape_cast %swap3A_193 : vector<1x16xf32> to vector<16xf32>
          %swap3A_195 = vector.shape_cast %get3A_187 : vector<16xf32> to vector<1x16xf32>
          tpu.vector_store %arg10[%swap3A, %swap3A_192], %swap3A_195 {strides = array<i32>} : memref<200x32xf32, #tpu.memory_space<vmem>>, vector<1x16xf32>,
          %get3A_196 = arith.index_cast %scan3A_183 : i32 to index
          %get3A_197 = arith.constant 16 : index
          %get3A_198 = tpu.vector_load %arg8[%get3A_196, %get3A_197] {strides = array<i32>} : memref<50x128xf32, #tpu.memory_space<vmem>>, vector<1x16xf32>,
          %get3A_199 = vector.shape_cast %get3A_198 : vector<1x16xf32> to vector<16xf32>
          %mul3A_200 = arith.constant 4 : i32
          %mul3A_201 = arith.muli %mul3A_200, %scan3A_183 : i32
          %add3A_202 = arith.constant 0 : i32
          %add3A_203 = arith.addi %mul3A_201, %add3A_202 : i32
          %swap3A_204 = arith.index_cast %add3A_203 : i32 to index
          %swap3A_205 = arith.constant 16 : index
          %swap3A_206 = tpu.vector_load %arg10[%swap3A_204, %swap3A_205] {strides = array<i32>} : memref<200x32xf32, #tpu.memory_space<vmem>>, vector<1x16xf32>,
          %swap3A_207 = vector.shape_cast %swap3A_206 : vector<1x16xf32> to vector<16xf32>
          %swap3A_208 = vector.shape_cast %get3A_199 : vector<16xf32> to vector<1x16xf32>
          tpu.vector_store %arg10[%swap3A_204, %swap3A_205], %swap3A_208 {strides = array<i32>} : memref<200x32xf32, #tpu.memory_space<vmem>>, vector<1x16xf32>,
          %get3A_209 = arith.index_cast %scan3A_183 : i32 to index
          %get3A_210 = arith.constant 32 : index
          %get3A_211 = tpu.vector_load %arg8[%get3A_209, %get3A_210] {strides = array<i32>} : memref<50x128xf32, #tpu.memory_space<vmem>>, vector<1x16xf32>,
          %get3A_212 = vector.shape_cast %get3A_211 : vector<1x16xf32> to vector<16xf32>
          %mul3A_213 = arith.constant 4 : i32
          %mul3A_214 = arith.muli %mul3A_213, %scan3A_183 : i32
          %add3A_215 = arith.constant 1 : i32
          %add3A_216 = arith.addi %mul3A_214, %add3A_215 : i32
          %swap3A_217 = arith.index_cast %add3A_216 : i32 to index
          %swap3A_218 = arith.constant 0 : index
          %swap3A_219 = tpu.vector_load %arg10[%swap3A_217, %swap3A_218] {strides = array<i32>} : memref<200x32xf32, #tpu.memory_space<vmem>>, vector<1x16xf32>,
          %swap3A_220 = vector.shape_cast %swap3A_219 : vector<1x16xf32> to vector<16xf32>
          %swap3A_221 = vector.shape_cast %get3A_212 : vector<16xf32> to vector<1x16xf32>
          tpu.vector_store %arg10[%swap3A_217, %swap3A_218], %swap3A_221 {strides = array<i32>} : memref<200x32xf32, #tpu.memory_space<vmem>>, vector<1x16xf32>,
          %get3A_222 = arith.index_cast %scan3A_183 : i32 to index
          %get3A_223 = arith.constant 48 : index
          %get3A_224 = tpu.vector_load %arg8[%get3A_222, %get3A_223] {strides = array<i32>} : memref<50x128xf32, #tpu.memory_space<vmem>>, vector<1x16xf32>,
          %get3A_225 = vector.shape_cast %get3A_224 : vector<1x16xf32> to vector<16xf32>
          %mul3A_226 = arith.constant 4 : i32
          %mul3A_227 = arith.muli %mul3A_226, %scan3A_183 : i32
          %add3A_228 = arith.constant 1 : i32
          %add3A_229 = arith.addi %mul3A_227, %add3A_228 : i32
          %swap3A_230 = arith.index_cast %add3A_229 : i32 to index
          %swap3A_231 = arith.constant 16 : index
          %swap3A_232 = tpu.vector_load %arg10[%swap3A_230, %swap3A_231] {strides = array<i32>} : memref<200x32xf32, #tpu.memory_space<vmem>>, vector<1x16xf32>,
          %swap3A_233 = vector.shape_cast %swap3A_232 : vector<1x16xf32> to vector<16xf32>
          %swap3A_234 = vector.shape_cast %get3A_225 : vector<16xf32> to vector<1x16xf32>
          tpu.vector_store %arg10[%swap3A_230, %swap3A_231], %swap3A_234 {strides = array<i32>} : memref<200x32xf32, #tpu.memory_space<vmem>>, vector<1x16xf32>,
          %get3A_235 = arith.index_cast %scan3A_183 : i32 to index
          %get3A_236 = arith.constant 64 : index
          %get3A_237 = tpu.vector_load %arg8[%get3A_235, %get3A_236] {strides = array<i32>} : memref<50x128xf32, #tpu.memory_space<vmem>>, vector<1x16xf32>,
          %get3A_238 = vector.shape_cast %get3A_237 : vector<1x16xf32> to vector<16xf32>
          %mul3A_239 = arith.constant 4 : i32
          %mul3A_240 = arith.muli %mul3A_239, %scan3A_183 : i32
          %add3A_241 = arith.constant 2 : i32
          %add3A_242 = arith.addi %mul3A_240, %add3A_241 : i32
          %swap3A_243 = arith.index_cast %add3A_242 : i32 to index
          %swap3A_244 = arith.constant 0 : index
          %swap3A_245 = tpu.vector_load %arg10[%swap3A_243, %swap3A_244] {strides = array<i32>} : memref<200x32xf32, #tpu.memory_space<vmem>>, vector<1x16xf32>,
          %swap3A_246 = vector.shape_cast %swap3A_245 : vector<1x16xf32> to vector<16xf32>
          %swap3A_247 = vector.shape_cast %get3A_238 : vector<16xf32> to vector<1x16xf32>
          tpu.vector_store %arg10[%swap3A_243, %swap3A_244], %swap3A_247 {strides = array<i32>} : memref<200x32xf32, #tpu.memory_space<vmem>>, vector<1x16xf32>,
          %get3A_248 = arith.index_cast %scan3A_183 : i32 to index
          %get3A_249 = arith.constant 80 : index
          %get3A_250 = tpu.vector_load %arg8[%get3A_248, %get3A_249] {strides = array<i32>} : memref<50x128xf32, #tpu.memory_space<vmem>>, vector<1x16xf32>,
          %get3A_251 = vector.shape_cast %get3A_250 : vector<1x16xf32> to vector<16xf32>
          %mul3A_252 = arith.constant 4 : i32
          %mul3A_253 = arith.muli %mul3A_252, %scan3A_183 : i32
          %add3A_254 = arith.constant 2 : i32
          %add3A_255 = arith.addi %mul3A_253, %add3A_254 : i32
          %swap3A_256 = arith.index_cast %add3A_255 : i32 to index
          %swap3A_257 = arith.constant 16 : index
          %swap3A_258 = tpu.vector_load %arg10[%swap3A_256, %swap3A_257] {strides = array<i32>} : memref<200x32xf32, #tpu.memory_space<vmem>>, vector<1x16xf32>,
          %swap3A_259 = vector.shape_cast %swap3A_258 : vector<1x16xf32> to vector<16xf32>
          %swap3A_260 = vector.shape_cast %get3A_251 : vector<16xf32> to vector<1x16xf32>
          tpu.vector_store %arg10[%swap3A_256, %swap3A_257], %swap3A_260 {strides = array<i32>} : memref<200x32xf32, #tpu.memory_space<vmem>>, vector<1x16xf32>,
          %get3A_261 = arith.index_cast %scan3A_183 : i32 to index
          %get3A_262 = arith.constant 96 : index
          %get3A_263 = tpu.vector_load %arg8[%get3A_261, %get3A_262] {strides = array<i32>} : memref<50x128xf32, #tpu.memory_space<vmem>>, vector<1x16xf32>,
          %get3A_264 = vector.shape_cast %get3A_263 : vector<1x16xf32> to vector<16xf32>
          %mul3A_265 = arith.constant 4 : i32
          %mul3A_266 = arith.muli %mul3A_265, %scan3A_183 : i32
          %add3A_267 = arith.constant 3 : i32
          %add3A_268 = arith.addi %mul3A_266, %add3A_267 : i32
          %swap3A_269 = arith.index_cast %add3A_268 : i32 to index
          %swap3A_270 = arith.constant 0 : index
          %swap3A_271 = tpu.vector_load %arg10[%swap3A_269, %swap3A_270] {strides = array<i32>} : memref<200x32xf32, #tpu.memory_space<vmem>>, vector<1x16xf32>,
          %swap3A_272 = vector.shape_cast %swap3A_271 : vector<1x16xf32> to vector<16xf32>
          %swap3A_273 = vector.shape_cast %get3A_264 : vector<16xf32> to vector<1x16xf32>
          tpu.vector_store %arg10[%swap3A_269, %swap3A_270], %swap3A_273 {strides = array<i32>} : memref<200x32xf32, #tpu.memory_space<vmem>>, vector<1x16xf32>,
          %get3A_274 = arith.index_cast %scan3A_183 : i32 to index
          %get3A_275 = arith.constant 112 : index
          %get3A_276 = tpu.vector_load %arg8[%get3A_274, %get3A_275] {strides = array<i32>} : memref<50x128xf32, #tpu.memory_space<vmem>>, vector<1x16xf32>,
          %get3A_277 = vector.shape_cast %get3A_276 : vector<1x16xf32> to vector<16xf32>
          %mul3A_278 = arith.constant 4 : i32
          %mul3A_279 = arith.muli %mul3A_278, %scan3A_183 : i32
          %add3A_280 = arith.constant 3 : i32
          %add3A_281 = arith.addi %mul3A_279, %add3A_280 : i32
          %swap3A_282 = arith.index_cast %add3A_281 : i32 to index
          %swap3A_283 = arith.constant 16 : index
          %swap3A_284 = tpu.vector_load %arg10[%swap3A_282, %swap3A_283] {strides = array<i32>} : memref<200x32xf32, #tpu.memory_space<vmem>>, vector<1x16xf32>,
          %swap3A_285 = vector.shape_cast %swap3A_284 : vector<1x16xf32> to vector<16xf32>
          %swap3A_286 = vector.shape_cast %get3A_277 : vector<16xf32> to vector<1x16xf32>
          tpu.vector_store %arg10[%swap3A_282, %swap3A_283], %swap3A_286 {strides = array<i32>} : memref<200x32xf32, #tpu.memory_space<vmem>>, vector<1x16xf32>,
          %scan3A_287 = arith.constant 0 : i32
          scf.yield %scan3A_287 : i32
        }
        %scan3A_175 = arith.constant 50 : i32
        %dma_start3A_176 = arith.constant 0 : i32
        %dma_start3A_177 = arith.constant 0 : i32
        %dma_start3A_178 = tpu.memref_slice %arg6[%dma_start3A_176, %dma_start3A_177] : memref<2x200xi32, #tpu.memory_space<vmem>> -> memref<1x200xi32, #tpu.memory_space<vmem>>
        %dma_start3A_179 = tpu.memref_squeeze %dma_start3A_178 : memref<1x200xi32, #tpu.memory_space<vmem>> -> memref<200xi32, #tpu.memory_space<vmem>>
        %dma_start3A_180 = arith.constant 0 : i32
        %dma_start3A_181 = arith.constant 0 : i32
        %dma_start3A_182 = tpu.memref_slice %arg12[%dma_start3A_180, %dma_start3A_181] : memref<50048x32xf32, #tpu.memory_space<vmem_shared>> -> memref<50048x32xf32, #tpu.memory_space<vmem_shared>>
        tpu.enqueue_indirect_dma source(%arg10 : memref<200x32xf32, #tpu.memory_space<vmem>>) target(%dma_start3A_182 : memref<50048x32xf32, #tpu.memory_space<vmem_shared>>) offsets(%dma_start3A_179 : memref<200xi32, #tpu.memory_space<vmem>>) semaphore(%arg16 : memref<!tpu.dma_semaphore, #tpu.memory_space<semaphore_mem>>) {add = true}
      } else {
      }
      %scan3A_134 = arith.constant 0 : i32
      scf.yield %scan3A_134 : i32
    }
    %scan3A_51 = arith.constant 63 : i32
    %dma_wait3A = arith.constant 0 : i32
    %dma_wait3A_52 = arith.constant 0 : i32
    %dma_wait3A_53 = tpu.memref_slice %arg5[%dma_wait3A, %dma_wait3A_52] : memref<2x200xi32, #tpu.memory_space<vmem>> -> memref<1x200xi32, #tpu.memory_space<vmem>>
    %dma_wait3A_54 = tpu.memref_squeeze %dma_wait3A_53 : memref<1x200xi32, #tpu.memory_space<vmem>> -> memref<200xi32, #tpu.memory_space<vmem>>
    %dma_wait3A_55 = arith.constant 0 : i32
    %dma_wait3A_56 = arith.constant 0 : i32
    %dma_wait3A_57 = tpu.memref_slice %arg12[%dma_wait3A_55, %dma_wait3A_56] : memref<50048x32xf32, #tpu.memory_space<vmem_shared>> -> memref<50048x32xf32, #tpu.memory_space<vmem_shared>>
    tpu.wait_indirect_dma semaphore(%arg15 : memref<!tpu.dma_semaphore, #tpu.memory_space<semaphore_mem>>) src(%arg9 : memref<200x32xf32, #tpu.memory_space<vmem>>) dst(%dma_wait3A_57 : memref<50048x32xf32, #tpu.memory_space<vmem_shared>>)
    %dma_wait3A_58 = arith.constant 0 : i32
    %dma_wait3A_59 = arith.constant 0 : i32
    %dma_wait3A_60 = tpu.memref_slice %arg6[%dma_wait3A_58, %dma_wait3A_59] : memref<2x200xi32, #tpu.memory_space<vmem>> -> memref<1x200xi32, #tpu.memory_space<vmem>>
    %dma_wait3A_61 = tpu.memref_squeeze %dma_wait3A_60 : memref<1x200xi32, #tpu.memory_space<vmem>> -> memref<200xi32, #tpu.memory_space<vmem>>
    %dma_wait3A_62 = arith.constant 0 : i32
    %dma_wait3A_63 = arith.constant 0 : i32
    %dma_wait3A_64 = tpu.memref_slice %arg12[%dma_wait3A_62, %dma_wait3A_63] : memref<50048x32xf32, #tpu.memory_space<vmem_shared>> -> memref<50048x32xf32, #tpu.memory_space<vmem_shared>>
    tpu.wait_indirect_dma semaphore(%arg16 : memref<!tpu.dma_semaphore, #tpu.memory_space<semaphore_mem>>) src(%arg10 : memref<200x32xf32, #tpu.memory_space<vmem>>) dst(%dma_wait3A_64 : memref<50048x32xf32, #tpu.memory_space<vmem_shared>>)
    %barrier3A_65 = arith.constant 0 : index
    tpu.barrier barrier_id(%barrier3A_65)
    "tpu.region"() ({
      %run_scoped3A = tpu.sem_alloc : memref<!tpu.dma_semaphore, #tpu.memory_space<semaphore_mem>>
      %dma_start3A_66 = arith.constant 0 : i32
      %dma_start3A_67 = tpu.memref_slice %arg4[%arg0, %multiple_of3A_5, %dma_start3A_66] : memref<2x50048x32xf32, #tpu.memory_space<hbm>> -> memref<1x3128x32xf32, #tpu.memory_space<hbm>>
      %dma_start3A_68 = tpu.memref_squeeze %dma_start3A_67 : memref<1x3128x32xf32, #tpu.memory_space<hbm>> -> memref<3128x32xf32, #tpu.memory_space<hbm>>
      %dma_start3A_69 = arith.constant 0 : i32
      %dma_start3A_70 = tpu.memref_slice %arg12[%multiple_of3A_5, %dma_start3A_69] : memref<50048x32xf32, #tpu.memory_space<vmem_shared>> -> memref<3128x32xf32, #tpu.memory_space<vmem_shared>>
      tpu.enqueue_dma source(%dma_start3A_70 : memref<3128x32xf32, #tpu.memory_space<vmem_shared>>) target(%dma_start3A_68 : memref<3128x32xf32, #tpu.memory_space<hbm>>) target_semaphore(%run_scoped3A : memref<!tpu.dma_semaphore, #tpu.memory_space<semaphore_mem>>)
      %dma_wait3A_71 = arith.constant 0 : i32
      %dma_wait3A_72 = tpu.memref_slice %arg4[%arg0, %multiple_of3A_5, %dma_wait3A_71] : memref<2x50048x32xf32, #tpu.memory_space<hbm>> -> memref<1x3128x32xf32, #tpu.memory_space<hbm>>
      %dma_wait3A_73 = tpu.memref_squeeze %dma_wait3A_72 : memref<1x3128x32xf32, #tpu.memory_space<hbm>> -> memref<3128x32xf32, #tpu.memory_space<hbm>>
      %dma_wait3A_74 = arith.constant 0 : i32
      %dma_wait3A_75 = tpu.memref_slice %arg12[%multiple_of3A_5, %dma_wait3A_74] : memref<50048x32xf32, #tpu.memory_space<vmem_shared>> -> memref<3128x32xf32, #tpu.memory_space<vmem_shared>>
      tpu.wait_dma2 semaphore(%run_scoped3A : memref<!tpu.dma_semaphore, #tpu.memory_space<semaphore_mem>>) src(%dma_wait3A_75 : memref<3128x32xf32, #tpu.memory_space<vmem_shared>>) dst(%dma_wait3A_73 : memref<3128x32xf32, #tpu.memory_space<hbm>>)
      tpu.yield
    }) : () -> ()
    return
  }
}

#map = affine_map<(d0, d1) -> (0, 0)>
#map1 = affine_map<(d0, d1) -> (0, 0, 0)>
module attributes {stable_mosaic.version = 14 : i64} {
  func.func @_k2_body(%arg0: i32, %arg1: i32, %arg2: memref<100000x64xbf16, #tpu.memory_space<hbm>>, %arg3: memref<4000x2x200xi32, #tpu.memory_space<hbm>>, %arg4: memref<200000x256xbf16, #tpu.memory_space<hbm>>, %arg5: memref<2x50048x16xf32, #tpu.memory_space<hbm>>, %arg6: memref<2x200xi32, #tpu.memory_space<vmem>>, %arg7: memref<2x200xi32, #tpu.memory_space<vmem>>, %arg8: memref<200x64xbf16, #tpu.memory_space<vmem>>, %arg9: memref<200x64xbf16, #tpu.memory_space<vmem>>, %arg10: memref<200x64xbf16, #tpu.memory_space<vmem>>, %arg11: memref<200x64xbf16, #tpu.memory_space<vmem>>, %arg12: memref<50x256xbf16, #tpu.memory_space<vmem>>, %arg13: memref<200x16xf32, #tpu.memory_space<vmem>>, %arg14: memref<184x16xf32, #tpu.memory_space<vmem>>, %arg15: memref<50048x16xf32, #tpu.memory_space<vmem_shared>>, %arg16: memref<!tpu.dma_semaphore, #tpu.memory_space<semaphore_mem>>, %arg17: memref<!tpu.dma_semaphore, #tpu.memory_space<semaphore_mem>>, %arg18: memref<!tpu.dma_semaphore, #tpu.memory_space<semaphore_mem>>, %arg19: memref<!tpu.dma_semaphore, #tpu.memory_space<semaphore_mem>>, %arg20: memref<!tpu.dma_semaphore, #tpu.memory_space<semaphore_mem>>, %arg21: memref<!tpu.dma_semaphore, #tpu.memory_space<semaphore_mem>>, %arg22: memref<!tpu.dma_semaphore, #tpu.memory_space<semaphore_mem>>) attributes {dimension_semantics = [#tpu.dimension_semantics<core_parallel>, #tpu.dimension_semantics<subcore_parallel>], iteration_bounds = array<i64: 2, 16>, scalar_prefetch = 0 : i64, scratch_operands = 17 : i64, tpu.core_type = #tpu.core_type<sc_vector_subcore>, window_params = [{transform_indices = #map}, {transform_indices = #map1}, {transform_indices = #map}, {transform_indices = #map1}]} {
    %mul3A = arith.constant 16 : i32
    %mul3A_0 = arith.muli %arg0, %mul3A : i32
    %add3A = arith.addi %mul3A_0, %arg1 : i32
    %mul3A_1 = arith.constant 25000 : i32
    %mul3A_2 = arith.muli %add3A, %mul3A_1 : i32
    %multiple_of3A = tpu.assume_multiple %mul3A_2, 8 : i32
    %mul3A_3 = arith.constant 125 : i32
    %mul3A_4 = arith.muli %add3A, %mul3A_3 : i32
    %scan3A = arith.constant 0 : i32
    %scan3A_5 = arith.constant 0 : i32
    %scan3A_6 = arith.constant 200 : i32
    %scan3A_7 = arith.addi %scan3A_5, %scan3A_6 : i32
    %scan3A_8 = arith.constant 1 : i32
    %scan3A_9 = scf.for %scan3A_87 = %scan3A_5 to %scan3A_7 step %scan3A_8 iter_args(%scan3A_88 = %scan3A) -> (i32)  : i32 {
      %broadcast_in_dim3A = arith.constant 1.000000e+00 : f32
      %broadcast_in_dim3A_89 = vector.broadcast %broadcast_in_dim3A : f32 to vector<16xf32>
      %swap3A = arith.index_cast %scan3A_87 : i32 to index
      %swap3A_90 = arith.constant 0 : index
      %swap3A_91 = tpu.vector_load %arg13[%swap3A, %swap3A_90] {strides = array<i32>} : memref<200x16xf32, #tpu.memory_space<vmem>>, vector<1x16xf32>,
      %swap3A_92 = vector.shape_cast %swap3A_91 : vector<1x16xf32> to vector<16xf32>
      %swap3A_93 = vector.shape_cast %broadcast_in_dim3A_89 : vector<16xf32> to vector<1x16xf32>
      tpu.vector_store %arg13[%swap3A, %swap3A_90], %swap3A_93 {strides = array<i32>} : memref<200x16xf32, #tpu.memory_space<vmem>>, vector<1x16xf32>,
      %scan3A_94 = arith.constant 0 : i32
      scf.yield %scan3A_94 : i32
    }
    %scan3A_10 = arith.constant 200 : i32
    %scan3A_11 = arith.constant 0 : i32
    %scan3A_12 = arith.constant 0 : i32
    %scan3A_13 = arith.constant 184 : i32
    %scan3A_14 = arith.addi %scan3A_12, %scan3A_13 : i32
    %scan3A_15 = arith.constant 1 : i32
    %scan3A_16 = scf.for %scan3A_87 = %scan3A_12 to %scan3A_14 step %scan3A_15 iter_args(%scan3A_88 = %scan3A_11) -> (i32)  : i32 {
      %broadcast_in_dim3A = arith.constant 0.000000e+00 : f32
      %broadcast_in_dim3A_89 = vector.broadcast %broadcast_in_dim3A : f32 to vector<16xf32>
      %swap3A = arith.index_cast %scan3A_87 : i32 to index
      %swap3A_90 = arith.constant 0 : index
      %swap3A_91 = tpu.vector_load %arg14[%swap3A, %swap3A_90] {strides = array<i32>} : memref<184x16xf32, #tpu.memory_space<vmem>>, vector<1x16xf32>,
      %swap3A_92 = vector.shape_cast %swap3A_91 : vector<1x16xf32> to vector<16xf32>
      %swap3A_93 = vector.shape_cast %broadcast_in_dim3A_89 : vector<16xf32> to vector<1x16xf32>
      tpu.vector_store %arg14[%swap3A, %swap3A_90], %swap3A_93 {strides = array<i32>} : memref<184x16xf32, #tpu.memory_space<vmem>>, vector<1x16xf32>,
      %scan3A_94 = arith.constant 0 : i32
      scf.yield %scan3A_94 : i32
    }
    %scan3A_17 = arith.constant 184 : i32
    %mul3A_18 = arith.constant 3128 : i32
    %mul3A_19 = arith.muli %arg1, %mul3A_18 : i32
    %multiple_of3A_20 = tpu.assume_multiple %mul3A_19, 8 : i32
    %scan3A_21 = arith.constant 0 : i32
    %scan3A_22 = arith.constant 0 : i32
    %scan3A_23 = arith.constant 17 : i32
    %scan3A_24 = arith.addi %scan3A_22, %scan3A_23 : i32
    %scan3A_25 = arith.constant 1 : i32
    %scan3A_26 = scf.for %scan3A_87 = %scan3A_22 to %scan3A_24 step %scan3A_25 iter_args(%scan3A_88 = %scan3A_21) -> (i32)  : i32 {
      %mul3A_89 = arith.constant 184 : i32
      %mul3A_90 = arith.muli %scan3A_87, %mul3A_89 : i32
      %add3A_91 = arith.addi %multiple_of3A_20, %mul3A_90 : i32
      "tpu.region"() ({
        %run_scoped3A = tpu.sem_alloc : memref<!tpu.dma_semaphore, #tpu.memory_space<semaphore_mem>>
        %dma_start3A_93 = arith.constant 0 : i32
        %dma_start3A_94 = tpu.memref_slice %arg15[%add3A_91, %dma_start3A_93] : memref<50048x16xf32, #tpu.memory_space<vmem_shared>> -> memref<184x16xf32, #tpu.memory_space<vmem_shared>>
        %dma_start3A_95 = arith.constant 0 : i32
        %dma_start3A_96 = tpu.memref_slice %arg15[%add3A_91, %dma_start3A_95] : memref<50048x16xf32, #tpu.memory_space<vmem_shared>> -> memref<184x16xf32, #tpu.memory_space<vmem_shared>>
        tpu.enqueue_dma source(%arg14 : memref<184x16xf32, #tpu.memory_space<vmem>>) target(%dma_start3A_96 : memref<184x16xf32, #tpu.memory_space<vmem_shared>>) target_semaphore(%run_scoped3A : memref<!tpu.dma_semaphore, #tpu.memory_space<semaphore_mem>>)
        %dma_wait3A_97 = arith.constant 0 : i32
        %dma_wait3A_98 = tpu.memref_slice %arg15[%add3A_91, %dma_wait3A_97] : memref<50048x16xf32, #tpu.memory_space<vmem_shared>> -> memref<184x16xf32, #tpu.memory_space<vmem_shared>>
        %dma_wait3A_99 = arith.constant 0 : i32
        %dma_wait3A_100 = tpu.memref_slice %arg15[%add3A_91, %dma_wait3A_99] : memref<50048x16xf32, #tpu.memory_space<vmem_shared>> -> memref<184x16xf32, #tpu.memory_space<vmem_shared>>
        tpu.wait_dma2 semaphore(%run_scoped3A : memref<!tpu.dma_semaphore, #tpu.memory_space<semaphore_mem>>) src(%arg14 : memref<184x16xf32, #tpu.memory_space<vmem>>) dst(%dma_wait3A_100 : memref<184x16xf32, #tpu.memory_space<vmem_shared>>)
        tpu.yield
      }) : () -> ()
      %scan3A_92 = arith.constant 0 : i32
      scf.yield %scan3A_92 : i32
    }
    %scan3A_27 = arith.constant 17 : i32
    %barrier3A = arith.constant 0 : index
    tpu.barrier barrier_id(%barrier3A)
    %add3A_28 = arith.constant 0 : i32
    %add3A_29 = arith.addi %mul3A_4, %add3A_28 : i32
    "tpu.region"() ({
      %run_scoped3A = tpu.sem_alloc : memref<!tpu.dma_semaphore, #tpu.memory_space<semaphore_mem>>
      %dma_start3A_87 = arith.constant 0 : i32
      %dma_start3A_88 = arith.constant 0 : i32
      %dma_start3A_89 = tpu.memref_slice %arg3[%add3A_29, %dma_start3A_87, %dma_start3A_88] : memref<4000x2x200xi32, #tpu.memory_space<hbm>> -> memref<1x2x200xi32, #tpu.memory_space<hbm>>
      %dma_start3A_90 = tpu.memref_squeeze %dma_start3A_89 : memref<1x2x200xi32, #tpu.memory_space<hbm>> -> memref<2x200xi32, #tpu.memory_space<hbm>>
      %dma_start3A_91 = arith.constant 0 : i32
      %dma_start3A_92 = arith.constant 0 : i32
      %dma_start3A_93 = tpu.memref_slice %arg3[%add3A_29, %dma_start3A_91, %dma_start3A_92] : memref<4000x2x200xi32, #tpu.memory_space<hbm>> -> memref<1x2x200xi32, #tpu.memory_space<hbm>>
      %dma_start3A_94 = tpu.memref_squeeze %dma_start3A_93 : memref<1x2x200xi32, #tpu.memory_space<hbm>> -> memref<2x200xi32, #tpu.memory_space<hbm>>
      tpu.enqueue_dma source(%dma_start3A_94 : memref<2x200xi32, #tpu.memory_space<hbm>>) target(%arg6 : memref<2x200xi32, #tpu.memory_space<vmem>>) target_semaphore(%run_scoped3A : memref<!tpu.dma_semaphore, #tpu.memory_space<semaphore_mem>>)
      %dma_wait3A_95 = arith.constant 0 : i32
      %dma_wait3A_96 = arith.constant 0 : i32
      %dma_wait3A_97 = tpu.memref_slice %arg3[%add3A_29, %dma_wait3A_95, %dma_wait3A_96] : memref<4000x2x200xi32, #tpu.memory_space<hbm>> -> memref<1x2x200xi32, #tpu.memory_space<hbm>>
      %dma_wait3A_98 = tpu.memref_squeeze %dma_wait3A_97 : memref<1x2x200xi32, #tpu.memory_space<hbm>> -> memref<2x200xi32, #tpu.memory_space<hbm>>
      %dma_wait3A_99 = arith.constant 0 : i32
      %dma_wait3A_100 = arith.constant 0 : i32
      %dma_wait3A_101 = tpu.memref_slice %arg3[%add3A_29, %dma_wait3A_99, %dma_wait3A_100] : memref<4000x2x200xi32, #tpu.memory_space<hbm>> -> memref<1x2x200xi32, #tpu.memory_space<hbm>>
      %dma_wait3A_102 = tpu.memref_squeeze %dma_wait3A_101 : memref<1x2x200xi32, #tpu.memory_space<hbm>> -> memref<2x200xi32, #tpu.memory_space<hbm>>
      tpu.wait_dma2 semaphore(%run_scoped3A : memref<!tpu.dma_semaphore, #tpu.memory_space<semaphore_mem>>) src(%dma_wait3A_102 : memref<2x200xi32, #tpu.memory_space<hbm>>) dst(%arg6 : memref<2x200xi32, #tpu.memory_space<vmem>>)
      tpu.yield
    }) : () -> ()
    %dma_start3A = arith.constant 0 : i32
    %dma_start3A_30 = arith.constant 0 : i32
    %dma_start3A_31 = tpu.memref_slice %arg6[%dma_start3A, %dma_start3A_30] : memref<2x200xi32, #tpu.memory_space<vmem>> -> memref<1x200xi32, #tpu.memory_space<vmem>>
    %dma_start3A_32 = tpu.memref_squeeze %dma_start3A_31 : memref<1x200xi32, #tpu.memory_space<vmem>> -> memref<200xi32, #tpu.memory_space<vmem>>
    %dma_start3A_33 = arith.constant 0 : i32
    %dma_start3A_34 = arith.constant 0 : i32
    %dma_start3A_35 = tpu.memref_slice %arg2[%dma_start3A_33, %dma_start3A_34] : memref<100000x64xbf16, #tpu.memory_space<hbm>> -> memref<100000x64xbf16, #tpu.memory_space<hbm>>
    tpu.enqueue_indirect_dma source(%dma_start3A_35 : memref<100000x64xbf16, #tpu.memory_space<hbm>>) target(%arg8 : memref<200x64xbf16, #tpu.memory_space<vmem>>) offsets(%dma_start3A_32 : memref<200xi32, #tpu.memory_space<vmem>>) semaphore(%arg16 : memref<!tpu.dma_semaphore, #tpu.memory_space<semaphore_mem>>)
    %dma_start3A_36 = arith.constant 1 : i32
    %dma_start3A_37 = arith.constant 0 : i32
    %dma_start3A_38 = tpu.memref_slice %arg6[%dma_start3A_36, %dma_start3A_37] : memref<2x200xi32, #tpu.memory_space<vmem>> -> memref<1x200xi32, #tpu.memory_space<vmem>>
    %dma_start3A_39 = tpu.memref_squeeze %dma_start3A_38 : memref<1x200xi32, #tpu.memory_space<vmem>> -> memref<200xi32, #tpu.memory_space<vmem>>
    %dma_start3A_40 = arith.constant 0 : i32
    %dma_start3A_41 = arith.constant 0 : i32
    %dma_start3A_42 = tpu.memref_slice %arg2[%dma_start3A_40, %dma_start3A_41] : memref<100000x64xbf16, #tpu.memory_space<hbm>> -> memref<100000x64xbf16, #tpu.memory_space<hbm>>
    tpu.enqueue_indirect_dma source(%dma_start3A_42 : memref<100000x64xbf16, #tpu.memory_space<hbm>>) target(%arg9 : memref<200x64xbf16, #tpu.memory_space<vmem>>) offsets(%dma_start3A_39 : memref<200xi32, #tpu.memory_space<vmem>>) semaphore(%arg17 : memref<!tpu.dma_semaphore, #tpu.memory_space<semaphore_mem>>)
    %scan3A_43 = arith.constant 0 : i32
    %scan3A_44 = arith.constant 0 : i32
    %scan3A_45 = arith.constant 63 : i32
    %scan3A_46 = arith.addi %scan3A_44, %scan3A_45 : i32
    %scan3A_47 = arith.constant 1 : i32
    %scan3A_48 = scf.for %scan3A_87 = %scan3A_44 to %scan3A_46 step %scan3A_47 iter_args(%scan3A_88 = %scan3A_43) -> (i32)  : i32 {
      %mul3A_89 = arith.constant 2 : i32
      %mul3A_90 = arith.muli %mul3A_89, %scan3A_87 : i32
      %add3A_91 = arith.constant 1 : i32
      %add3A_92 = arith.addi %mul3A_90, %add3A_91 : i32
      %lt3A = arith.constant 125 : i32
      %lt3A_93 = arith.cmpi slt, %add3A_92, %lt3A : i32
      %convert_element_type3A = arith.extui %lt3A_93 : i1 to i32
      %cond3A = arith.constant 0 : i32
      %cond3A_94 = arith.cmpi ne, %convert_element_type3A, %cond3A : i32
      scf.if %cond3A_94 {
        %add3A_174 = arith.constant 1 : i32
        %add3A_175 = arith.addi %mul3A_90, %add3A_174 : i32
        %ge3A = arith.constant 2 : i32
        %ge3A_176 = arith.cmpi sge, %add3A_175, %ge3A : i32
        %convert_element_type3A_177 = arith.extui %ge3A_176 : i1 to i32
        %cond3A_178 = arith.constant 0 : i32
        %cond3A_179 = arith.cmpi ne, %convert_element_type3A_177, %cond3A_178 : i32
        scf.if %cond3A_179 {
          %dma_wait3A_195 = arith.constant 0 : i32
          %dma_wait3A_196 = arith.constant 0 : i32
          %dma_wait3A_197 = tpu.memref_slice %arg7[%dma_wait3A_195, %dma_wait3A_196] : memref<2x200xi32, #tpu.memory_space<vmem>> -> memref<1x200xi32, #tpu.memory_space<vmem>>
          %dma_wait3A_198 = tpu.memref_squeeze %dma_wait3A_197 : memref<1x200xi32, #tpu.memory_space<vmem>> -> memref<200xi32, #tpu.memory_space<vmem>>
          %dma_wait3A_199 = arith.constant 0 : i32
          %dma_wait3A_200 = arith.constant 0 : i32
          %dma_wait3A_201 = tpu.memref_slice %arg15[%dma_wait3A_199, %dma_wait3A_200] : memref<50048x16xf32, #tpu.memory_space<vmem_shared>> -> memref<50048x16xf32, #tpu.memory_space<vmem_shared>>
          tpu.wait_indirect_dma semaphore(%arg22 : memref<!tpu.dma_semaphore, #tpu.memory_space<semaphore_mem>>) src(%arg13 : memref<200x16xf32, #tpu.memory_space<vmem>>) dst(%dma_wait3A_201 : memref<50048x16xf32, #tpu.memory_space<vmem_shared>>)
        } else {
        }
        %add3A_180 = arith.addi %mul3A_4, %add3A_175 : i32
        "tpu.region"() ({
          %run_scoped3A = tpu.sem_alloc : memref<!tpu.dma_semaphore, #tpu.memory_space<semaphore_mem>>
          %dma_start3A_195 = arith.constant 0 : i32
          %dma_start3A_196 = arith.constant 0 : i32
          %dma_start3A_197 = tpu.memref_slice %arg3[%add3A_180, %dma_start3A_195, %dma_start3A_196] : memref<4000x2x200xi32, #tpu.memory_space<hbm>> -> memref<1x2x200xi32, #tpu.memory_space<hbm>>
          %dma_start3A_198 = tpu.memref_squeeze %dma_start3A_197 : memref<1x2x200xi32, #tpu.memory_space<hbm>> -> memref<2x200xi32, #tpu.memory_space<hbm>>
          %dma_start3A_199 = arith.constant 0 : i32
          %dma_start3A_200 = arith.constant 0 : i32
          %dma_start3A_201 = tpu.memref_slice %arg3[%add3A_180, %dma_start3A_199, %dma_start3A_200] : memref<4000x2x200xi32, #tpu.memory_space<hbm>> -> memref<1x2x200xi32, #tpu.memory_space<hbm>>
          %dma_start3A_202 = tpu.memref_squeeze %dma_start3A_201 : memref<1x2x200xi32, #tpu.memory_space<hbm>> -> memref<2x200xi32, #tpu.memory_space<hbm>>
          tpu.enqueue_dma source(%dma_start3A_202 : memref<2x200xi32, #tpu.memory_space<hbm>>) target(%arg7 : memref<2x200xi32, #tpu.memory_space<vmem>>) target_semaphore(%run_scoped3A : memref<!tpu.dma_semaphore, #tpu.memory_space<semaphore_mem>>)
          %dma_wait3A_203 = arith.constant 0 : i32
          %dma_wait3A_204 = arith.constant 0 : i32
          %dma_wait3A_205 = tpu.memref_slice %arg3[%add3A_180, %dma_wait3A_203, %dma_wait3A_204] : memref<4000x2x200xi32, #tpu.memory_space<hbm>> -> memref<1x2x200xi32, #tpu.memory_space<hbm>>
          %dma_wait3A_206 = tpu.memref_squeeze %dma_wait3A_205 : memref<1x2x200xi32, #tpu.memory_space<hbm>> -> memref<2x200xi32, #tpu.memory_space<hbm>>
          %dma_wait3A_207 = arith.constant 0 : i32
          %dma_wait3A_208 = arith.constant 0 : i32
          %dma_wait3A_209 = tpu.memref_slice %arg3[%add3A_180, %dma_wait3A_207, %dma_wait3A_208] : memref<4000x2x200xi32, #tpu.memory_space<hbm>> -> memref<1x2x200xi32, #tpu.memory_space<hbm>>
          %dma_wait3A_210 = tpu.memref_squeeze %dma_wait3A_209 : memref<1x2x200xi32, #tpu.memory_space<hbm>> -> memref<2x200xi32, #tpu.memory_space<hbm>>
          tpu.wait_dma2 semaphore(%run_scoped3A : memref<!tpu.dma_semaphore, #tpu.memory_space<semaphore_mem>>) src(%dma_wait3A_210 : memref<2x200xi32, #tpu.memory_space<hbm>>) dst(%arg7 : memref<2x200xi32, #tpu.memory_space<vmem>>)
          tpu.yield
        }) : () -> ()
        %dma_start3A_181 = arith.constant 0 : i32
        %dma_start3A_182 = arith.constant 0 : i32
        %dma_start3A_183 = tpu.memref_slice %arg7[%dma_start3A_181, %dma_start3A_182] : memref<2x200xi32, #tpu.memory_space<vmem>> -> memref<1x200xi32, #tpu.memory_space<vmem>>
        %dma_start3A_184 = tpu.memref_squeeze %dma_start3A_183 : memref<1x200xi32, #tpu.memory_space<vmem>> -> memref<200xi32, #tpu.memory_space<vmem>>
        %dma_start3A_185 = arith.constant 0 : i32
        %dma_start3A_186 = arith.constant 0 : i32
        %dma_start3A_187 = tpu.memref_slice %arg2[%dma_start3A_185, %dma_start3A_186] : memref<100000x64xbf16, #tpu.memory_space<hbm>> -> memref<100000x64xbf16, #tpu.memory_space<hbm>>
        tpu.enqueue_indirect_dma source(%dma_start3A_187 : memref<100000x64xbf16, #tpu.memory_space<hbm>>) target(%arg10 : memref<200x64xbf16, #tpu.memory_space<vmem>>) offsets(%dma_start3A_184 : memref<200xi32, #tpu.memory_space<vmem>>) semaphore(%arg18 : memref<!tpu.dma_semaphore, #tpu.memory_space<semaphore_mem>>)
        %dma_start3A_188 = arith.constant 1 : i32
        %dma_start3A_189 = arith.constant 0 : i32
        %dma_start3A_190 = tpu.memref_slice %arg7[%dma_start3A_188, %dma_start3A_189] : memref<2x200xi32, #tpu.memory_space<vmem>> -> memref<1x200xi32, #tpu.memory_space<vmem>>
        %dma_start3A_191 = tpu.memref_squeeze %dma_start3A_190 : memref<1x200xi32, #tpu.memory_space<vmem>> -> memref<200xi32, #tpu.memory_space<vmem>>
        %dma_start3A_192 = arith.constant 0 : i32
        %dma_start3A_193 = arith.constant 0 : i32
        %dma_start3A_194 = tpu.memref_slice %arg2[%dma_start3A_192, %dma_start3A_193] : memref<100000x64xbf16, #tpu.memory_space<hbm>> -> memref<100000x64xbf16, #tpu.memory_space<hbm>>
        tpu.enqueue_indirect_dma source(%dma_start3A_194 : memref<100000x64xbf16, #tpu.memory_space<hbm>>) target(%arg11 : memref<200x64xbf16, #tpu.memory_space<vmem>>) offsets(%dma_start3A_191 : memref<200xi32, #tpu.memory_space<vmem>>) semaphore(%arg19 : memref<!tpu.dma_semaphore, #tpu.memory_space<semaphore_mem>>)
      } else {
      }
      %dma_wait3A_95 = arith.constant 0 : i32
      %dma_wait3A_96 = arith.constant 0 : i32
      %dma_wait3A_97 = tpu.memref_slice %arg6[%dma_wait3A_95, %dma_wait3A_96] : memref<2x200xi32, #tpu.memory_space<vmem>> -> memref<1x200xi32, #tpu.memory_space<vmem>>
      %dma_wait3A_98 = tpu.memref_squeeze %dma_wait3A_97 : memref<1x200xi32, #tpu.memory_space<vmem>> -> memref<200xi32, #tpu.memory_space<vmem>>
      %dma_wait3A_99 = arith.constant 0 : i32
      %dma_wait3A_100 = arith.constant 0 : i32
      %dma_wait3A_101 = tpu.memref_slice %arg2[%dma_wait3A_99, %dma_wait3A_100] : memref<100000x64xbf16, #tpu.memory_space<hbm>> -> memref<100000x64xbf16, #tpu.memory_space<hbm>>
      tpu.wait_indirect_dma semaphore(%arg16 : memref<!tpu.dma_semaphore, #tpu.memory_space<semaphore_mem>>) src(%dma_wait3A_101 : memref<100000x64xbf16, #tpu.memory_space<hbm>>) dst(%arg8 : memref<200x64xbf16, #tpu.memory_space<vmem>>)
      %dma_wait3A_102 = arith.constant 1 : i32
      %dma_wait3A_103 = arith.constant 0 : i32
      %dma_wait3A_104 = tpu.memref_slice %arg6[%dma_wait3A_102, %dma_wait3A_103] : memref<2x200xi32, #tpu.memory_space<vmem>> -> memref<1x200xi32, #tpu.memory_space<vmem>>
      %dma_wait3A_105 = tpu.memref_squeeze %dma_wait3A_104 : memref<1x200xi32, #tpu.memory_space<vmem>> -> memref<200xi32, #tpu.memory_space<vmem>>
      %dma_wait3A_106 = arith.constant 0 : i32
      %dma_wait3A_107 = arith.constant 0 : i32
      %dma_wait3A_108 = tpu.memref_slice %arg2[%dma_wait3A_106, %dma_wait3A_107] : memref<100000x64xbf16, #tpu.memory_space<hbm>> -> memref<100000x64xbf16, #tpu.memory_space<hbm>>
      tpu.wait_indirect_dma semaphore(%arg17 : memref<!tpu.dma_semaphore, #tpu.memory_space<semaphore_mem>>) src(%dma_wait3A_108 : memref<100000x64xbf16, #tpu.memory_space<hbm>>) dst(%arg9 : memref<200x64xbf16, #tpu.memory_space<vmem>>)
      %gt3A = arith.constant 0 : i32
      %gt3A_109 = arith.cmpi sgt, %mul3A_90, %gt3A : i32
      %convert_element_type3A_110 = arith.extui %gt3A_109 : i1 to i32
      %cond3A_111 = arith.constant 0 : i32
      %cond3A_112 = arith.cmpi ne, %convert_element_type3A_110, %cond3A_111 : i32
      scf.if %cond3A_112 {
        %sub3A_174 = arith.constant 1 : i32
        %sub3A_175 = arith.subi %mul3A_90, %sub3A_174 : i32
        %mul3A_176 = arith.constant 200 : i32
        %mul3A_177 = arith.muli %sub3A_175, %mul3A_176 : i32
        %add3A_178 = arith.addi %multiple_of3A, %mul3A_177 : i32
        %multiple_of3A_179 = tpu.assume_multiple %add3A_178, 8 : i32
        %jit3A_180 = arith.constant 4 : i32
        %div3A_181 = arith.divsi %multiple_of3A_179, %jit3A_180 : i32
        %sign3A_182 = arith.constant 0 : i32
        %sign3A_183 = arith.cmpi sgt, %multiple_of3A_179, %sign3A_182 : i32
        %sign3A_184 = arith.extui %sign3A_183 : i1 to i32
        %sign3A_185 = arith.constant 0 : i32
        %sign3A_186 = arith.cmpi slt, %multiple_of3A_179, %sign3A_185 : i32
        %sign3A_187 = arith.extui %sign3A_186 : i1 to i32
        %sign3A_188 = arith.subi %sign3A_184, %sign3A_187 : i32
        %sign3A_189 = arith.constant 0 : i32
        %sign3A_190 = arith.cmpi sgt, %jit3A_180, %sign3A_189 : i32
        %sign3A_191 = arith.extui %sign3A_190 : i1 to i32
        %sign3A_192 = arith.constant 0 : i32
        %sign3A_193 = arith.cmpi slt, %jit3A_180, %sign3A_192 : i32
        %sign3A_194 = arith.extui %sign3A_193 : i1 to i32
        %sign3A_195 = arith.subi %sign3A_191, %sign3A_194 : i32
        %ne3A_196 = arith.cmpi ne, %sign3A_188, %sign3A_195 : i32
        %rem3A_197 = arith.remsi %multiple_of3A_179, %jit3A_180 : i32
        %ne3A_198 = arith.constant 0 : i32
        %ne3A_199 = arith.cmpi ne, %rem3A_197, %ne3A_198 : i32
        %and3A_200 = arith.andi %ne3A_196, %ne3A_199 : i1
        %sub3A_201 = arith.constant 1 : i32
        %sub3A_202 = arith.subi %div3A_181, %sub3A_201 : i32
        %select_n3A_203 = arith.select %and3A_200, %sub3A_202, %div3A_181 : i32
        %dma_wait3A_204 = arith.constant 0 : i32
        %dma_wait3A_205 = tpu.memref_slice %arg4[%select_n3A_203, %dma_wait3A_204] : memref<200000x256xbf16, #tpu.memory_space<hbm>> -> memref<50x256xbf16, #tpu.memory_space<hbm>>
        %dma_wait3A_206 = arith.constant 0 : i32
        %dma_wait3A_207 = tpu.memref_slice %arg4[%select_n3A_203, %dma_wait3A_206] : memref<200000x256xbf16, #tpu.memory_space<hbm>> -> memref<50x256xbf16, #tpu.memory_space<hbm>>
        tpu.wait_dma2 semaphore(%arg20 : memref<!tpu.dma_semaphore, #tpu.memory_space<semaphore_mem>>) src(%arg12 : memref<50x256xbf16, #tpu.memory_space<vmem>>) dst(%dma_wait3A_207 : memref<50x256xbf16, #tpu.memory_space<hbm>>)
      } else {
      }
      %scan3A_113 = arith.constant 0 : i32
      %scan3A_114 = arith.constant 0 : i32
      %scan3A_115 = arith.constant 50 : i32
      %scan3A_116 = arith.addi %scan3A_114, %scan3A_115 : i32
      %scan3A_117 = arith.constant 1 : i32
      %scan3A_118 = scf.for %scan3A_174 = %scan3A_114 to %scan3A_116 step %scan3A_117 iter_args(%scan3A_175 = %scan3A_113) -> (i32)  : i32 {
        %mul3A_176 = arith.constant 4 : i32
        %mul3A_177 = arith.muli %mul3A_176, %scan3A_174 : i32
        %add3A_178 = arith.constant 0 : i32
        %add3A_179 = arith.addi %mul3A_177, %add3A_178 : i32
        %get3A = arith.index_cast %add3A_179 : i32 to index
        %get3A_180 = arith.constant 0 : index
        %get3A_181 = tpu.vector_load %arg8[%get3A, %get3A_180] {strides = array<i32>} : memref<200x64xbf16, #tpu.memory_space<vmem>>, vector<1x32xbf16>,
        %get3A_182 = vector.shape_cast %get3A_181 : vector<1x32xbf16> to vector<32xbf16>
        %get3A_183 = arith.index_cast %add3A_179 : i32 to index
        %get3A_184 = arith.constant 0 : index
        %get3A_185 = tpu.vector_load %arg9[%get3A_183, %get3A_184] {strides = array<i32>} : memref<200x64xbf16, #tpu.memory_space<vmem>>, vector<1x32xbf16>,
        %get3A_186 = vector.shape_cast %get3A_185 : vector<1x32xbf16> to vector<32xbf16>
        %add3A_187 = arith.addf %get3A_182, %get3A_186 : vector<32xbf16>
        %swap3A = arith.index_cast %scan3A_174 : i32 to index
        %swap3A_188 = arith.constant 0 : index
        %swap3A_189 = tpu.vector_load %arg12[%swap3A, %swap3A_188] {strides = array<i32>} : memref<50x256xbf16, #tpu.memory_space<vmem>>, vector<1x32xbf16>,
        %swap3A_190 = vector.shape_cast %swap3A_189 : vector<1x32xbf16> to vector<32xbf16>
        %swap3A_191 = vector.shape_cast %add3A_187 : vector<32xbf16> to vector<1x32xbf16>
        tpu.vector_store %arg12[%swap3A, %swap3A_188], %swap3A_191 {strides = array<i32>} : memref<50x256xbf16, #tpu.memory_space<vmem>>, vector<1x32xbf16>,
        %get3A_192 = arith.index_cast %add3A_179 : i32 to index
        %get3A_193 = arith.constant 32 : index
        %get3A_194 = tpu.vector_load %arg8[%get3A_192, %get3A_193] {strides = array<i32>} : memref<200x64xbf16, #tpu.memory_space<vmem>>, vector<1x32xbf16>,
        %get3A_195 = vector.shape_cast %get3A_194 : vector<1x32xbf16> to vector<32xbf16>
        %get3A_196 = arith.index_cast %add3A_179 : i32 to index
        %get3A_197 = arith.constant 32 : index
        %get3A_198 = tpu.vector_load %arg9[%get3A_196, %get3A_197] {strides = array<i32>} : memref<200x64xbf16, #tpu.memory_space<vmem>>, vector<1x32xbf16>,
        %get3A_199 = vector.shape_cast %get3A_198 : vector<1x32xbf16> to vector<32xbf16>
        %add3A_200 = arith.addf %get3A_195, %get3A_199 : vector<32xbf16>
        %swap3A_201 = arith.index_cast %scan3A_174 : i32 to index
        %swap3A_202 = arith.constant 32 : index
        %swap3A_203 = tpu.vector_load %arg12[%swap3A_201, %swap3A_202] {strides = array<i32>} : memref<50x256xbf16, #tpu.memory_space<vmem>>, vector<1x32xbf16>,
        %swap3A_204 = vector.shape_cast %swap3A_203 : vector<1x32xbf16> to vector<32xbf16>
        %swap3A_205 = vector.shape_cast %add3A_200 : vector<32xbf16> to vector<1x32xbf16>
        tpu.vector_store %arg12[%swap3A_201, %swap3A_202], %swap3A_205 {strides = array<i32>} : memref<50x256xbf16, #tpu.memory_space<vmem>>, vector<1x32xbf16>,
        %mul3A_206 = arith.constant 4 : i32
        %mul3A_207 = arith.muli %mul3A_206, %scan3A_174 : i32
        %add3A_208 = arith.constant 1 : i32
        %add3A_209 = arith.addi %mul3A_207, %add3A_208 : i32
        %get3A_210 = arith.index_cast %add3A_209 : i32 to index
        %get3A_211 = arith.constant 0 : index
        %get3A_212 = tpu.vector_load %arg8[%get3A_210, %get3A_211] {strides = array<i32>} : memref<200x64xbf16, #tpu.memory_space<vmem>>, vector<1x32xbf16>,
        %get3A_213 = vector.shape_cast %get3A_212 : vector<1x32xbf16> to vector<32xbf16>
        %get3A_214 = arith.index_cast %add3A_209 : i32 to index
        %get3A_215 = arith.constant 0 : index
        %get3A_216 = tpu.vector_load %arg9[%get3A_214, %get3A_215] {strides = array<i32>} : memref<200x64xbf16, #tpu.memory_space<vmem>>, vector<1x32xbf16>,
        %get3A_217 = vector.shape_cast %get3A_216 : vector<1x32xbf16> to vector<32xbf16>
        %add3A_218 = arith.addf %get3A_213, %get3A_217 : vector<32xbf16>
        %swap3A_219 = arith.index_cast %scan3A_174 : i32 to index
        %swap3A_220 = arith.constant 64 : index
        %swap3A_221 = tpu.vector_load %arg12[%swap3A_219, %swap3A_220] {strides = array<i32>} : memref<50x256xbf16, #tpu.memory_space<vmem>>, vector<1x32xbf16>,
        %swap3A_222 = vector.shape_cast %swap3A_221 : vector<1x32xbf16> to vector<32xbf16>
        %swap3A_223 = vector.shape_cast %add3A_218 : vector<32xbf16> to vector<1x32xbf16>
        tpu.vector_store %arg12[%swap3A_219, %swap3A_220], %swap3A_223 {strides = array<i32>} : memref<50x256xbf16, #tpu.memory_space<vmem>>, vector<1x32xbf16>,
        %get3A_224 = arith.index_cast %add3A_209 : i32 to index
        %get3A_225 = arith.constant 32 : index
        %get3A_226 = tpu.vector_load %arg8[%get3A_224, %get3A_225] {strides = array<i32>} : memref<200x64xbf16, #tpu.memory_space<vmem>>, vector<1x32xbf16>,
        %get3A_227 = vector.shape_cast %get3A_226 : vector<1x32xbf16> to vector<32xbf16>
        %get3A_228 = arith.index_cast %add3A_209 : i32 to index
        %get3A_229 = arith.constant 32 : index
        %get3A_230 = tpu.vector_load %arg9[%get3A_228, %get3A_229] {strides = array<i32>} : memref<200x64xbf16, #tpu.memory_space<vmem>>, vector<1x32xbf16>,
        %get3A_231 = vector.shape_cast %get3A_230 : vector<1x32xbf16> to vector<32xbf16>
        %add3A_232 = arith.addf %get3A_227, %get3A_231 : vector<32xbf16>
        %swap3A_233 = arith.index_cast %scan3A_174 : i32 to index
        %swap3A_234 = arith.constant 96 : index
        %swap3A_235 = tpu.vector_load %arg12[%swap3A_233, %swap3A_234] {strides = array<i32>} : memref<50x256xbf16, #tpu.memory_space<vmem>>, vector<1x32xbf16>,
        %swap3A_236 = vector.shape_cast %swap3A_235 : vector<1x32xbf16> to vector<32xbf16>
        %swap3A_237 = vector.shape_cast %add3A_232 : vector<32xbf16> to vector<1x32xbf16>
        tpu.vector_store %arg12[%swap3A_233, %swap3A_234], %swap3A_237 {strides = array<i32>} : memref<50x256xbf16, #tpu.memory_space<vmem>>, vector<1x32xbf16>,
        %mul3A_238 = arith.constant 4 : i32
        %mul3A_239 = arith.muli %mul3A_238, %scan3A_174 : i32
        %add3A_240 = arith.constant 2 : i32
        %add3A_241 = arith.addi %mul3A_239, %add3A_240 : i32
        %get3A_242 = arith.index_cast %add3A_241 : i32 to index
        %get3A_243 = arith.constant 0 : index
        %get3A_244 = tpu.vector_load %arg8[%get3A_242, %get3A_243] {strides = array<i32>} : memref<200x64xbf16, #tpu.memory_space<vmem>>, vector<1x32xbf16>,
        %get3A_245 = vector.shape_cast %get3A_244 : vector<1x32xbf16> to vector<32xbf16>
        %get3A_246 = arith.index_cast %add3A_241 : i32 to index
        %get3A_247 = arith.constant 0 : index
        %get3A_248 = tpu.vector_load %arg9[%get3A_246, %get3A_247] {strides = array<i32>} : memref<200x64xbf16, #tpu.memory_space<vmem>>, vector<1x32xbf16>,
        %get3A_249 = vector.shape_cast %get3A_248 : vector<1x32xbf16> to vector<32xbf16>
        %add3A_250 = arith.addf %get3A_245, %get3A_249 : vector<32xbf16>
        %swap3A_251 = arith.index_cast %scan3A_174 : i32 to index
        %swap3A_252 = arith.constant 128 : index
        %swap3A_253 = tpu.vector_load %arg12[%swap3A_251, %swap3A_252] {strides = array<i32>} : memref<50x256xbf16, #tpu.memory_space<vmem>>, vector<1x32xbf16>,
        %swap3A_254 = vector.shape_cast %swap3A_253 : vector<1x32xbf16> to vector<32xbf16>
        %swap3A_255 = vector.shape_cast %add3A_250 : vector<32xbf16> to vector<1x32xbf16>
        tpu.vector_store %arg12[%swap3A_251, %swap3A_252], %swap3A_255 {strides = array<i32>} : memref<50x256xbf16, #tpu.memory_space<vmem>>, vector<1x32xbf16>,
        %get3A_256 = arith.index_cast %add3A_241 : i32 to index
        %get3A_257 = arith.constant 32 : index
        %get3A_258 = tpu.vector_load %arg8[%get3A_256, %get3A_257] {strides = array<i32>} : memref<200x64xbf16, #tpu.memory_space<vmem>>, vector<1x32xbf16>,
        %get3A_259 = vector.shape_cast %get3A_258 : vector<1x32xbf16> to vector<32xbf16>
        %get3A_260 = arith.index_cast %add3A_241 : i32 to index
        %get3A_261 = arith.constant 32 : index
        %get3A_262 = tpu.vector_load %arg9[%get3A_260, %get3A_261] {strides = array<i32>} : memref<200x64xbf16, #tpu.memory_space<vmem>>, vector<1x32xbf16>,
        %get3A_263 = vector.shape_cast %get3A_262 : vector<1x32xbf16> to vector<32xbf16>
        %add3A_264 = arith.addf %get3A_259, %get3A_263 : vector<32xbf16>
        %swap3A_265 = arith.index_cast %scan3A_174 : i32 to index
        %swap3A_266 = arith.constant 160 : index
        %swap3A_267 = tpu.vector_load %arg12[%swap3A_265, %swap3A_266] {strides = array<i32>} : memref<50x256xbf16, #tpu.memory_space<vmem>>, vector<1x32xbf16>,
        %swap3A_268 = vector.shape_cast %swap3A_267 : vector<1x32xbf16> to vector<32xbf16>
        %swap3A_269 = vector.shape_cast %add3A_264 : vector<32xbf16> to vector<1x32xbf16>
        tpu.vector_store %arg12[%swap3A_265, %swap3A_266], %swap3A_269 {strides = array<i32>} : memref<50x256xbf16, #tpu.memory_space<vmem>>, vector<1x32xbf16>,
        %mul3A_270 = arith.constant 4 : i32
        %mul3A_271 = arith.muli %mul3A_270, %scan3A_174 : i32
        %add3A_272 = arith.constant 3 : i32
        %add3A_273 = arith.addi %mul3A_271, %add3A_272 : i32
        %get3A_274 = arith.index_cast %add3A_273 : i32 to index
        %get3A_275 = arith.constant 0 : index
        %get3A_276 = tpu.vector_load %arg8[%get3A_274, %get3A_275] {strides = array<i32>} : memref<200x64xbf16, #tpu.memory_space<vmem>>, vector<1x32xbf16>,
        %get3A_277 = vector.shape_cast %get3A_276 : vector<1x32xbf16> to vector<32xbf16>
        %get3A_278 = arith.index_cast %add3A_273 : i32 to index
        %get3A_279 = arith.constant 0 : index
        %get3A_280 = tpu.vector_load %arg9[%get3A_278, %get3A_279] {strides = array<i32>} : memref<200x64xbf16, #tpu.memory_space<vmem>>, vector<1x32xbf16>,
        %get3A_281 = vector.shape_cast %get3A_280 : vector<1x32xbf16> to vector<32xbf16>
        %add3A_282 = arith.addf %get3A_277, %get3A_281 : vector<32xbf16>
        %swap3A_283 = arith.index_cast %scan3A_174 : i32 to index
        %swap3A_284 = arith.constant 192 : index
        %swap3A_285 = tpu.vector_load %arg12[%swap3A_283, %swap3A_284] {strides = array<i32>} : memref<50x256xbf16, #tpu.memory_space<vmem>>, vector<1x32xbf16>,
        %swap3A_286 = vector.shape_cast %swap3A_285 : vector<1x32xbf16> to vector<32xbf16>
        %swap3A_287 = vector.shape_cast %add3A_282 : vector<32xbf16> to vector<1x32xbf16>
        tpu.vector_store %arg12[%swap3A_283, %swap3A_284], %swap3A_287 {strides = array<i32>} : memref<50x256xbf16, #tpu.memory_space<vmem>>, vector<1x32xbf16>,
        %get3A_288 = arith.index_cast %add3A_273 : i32 to index
        %get3A_289 = arith.constant 32 : index
        %get3A_290 = tpu.vector_load %arg8[%get3A_288, %get3A_289] {strides = array<i32>} : memref<200x64xbf16, #tpu.memory_space<vmem>>, vector<1x32xbf16>,
        %get3A_291 = vector.shape_cast %get3A_290 : vector<1x32xbf16> to vector<32xbf16>
        %get3A_292 = arith.index_cast %add3A_273 : i32 to index
        %get3A_293 = arith.constant 32 : index
        %get3A_294 = tpu.vector_load %arg9[%get3A_292, %get3A_293] {strides = array<i32>} : memref<200x64xbf16, #tpu.memory_space<vmem>>, vector<1x32xbf16>,
        %get3A_295 = vector.shape_cast %get3A_294 : vector<1x32xbf16> to vector<32xbf16>
        %add3A_296 = arith.addf %get3A_291, %get3A_295 : vector<32xbf16>
        %swap3A_297 = arith.index_cast %scan3A_174 : i32 to index
        %swap3A_298 = arith.constant 224 : index
        %swap3A_299 = tpu.vector_load %arg12[%swap3A_297, %swap3A_298] {strides = array<i32>} : memref<50x256xbf16, #tpu.memory_space<vmem>>, vector<1x32xbf16>,
        %swap3A_300 = vector.shape_cast %swap3A_299 : vector<1x32xbf16> to vector<32xbf16>
        %swap3A_301 = vector.shape_cast %add3A_296 : vector<32xbf16> to vector<1x32xbf16>
        tpu.vector_store %arg12[%swap3A_297, %swap3A_298], %swap3A_301 {strides = array<i32>} : memref<50x256xbf16, #tpu.memory_space<vmem>>, vector<1x32xbf16>,
        %scan3A_302 = arith.constant 0 : i32
        scf.yield %scan3A_302 : i32
      }
      %scan3A_119 = arith.constant 50 : i32
      %mul3A_120 = arith.constant 200 : i32
      %mul3A_121 = arith.muli %mul3A_90, %mul3A_120 : i32
      %add3A_122 = arith.addi %multiple_of3A, %mul3A_121 : i32
      %multiple_of3A_123 = tpu.assume_multiple %add3A_122, 8 : i32
      %jit3A_124 = arith.constant 4 : i32
      %div3A_125 = arith.divsi %multiple_of3A_123, %jit3A_124 : i32
      %sign3A_126 = arith.constant 0 : i32
      %sign3A_127 = arith.cmpi sgt, %multiple_of3A_123, %sign3A_126 : i32
      %sign3A_128 = arith.extui %sign3A_127 : i1 to i32
      %sign3A_129 = arith.constant 0 : i32
      %sign3A_130 = arith.cmpi slt, %multiple_of3A_123, %sign3A_129 : i32
      %sign3A_131 = arith.extui %sign3A_130 : i1 to i32
      %sign3A_132 = arith.subi %sign3A_128, %sign3A_131 : i32
      %sign3A_133 = arith.constant 0 : i32
      %sign3A_134 = arith.cmpi sgt, %jit3A_124, %sign3A_133 : i32
      %sign3A_135 = arith.extui %sign3A_134 : i1 to i32
      %sign3A_136 = arith.constant 0 : i32
      %sign3A_137 = arith.cmpi slt, %jit3A_124, %sign3A_136 : i32
      %sign3A_138 = arith.extui %sign3A_137 : i1 to i32
      %sign3A_139 = arith.subi %sign3A_135, %sign3A_138 : i32
      %ne3A_140 = arith.cmpi ne, %sign3A_132, %sign3A_139 : i32
      %rem3A_141 = arith.remsi %multiple_of3A_123, %jit3A_124 : i32
      %ne3A_142 = arith.constant 0 : i32
      %ne3A_143 = arith.cmpi ne, %rem3A_141, %ne3A_142 : i32
      %and3A_144 = arith.andi %ne3A_140, %ne3A_143 : i1
      %sub3A_145 = arith.constant 1 : i32
      %sub3A_146 = arith.subi %div3A_125, %sub3A_145 : i32
      %select_n3A_147 = arith.select %and3A_144, %sub3A_146, %div3A_125 : i32
      %dma_start3A_148 = arith.constant 0 : i32
      %dma_start3A_149 = tpu.memref_slice %arg4[%select_n3A_147, %dma_start3A_148] : memref<200000x256xbf16, #tpu.memory_space<hbm>> -> memref<50x256xbf16, #tpu.memory_space<hbm>>
      %dma_start3A_150 = arith.constant 0 : i32
      %dma_start3A_151 = tpu.memref_slice %arg4[%select_n3A_147, %dma_start3A_150] : memref<200000x256xbf16, #tpu.memory_space<hbm>> -> memref<50x256xbf16, #tpu.memory_space<hbm>>
      tpu.enqueue_dma source(%arg12 : memref<50x256xbf16, #tpu.memory_space<vmem>>) target(%dma_start3A_151 : memref<50x256xbf16, #tpu.memory_space<hbm>>) target_semaphore(%arg20 : memref<!tpu.dma_semaphore, #tpu.memory_space<semaphore_mem>>)
      %dma_start3A_152 = arith.constant 0 : i32
      %dma_start3A_153 = arith.constant 0 : i32
      %dma_start3A_154 = tpu.memref_slice %arg6[%dma_start3A_152, %dma_start3A_153] : memref<2x200xi32, #tpu.memory_space<vmem>> -> memref<1x200xi32, #tpu.memory_space<vmem>>
      %dma_start3A_155 = tpu.memref_squeeze %dma_start3A_154 : memref<1x200xi32, #tpu.memory_space<vmem>> -> memref<200xi32, #tpu.memory_space<vmem>>
      %dma_start3A_156 = arith.constant 0 : i32
      %dma_start3A_157 = arith.constant 0 : i32
      %dma_start3A_158 = tpu.memref_slice %arg15[%dma_start3A_156, %dma_start3A_157] : memref<50048x16xf32, #tpu.memory_space<vmem_shared>> -> memref<50048x16xf32, #tpu.memory_space<vmem_shared>>
      tpu.enqueue_indirect_dma source(%arg13 : memref<200x16xf32, #tpu.memory_space<vmem>>) target(%dma_start3A_158 : memref<50048x16xf32, #tpu.memory_space<vmem_shared>>) offsets(%dma_start3A_155 : memref<200xi32, #tpu.memory_space<vmem>>) semaphore(%arg21 : memref<!tpu.dma_semaphore, #tpu.memory_space<semaphore_mem>>) {add = true}
      %add3A_159 = arith.constant 2 : i32
      %add3A_160 = arith.addi %mul3A_90, %add3A_159 : i32
      %lt3A_161 = arith.constant 125 : i32
      %lt3A_162 = arith.cmpi slt, %add3A_160, %lt3A_161 : i32
      %convert_element_type3A_163 = arith.extui %lt3A_162 : i1 to i32
      %cond3A_164 = arith.constant 0 : i32
      %cond3A_165 = arith.cmpi ne, %convert_element_type3A_163, %cond3A_164 : i32
      scf.if %cond3A_165 {
        %add3A_174 = arith.constant 2 : i32
        %add3A_175 = arith.addi %mul3A_90, %add3A_174 : i32
        %ge3A = arith.constant 2 : i32
        %ge3A_176 = arith.cmpi sge, %add3A_175, %ge3A : i32
        %convert_element_type3A_177 = arith.extui %ge3A_176 : i1 to i32
        %cond3A_178 = arith.constant 0 : i32
        %cond3A_179 = arith.cmpi ne, %convert_element_type3A_177, %cond3A_178 : i32
        scf.if %cond3A_179 {
          %dma_wait3A_195 = arith.constant 0 : i32
          %dma_wait3A_196 = arith.constant 0 : i32
          %dma_wait3A_197 = tpu.memref_slice %arg6[%dma_wait3A_195, %dma_wait3A_196] : memref<2x200xi32, #tpu.memory_space<vmem>> -> memref<1x200xi32, #tpu.memory_space<vmem>>
          %dma_wait3A_198 = tpu.memref_squeeze %dma_wait3A_197 : memref<1x200xi32, #tpu.memory_space<vmem>> -> memref<200xi32, #tpu.memory_space<vmem>>
          %dma_wait3A_199 = arith.constant 0 : i32
          %dma_wait3A_200 = arith.constant 0 : i32
          %dma_wait3A_201 = tpu.memref_slice %arg15[%dma_wait3A_199, %dma_wait3A_200] : memref<50048x16xf32, #tpu.memory_space<vmem_shared>> -> memref<50048x16xf32, #tpu.memory_space<vmem_shared>>
          tpu.wait_indirect_dma semaphore(%arg21 : memref<!tpu.dma_semaphore, #tpu.memory_space<semaphore_mem>>) src(%arg13 : memref<200x16xf32, #tpu.memory_space<vmem>>) dst(%dma_wait3A_201 : memref<50048x16xf32, #tpu.memory_space<vmem_shared>>)
        } else {
        }
        %add3A_180 = arith.addi %mul3A_4, %add3A_175 : i32
        "tpu.region"() ({
          %run_scoped3A = tpu.sem_alloc : memref<!tpu.dma_semaphore, #tpu.memory_space<semaphore_mem>>
          %dma_start3A_195 = arith.constant 0 : i32
          %dma_start3A_196 = arith.constant 0 : i32
          %dma_start3A_197 = tpu.memref_slice %arg3[%add3A_180, %dma_start3A_195, %dma_start3A_196] : memref<4000x2x200xi32, #tpu.memory_space<hbm>> -> memref<1x2x200xi32, #tpu.memory_space<hbm>>
          %dma_start3A_198 = tpu.memref_squeeze %dma_start3A_197 : memref<1x2x200xi32, #tpu.memory_space<hbm>> -> memref<2x200xi32, #tpu.memory_space<hbm>>
          %dma_start3A_199 = arith.constant 0 : i32
          %dma_start3A_200 = arith.constant 0 : i32
          %dma_start3A_201 = tpu.memref_slice %arg3[%add3A_180, %dma_start3A_199, %dma_start3A_200] : memref<4000x2x200xi32, #tpu.memory_space<hbm>> -> memref<1x2x200xi32, #tpu.memory_space<hbm>>
          %dma_start3A_202 = tpu.memref_squeeze %dma_start3A_201 : memref<1x2x200xi32, #tpu.memory_space<hbm>> -> memref<2x200xi32, #tpu.memory_space<hbm>>
          tpu.enqueue_dma source(%dma_start3A_202 : memref<2x200xi32, #tpu.memory_space<hbm>>) target(%arg6 : memref<2x200xi32, #tpu.memory_space<vmem>>) target_semaphore(%run_scoped3A : memref<!tpu.dma_semaphore, #tpu.memory_space<semaphore_mem>>)
          %dma_wait3A_203 = arith.constant 0 : i32
          %dma_wait3A_204 = arith.constant 0 : i32
          %dma_wait3A_205 = tpu.memref_slice %arg3[%add3A_180, %dma_wait3A_203, %dma_wait3A_204] : memref<4000x2x200xi32, #tpu.memory_space<hbm>> -> memref<1x2x200xi32, #tpu.memory_space<hbm>>
          %dma_wait3A_206 = tpu.memref_squeeze %dma_wait3A_205 : memref<1x2x200xi32, #tpu.memory_space<hbm>> -> memref<2x200xi32, #tpu.memory_space<hbm>>
          %dma_wait3A_207 = arith.constant 0 : i32
          %dma_wait3A_208 = arith.constant 0 : i32
          %dma_wait3A_209 = tpu.memref_slice %arg3[%add3A_180, %dma_wait3A_207, %dma_wait3A_208] : memref<4000x2x200xi32, #tpu.memory_space<hbm>> -> memref<1x2x200xi32, #tpu.memory_space<hbm>>
          %dma_wait3A_210 = tpu.memref_squeeze %dma_wait3A_209 : memref<1x2x200xi32, #tpu.memory_space<hbm>> -> memref<2x200xi32, #tpu.memory_space<hbm>>
          tpu.wait_dma2 semaphore(%run_scoped3A : memref<!tpu.dma_semaphore, #tpu.memory_space<semaphore_mem>>) src(%dma_wait3A_210 : memref<2x200xi32, #tpu.memory_space<hbm>>) dst(%arg6 : memref<2x200xi32, #tpu.memory_space<vmem>>)
          tpu.yield
        }) : () -> ()
        %dma_start3A_181 = arith.constant 0 : i32
        %dma_start3A_182 = arith.constant 0 : i32
        %dma_start3A_183 = tpu.memref_slice %arg6[%dma_start3A_181, %dma_start3A_182] : memref<2x200xi32, #tpu.memory_space<vmem>> -> memref<1x200xi32, #tpu.memory_space<vmem>>
        %dma_start3A_184 = tpu.memref_squeeze %dma_start3A_183 : memref<1x200xi32, #tpu.memory_space<vmem>> -> memref<200xi32, #tpu.memory_space<vmem>>
        %dma_start3A_185 = arith.constant 0 : i32
        %dma_start3A_186 = arith.constant 0 : i32
        %dma_start3A_187 = tpu.memref_slice %arg2[%dma_start3A_185, %dma_start3A_186] : memref<100000x64xbf16, #tpu.memory_space<hbm>> -> memref<100000x64xbf16, #tpu.memory_space<hbm>>
        tpu.enqueue_indirect_dma source(%dma_start3A_187 : memref<100000x64xbf16, #tpu.memory_space<hbm>>) target(%arg8 : memref<200x64xbf16, #tpu.memory_space<vmem>>) offsets(%dma_start3A_184 : memref<200xi32, #tpu.memory_space<vmem>>) semaphore(%arg16 : memref<!tpu.dma_semaphore, #tpu.memory_space<semaphore_mem>>)
        %dma_start3A_188 = arith.constant 1 : i32
        %dma_start3A_189 = arith.constant 0 : i32
        %dma_start3A_190 = tpu.memref_slice %arg6[%dma_start3A_188, %dma_start3A_189] : memref<2x200xi32, #tpu.memory_space<vmem>> -> memref<1x200xi32, #tpu.memory_space<vmem>>
        %dma_start3A_191 = tpu.memref_squeeze %dma_start3A_190 : memref<1x200xi32, #tpu.memory_space<vmem>> -> memref<200xi32, #tpu.memory_space<vmem>>
        %dma_start3A_192 = arith.constant 0 : i32
        %dma_start3A_193 = arith.constant 0 : i32
        %dma_start3A_194 = tpu.memref_slice %arg2[%dma_start3A_192, %dma_start3A_193] : memref<100000x64xbf16, #tpu.memory_space<hbm>> -> memref<100000x64xbf16, #tpu.memory_space<hbm>>
        tpu.enqueue_indirect_dma source(%dma_start3A_194 : memref<100000x64xbf16, #tpu.memory_space<hbm>>) target(%arg9 : memref<200x64xbf16, #tpu.memory_space<vmem>>) offsets(%dma_start3A_191 : memref<200xi32, #tpu.memory_space<vmem>>) semaphore(%arg17 : memref<!tpu.dma_semaphore, #tpu.memory_space<semaphore_mem>>)
      } else {
      }
      %add3A_166 = arith.constant 1 : i32
      %add3A_167 = arith.addi %mul3A_90, %add3A_166 : i32
      %lt3A_168 = arith.constant 125 : i32
      %lt3A_169 = arith.cmpi slt, %add3A_167, %lt3A_168 : i32
      %convert_element_type3A_170 = arith.extui %lt3A_169 : i1 to i32
      %cond3A_171 = arith.constant 0 : i32
      %cond3A_172 = arith.cmpi ne, %convert_element_type3A_170, %cond3A_171 : i32
      scf.if %cond3A_172 {
        %add3A_174 = arith.constant 1 : i32
        %add3A_175 = arith.addi %mul3A_90, %add3A_174 : i32
        %dma_wait3A_176 = arith.constant 0 : i32
        %dma_wait3A_177 = arith.constant 0 : i32
        %dma_wait3A_178 = tpu.memref_slice %arg7[%dma_wait3A_176, %dma_wait3A_177] : memref<2x200xi32, #tpu.memory_space<vmem>> -> memref<1x200xi32, #tpu.memory_space<vmem>>
        %dma_wait3A_179 = tpu.memref_squeeze %dma_wait3A_178 : memref<1x200xi32, #tpu.memory_space<vmem>> -> memref<200xi32, #tpu.memory_space<vmem>>
        %dma_wait3A_180 = arith.constant 0 : i32
        %dma_wait3A_181 = arith.constant 0 : i32
        %dma_wait3A_182 = tpu.memref_slice %arg2[%dma_wait3A_180, %dma_wait3A_181] : memref<100000x64xbf16, #tpu.memory_space<hbm>> -> memref<100000x64xbf16, #tpu.memory_space<hbm>>
        tpu.wait_indirect_dma semaphore(%arg18 : memref<!tpu.dma_semaphore, #tpu.memory_space<semaphore_mem>>) src(%dma_wait3A_182 : memref<100000x64xbf16, #tpu.memory_space<hbm>>) dst(%arg10 : memref<200x64xbf16, #tpu.memory_space<vmem>>)
        %dma_wait3A_183 = arith.constant 1 : i32
        %dma_wait3A_184 = arith.constant 0 : i32
        %dma_wait3A_185 = tpu.memref_slice %arg7[%dma_wait3A_183, %dma_wait3A_184] : memref<2x200xi32, #tpu.memory_space<vmem>> -> memref<1x200xi32, #tpu.memory_space<vmem>>
        %dma_wait3A_186 = tpu.memref_squeeze %dma_wait3A_185 : memref<1x200xi32, #tpu.memory_space<vmem>> -> memref<200xi32, #tpu.memory_space<vmem>>
        %dma_wait3A_187 = arith.constant 0 : i32
        %dma_wait3A_188 = arith.constant 0 : i32
        %dma_wait3A_189 = tpu.memref_slice %arg2[%dma_wait3A_187, %dma_wait3A_188] : memref<100000x64xbf16, #tpu.memory_space<hbm>> -> memref<100000x64xbf16, #tpu.memory_space<hbm>>
        tpu.wait_indirect_dma semaphore(%arg19 : memref<!tpu.dma_semaphore, #tpu.memory_space<semaphore_mem>>) src(%dma_wait3A_189 : memref<100000x64xbf16, #tpu.memory_space<hbm>>) dst(%arg11 : memref<200x64xbf16, #tpu.memory_space<vmem>>)
        %gt3A_190 = arith.constant 0 : i32
        %gt3A_191 = arith.cmpi sgt, %add3A_175, %gt3A_190 : i32
        %convert_element_type3A_192 = arith.extui %gt3A_191 : i1 to i32
        %cond3A_193 = arith.constant 0 : i32
        %cond3A_194 = arith.cmpi ne, %convert_element_type3A_192, %cond3A_193 : i32
        scf.if %cond3A_194 {
          %sub3A_241 = arith.constant 1 : i32
          %sub3A_242 = arith.subi %add3A_175, %sub3A_241 : i32
          %mul3A_243 = arith.constant 200 : i32
          %mul3A_244 = arith.muli %sub3A_242, %mul3A_243 : i32
          %add3A_245 = arith.addi %multiple_of3A, %mul3A_244 : i32
          %multiple_of3A_246 = tpu.assume_multiple %add3A_245, 8 : i32
          %jit3A_247 = arith.constant 4 : i32
          %div3A_248 = arith.divsi %multiple_of3A_246, %jit3A_247 : i32
          %sign3A_249 = arith.constant 0 : i32
          %sign3A_250 = arith.cmpi sgt, %multiple_of3A_246, %sign3A_249 : i32
          %sign3A_251 = arith.extui %sign3A_250 : i1 to i32
          %sign3A_252 = arith.constant 0 : i32
          %sign3A_253 = arith.cmpi slt, %multiple_of3A_246, %sign3A_252 : i32
          %sign3A_254 = arith.extui %sign3A_253 : i1 to i32
          %sign3A_255 = arith.subi %sign3A_251, %sign3A_254 : i32
          %sign3A_256 = arith.constant 0 : i32
          %sign3A_257 = arith.cmpi sgt, %jit3A_247, %sign3A_256 : i32
          %sign3A_258 = arith.extui %sign3A_257 : i1 to i32
          %sign3A_259 = arith.constant 0 : i32
          %sign3A_260 = arith.cmpi slt, %jit3A_247, %sign3A_259 : i32
          %sign3A_261 = arith.extui %sign3A_260 : i1 to i32
          %sign3A_262 = arith.subi %sign3A_258, %sign3A_261 : i32
          %ne3A_263 = arith.cmpi ne, %sign3A_255, %sign3A_262 : i32
          %rem3A_264 = arith.remsi %multiple_of3A_246, %jit3A_247 : i32
          %ne3A_265 = arith.constant 0 : i32
          %ne3A_266 = arith.cmpi ne, %rem3A_264, %ne3A_265 : i32
          %and3A_267 = arith.andi %ne3A_263, %ne3A_266 : i1
          %sub3A_268 = arith.constant 1 : i32
          %sub3A_269 = arith.subi %div3A_248, %sub3A_268 : i32
          %select_n3A_270 = arith.select %and3A_267, %sub3A_269, %div3A_248 : i32
          %dma_wait3A_271 = arith.constant 0 : i32
          %dma_wait3A_272 = tpu.memref_slice %arg4[%select_n3A_270, %dma_wait3A_271] : memref<200000x256xbf16, #tpu.memory_space<hbm>> -> memref<50x256xbf16, #tpu.memory_space<hbm>>
          %dma_wait3A_273 = arith.constant 0 : i32
          %dma_wait3A_274 = tpu.memref_slice %arg4[%select_n3A_270, %dma_wait3A_273] : memref<200000x256xbf16, #tpu.memory_space<hbm>> -> memref<50x256xbf16, #tpu.memory_space<hbm>>
          tpu.wait_dma2 semaphore(%arg20 : memref<!tpu.dma_semaphore, #tpu.memory_space<semaphore_mem>>) src(%arg12 : memref<50x256xbf16, #tpu.memory_space<vmem>>) dst(%dma_wait3A_274 : memref<50x256xbf16, #tpu.memory_space<hbm>>)
        } else {
        }
        %scan3A_195 = arith.constant 0 : i32
        %scan3A_196 = arith.constant 0 : i32
        %scan3A_197 = arith.constant 50 : i32
        %scan3A_198 = arith.addi %scan3A_196, %scan3A_197 : i32
        %scan3A_199 = arith.constant 1 : i32
        %scan3A_200 = scf.for %scan3A_241 = %scan3A_196 to %scan3A_198 step %scan3A_199 iter_args(%scan3A_242 = %scan3A_195) -> (i32)  : i32 {
          %mul3A_243 = arith.constant 4 : i32
          %mul3A_244 = arith.muli %mul3A_243, %scan3A_241 : i32
          %add3A_245 = arith.constant 0 : i32
          %add3A_246 = arith.addi %mul3A_244, %add3A_245 : i32
          %get3A = arith.index_cast %add3A_246 : i32 to index
          %get3A_247 = arith.constant 0 : index
          %get3A_248 = tpu.vector_load %arg10[%get3A, %get3A_247] {strides = array<i32>} : memref<200x64xbf16, #tpu.memory_space<vmem>>, vector<1x32xbf16>,
          %get3A_249 = vector.shape_cast %get3A_248 : vector<1x32xbf16> to vector<32xbf16>
          %get3A_250 = arith.index_cast %add3A_246 : i32 to index
          %get3A_251 = arith.constant 0 : index
          %get3A_252 = tpu.vector_load %arg11[%get3A_250, %get3A_251] {strides = array<i32>} : memref<200x64xbf16, #tpu.memory_space<vmem>>, vector<1x32xbf16>,
          %get3A_253 = vector.shape_cast %get3A_252 : vector<1x32xbf16> to vector<32xbf16>
          %add3A_254 = arith.addf %get3A_249, %get3A_253 : vector<32xbf16>
          %swap3A = arith.index_cast %scan3A_241 : i32 to index
          %swap3A_255 = arith.constant 0 : index
          %swap3A_256 = tpu.vector_load %arg12[%swap3A, %swap3A_255] {strides = array<i32>} : memref<50x256xbf16, #tpu.memory_space<vmem>>, vector<1x32xbf16>,
          %swap3A_257 = vector.shape_cast %swap3A_256 : vector<1x32xbf16> to vector<32xbf16>
          %swap3A_258 = vector.shape_cast %add3A_254 : vector<32xbf16> to vector<1x32xbf16>
          tpu.vector_store %arg12[%swap3A, %swap3A_255], %swap3A_258 {strides = array<i32>} : memref<50x256xbf16, #tpu.memory_space<vmem>>, vector<1x32xbf16>,
          %get3A_259 = arith.index_cast %add3A_246 : i32 to index
          %get3A_260 = arith.constant 32 : index
          %get3A_261 = tpu.vector_load %arg10[%get3A_259, %get3A_260] {strides = array<i32>} : memref<200x64xbf16, #tpu.memory_space<vmem>>, vector<1x32xbf16>,
          %get3A_262 = vector.shape_cast %get3A_261 : vector<1x32xbf16> to vector<32xbf16>
          %get3A_263 = arith.index_cast %add3A_246 : i32 to index
          %get3A_264 = arith.constant 32 : index
          %get3A_265 = tpu.vector_load %arg11[%get3A_263, %get3A_264] {strides = array<i32>} : memref<200x64xbf16, #tpu.memory_space<vmem>>, vector<1x32xbf16>,
          %get3A_266 = vector.shape_cast %get3A_265 : vector<1x32xbf16> to vector<32xbf16>
          %add3A_267 = arith.addf %get3A_262, %get3A_266 : vector<32xbf16>
          %swap3A_268 = arith.index_cast %scan3A_241 : i32 to index
          %swap3A_269 = arith.constant 32 : index
          %swap3A_270 = tpu.vector_load %arg12[%swap3A_268, %swap3A_269] {strides = array<i32>} : memref<50x256xbf16, #tpu.memory_space<vmem>>, vector<1x32xbf16>,
          %swap3A_271 = vector.shape_cast %swap3A_270 : vector<1x32xbf16> to vector<32xbf16>
          %swap3A_272 = vector.shape_cast %add3A_267 : vector<32xbf16> to vector<1x32xbf16>
          tpu.vector_store %arg12[%swap3A_268, %swap3A_269], %swap3A_272 {strides = array<i32>} : memref<50x256xbf16, #tpu.memory_space<vmem>>, vector<1x32xbf16>,
          %mul3A_273 = arith.constant 4 : i32
          %mul3A_274 = arith.muli %mul3A_273, %scan3A_241 : i32
          %add3A_275 = arith.constant 1 : i32
          %add3A_276 = arith.addi %mul3A_274, %add3A_275 : i32
          %get3A_277 = arith.index_cast %add3A_276 : i32 to index
          %get3A_278 = arith.constant 0 : index
          %get3A_279 = tpu.vector_load %arg10[%get3A_277, %get3A_278] {strides = array<i32>} : memref<200x64xbf16, #tpu.memory_space<vmem>>, vector<1x32xbf16>,
          %get3A_280 = vector.shape_cast %get3A_279 : vector<1x32xbf16> to vector<32xbf16>
          %get3A_281 = arith.index_cast %add3A_276 : i32 to index
          %get3A_282 = arith.constant 0 : index
          %get3A_283 = tpu.vector_load %arg11[%get3A_281, %get3A_282] {strides = array<i32>} : memref<200x64xbf16, #tpu.memory_space<vmem>>, vector<1x32xbf16>,
          %get3A_284 = vector.shape_cast %get3A_283 : vector<1x32xbf16> to vector<32xbf16>
          %add3A_285 = arith.addf %get3A_280, %get3A_284 : vector<32xbf16>
          %swap3A_286 = arith.index_cast %scan3A_241 : i32 to index
          %swap3A_287 = arith.constant 64 : index
          %swap3A_288 = tpu.vector_load %arg12[%swap3A_286, %swap3A_287] {strides = array<i32>} : memref<50x256xbf16, #tpu.memory_space<vmem>>, vector<1x32xbf16>,
          %swap3A_289 = vector.shape_cast %swap3A_288 : vector<1x32xbf16> to vector<32xbf16>
          %swap3A_290 = vector.shape_cast %add3A_285 : vector<32xbf16> to vector<1x32xbf16>
          tpu.vector_store %arg12[%swap3A_286, %swap3A_287], %swap3A_290 {strides = array<i32>} : memref<50x256xbf16, #tpu.memory_space<vmem>>, vector<1x32xbf16>,
          %get3A_291 = arith.index_cast %add3A_276 : i32 to index
          %get3A_292 = arith.constant 32 : index
          %get3A_293 = tpu.vector_load %arg10[%get3A_291, %get3A_292] {strides = array<i32>} : memref<200x64xbf16, #tpu.memory_space<vmem>>, vector<1x32xbf16>,
          %get3A_294 = vector.shape_cast %get3A_293 : vector<1x32xbf16> to vector<32xbf16>
          %get3A_295 = arith.index_cast %add3A_276 : i32 to index
          %get3A_296 = arith.constant 32 : index
          %get3A_297 = tpu.vector_load %arg11[%get3A_295, %get3A_296] {strides = array<i32>} : memref<200x64xbf16, #tpu.memory_space<vmem>>, vector<1x32xbf16>,
          %get3A_298 = vector.shape_cast %get3A_297 : vector<1x32xbf16> to vector<32xbf16>
          %add3A_299 = arith.addf %get3A_294, %get3A_298 : vector<32xbf16>
          %swap3A_300 = arith.index_cast %scan3A_241 : i32 to index
          %swap3A_301 = arith.constant 96 : index
          %swap3A_302 = tpu.vector_load %arg12[%swap3A_300, %swap3A_301] {strides = array<i32>} : memref<50x256xbf16, #tpu.memory_space<vmem>>, vector<1x32xbf16>,
          %swap3A_303 = vector.shape_cast %swap3A_302 : vector<1x32xbf16> to vector<32xbf16>
          %swap3A_304 = vector.shape_cast %add3A_299 : vector<32xbf16> to vector<1x32xbf16>
          tpu.vector_store %arg12[%swap3A_300, %swap3A_301], %swap3A_304 {strides = array<i32>} : memref<50x256xbf16, #tpu.memory_space<vmem>>, vector<1x32xbf16>,
          %mul3A_305 = arith.constant 4 : i32
          %mul3A_306 = arith.muli %mul3A_305, %scan3A_241 : i32
          %add3A_307 = arith.constant 2 : i32
          %add3A_308 = arith.addi %mul3A_306, %add3A_307 : i32
          %get3A_309 = arith.index_cast %add3A_308 : i32 to index
          %get3A_310 = arith.constant 0 : index
          %get3A_311 = tpu.vector_load %arg10[%get3A_309, %get3A_310] {strides = array<i32>} : memref<200x64xbf16, #tpu.memory_space<vmem>>, vector<1x32xbf16>,
          %get3A_312 = vector.shape_cast %get3A_311 : vector<1x32xbf16> to vector<32xbf16>
          %get3A_313 = arith.index_cast %add3A_308 : i32 to index
          %get3A_314 = arith.constant 0 : index
          %get3A_315 = tpu.vector_load %arg11[%get3A_313, %get3A_314] {strides = array<i32>} : memref<200x64xbf16, #tpu.memory_space<vmem>>, vector<1x32xbf16>,
          %get3A_316 = vector.shape_cast %get3A_315 : vector<1x32xbf16> to vector<32xbf16>
          %add3A_317 = arith.addf %get3A_312, %get3A_316 : vector<32xbf16>
          %swap3A_318 = arith.index_cast %scan3A_241 : i32 to index
          %swap3A_319 = arith.constant 128 : index
          %swap3A_320 = tpu.vector_load %arg12[%swap3A_318, %swap3A_319] {strides = array<i32>} : memref<50x256xbf16, #tpu.memory_space<vmem>>, vector<1x32xbf16>,
          %swap3A_321 = vector.shape_cast %swap3A_320 : vector<1x32xbf16> to vector<32xbf16>
          %swap3A_322 = vector.shape_cast %add3A_317 : vector<32xbf16> to vector<1x32xbf16>
          tpu.vector_store %arg12[%swap3A_318, %swap3A_319], %swap3A_322 {strides = array<i32>} : memref<50x256xbf16, #tpu.memory_space<vmem>>, vector<1x32xbf16>,
          %get3A_323 = arith.index_cast %add3A_308 : i32 to index
          %get3A_324 = arith.constant 32 : index
          %get3A_325 = tpu.vector_load %arg10[%get3A_323, %get3A_324] {strides = array<i32>} : memref<200x64xbf16, #tpu.memory_space<vmem>>, vector<1x32xbf16>,
          %get3A_326 = vector.shape_cast %get3A_325 : vector<1x32xbf16> to vector<32xbf16>
          %get3A_327 = arith.index_cast %add3A_308 : i32 to index
          %get3A_328 = arith.constant 32 : index
          %get3A_329 = tpu.vector_load %arg11[%get3A_327, %get3A_328] {strides = array<i32>} : memref<200x64xbf16, #tpu.memory_space<vmem>>, vector<1x32xbf16>,
          %get3A_330 = vector.shape_cast %get3A_329 : vector<1x32xbf16> to vector<32xbf16>
          %add3A_331 = arith.addf %get3A_326, %get3A_330 : vector<32xbf16>
          %swap3A_332 = arith.index_cast %scan3A_241 : i32 to index
          %swap3A_333 = arith.constant 160 : index
          %swap3A_334 = tpu.vector_load %arg12[%swap3A_332, %swap3A_333] {strides = array<i32>} : memref<50x256xbf16, #tpu.memory_space<vmem>>, vector<1x32xbf16>,
          %swap3A_335 = vector.shape_cast %swap3A_334 : vector<1x32xbf16> to vector<32xbf16>
          %swap3A_336 = vector.shape_cast %add3A_331 : vector<32xbf16> to vector<1x32xbf16>
          tpu.vector_store %arg12[%swap3A_332, %swap3A_333], %swap3A_336 {strides = array<i32>} : memref<50x256xbf16, #tpu.memory_space<vmem>>, vector<1x32xbf16>,
          %mul3A_337 = arith.constant 4 : i32
          %mul3A_338 = arith.muli %mul3A_337, %scan3A_241 : i32
          %add3A_339 = arith.constant 3 : i32
          %add3A_340 = arith.addi %mul3A_338, %add3A_339 : i32
          %get3A_341 = arith.index_cast %add3A_340 : i32 to index
          %get3A_342 = arith.constant 0 : index
          %get3A_343 = tpu.vector_load %arg10[%get3A_341, %get3A_342] {strides = array<i32>} : memref<200x64xbf16, #tpu.memory_space<vmem>>, vector<1x32xbf16>,
          %get3A_344 = vector.shape_cast %get3A_343 : vector<1x32xbf16> to vector<32xbf16>
          %get3A_345 = arith.index_cast %add3A_340 : i32 to index
          %get3A_346 = arith.constant 0 : index
          %get3A_347 = tpu.vector_load %arg11[%get3A_345, %get3A_346] {strides = array<i32>} : memref<200x64xbf16, #tpu.memory_space<vmem>>, vector<1x32xbf16>,
          %get3A_348 = vector.shape_cast %get3A_347 : vector<1x32xbf16> to vector<32xbf16>
          %add3A_349 = arith.addf %get3A_344, %get3A_348 : vector<32xbf16>
          %swap3A_350 = arith.index_cast %scan3A_241 : i32 to index
          %swap3A_351 = arith.constant 192 : index
          %swap3A_352 = tpu.vector_load %arg12[%swap3A_350, %swap3A_351] {strides = array<i32>} : memref<50x256xbf16, #tpu.memory_space<vmem>>, vector<1x32xbf16>,
          %swap3A_353 = vector.shape_cast %swap3A_352 : vector<1x32xbf16> to vector<32xbf16>
          %swap3A_354 = vector.shape_cast %add3A_349 : vector<32xbf16> to vector<1x32xbf16>
          tpu.vector_store %arg12[%swap3A_350, %swap3A_351], %swap3A_354 {strides = array<i32>} : memref<50x256xbf16, #tpu.memory_space<vmem>>, vector<1x32xbf16>,
          %get3A_355 = arith.index_cast %add3A_340 : i32 to index
          %get3A_356 = arith.constant 32 : index
          %get3A_357 = tpu.vector_load %arg10[%get3A_355, %get3A_356] {strides = array<i32>} : memref<200x64xbf16, #tpu.memory_space<vmem>>, vector<1x32xbf16>,
          %get3A_358 = vector.shape_cast %get3A_357 : vector<1x32xbf16> to vector<32xbf16>
          %get3A_359 = arith.index_cast %add3A_340 : i32 to index
          %get3A_360 = arith.constant 32 : index
          %get3A_361 = tpu.vector_load %arg11[%get3A_359, %get3A_360] {strides = array<i32>} : memref<200x64xbf16, #tpu.memory_space<vmem>>, vector<1x32xbf16>,
          %get3A_362 = vector.shape_cast %get3A_361 : vector<1x32xbf16> to vector<32xbf16>
          %add3A_363 = arith.addf %get3A_358, %get3A_362 : vector<32xbf16>
          %swap3A_364 = arith.index_cast %scan3A_241 : i32 to index
          %swap3A_365 = arith.constant 224 : index
          %swap3A_366 = tpu.vector_load %arg12[%swap3A_364, %swap3A_365] {strides = array<i32>} : memref<50x256xbf16, #tpu.memory_space<vmem>>, vector<1x32xbf16>,
          %swap3A_367 = vector.shape_cast %swap3A_366 : vector<1x32xbf16> to vector<32xbf16>
          %swap3A_368 = vector.shape_cast %add3A_363 : vector<32xbf16> to vector<1x32xbf16>
          tpu.vector_store %arg12[%swap3A_364, %swap3A_365], %swap3A_368 {strides = array<i32>} : memref<50x256xbf16, #tpu.memory_space<vmem>>, vector<1x32xbf16>,
          %scan3A_369 = arith.constant 0 : i32
          scf.yield %scan3A_369 : i32
        }
        %scan3A_201 = arith.constant 50 : i32
        %mul3A_202 = arith.constant 200 : i32
        %mul3A_203 = arith.muli %add3A_175, %mul3A_202 : i32
        %add3A_204 = arith.addi %multiple_of3A, %mul3A_203 : i32
        %multiple_of3A_205 = tpu.assume_multiple %add3A_204, 8 : i32
        %jit3A_206 = arith.constant 4 : i32
        %div3A_207 = arith.divsi %multiple_of3A_205, %jit3A_206 : i32
        %sign3A_208 = arith.constant 0 : i32
        %sign3A_209 = arith.cmpi sgt, %multiple_of3A_205, %sign3A_208 : i32
        %sign3A_210 = arith.extui %sign3A_209 : i1 to i32
        %sign3A_211 = arith.constant 0 : i32
        %sign3A_212 = arith.cmpi slt, %multiple_of3A_205, %sign3A_211 : i32
        %sign3A_213 = arith.extui %sign3A_212 : i1 to i32
        %sign3A_214 = arith.subi %sign3A_210, %sign3A_213 : i32
        %sign3A_215 = arith.constant 0 : i32
        %sign3A_216 = arith.cmpi sgt, %jit3A_206, %sign3A_215 : i32
        %sign3A_217 = arith.extui %sign3A_216 : i1 to i32
        %sign3A_218 = arith.constant 0 : i32
        %sign3A_219 = arith.cmpi slt, %jit3A_206, %sign3A_218 : i32
        %sign3A_220 = arith.extui %sign3A_219 : i1 to i32
        %sign3A_221 = arith.subi %sign3A_217, %sign3A_220 : i32
        %ne3A_222 = arith.cmpi ne, %sign3A_214, %sign3A_221 : i32
        %rem3A_223 = arith.remsi %multiple_of3A_205, %jit3A_206 : i32
        %ne3A_224 = arith.constant 0 : i32
        %ne3A_225 = arith.cmpi ne, %rem3A_223, %ne3A_224 : i32
        %and3A_226 = arith.andi %ne3A_222, %ne3A_225 : i1
        %sub3A_227 = arith.constant 1 : i32
        %sub3A_228 = arith.subi %div3A_207, %sub3A_227 : i32
        %select_n3A_229 = arith.select %and3A_226, %sub3A_228, %div3A_207 : i32
        %dma_start3A_230 = arith.constant 0 : i32
        %dma_start3A_231 = tpu.memref_slice %arg4[%select_n3A_229, %dma_start3A_230] : memref<200000x256xbf16, #tpu.memory_space<hbm>> -> memref<50x256xbf16, #tpu.memory_space<hbm>>
        %dma_start3A_232 = arith.constant 0 : i32
        %dma_start3A_233 = tpu.memref_slice %arg4[%select_n3A_229, %dma_start3A_232] : memref<200000x256xbf16, #tpu.memory_space<hbm>> -> memref<50x256xbf16, #tpu.memory_space<hbm>>
        tpu.enqueue_dma source(%arg12 : memref<50x256xbf16, #tpu.memory_space<vmem>>) target(%dma_start3A_233 : memref<50x256xbf16, #tpu.memory_space<hbm>>) target_semaphore(%arg20 : memref<!tpu.dma_semaphore, #tpu.memory_space<semaphore_mem>>)
        %dma_start3A_234 = arith.constant 0 : i32
        %dma_start3A_235 = arith.constant 0 : i32
        %dma_start3A_236 = tpu.memref_slice %arg7[%dma_start3A_234, %dma_start3A_235] : memref<2x200xi32, #tpu.memory_space<vmem>> -> memref<1x200xi32, #tpu.memory_space<vmem>>
        %dma_start3A_237 = tpu.memref_squeeze %dma_start3A_236 : memref<1x200xi32, #tpu.memory_space<vmem>> -> memref<200xi32, #tpu.memory_space<vmem>>
        %dma_start3A_238 = arith.constant 0 : i32
        %dma_start3A_239 = arith.constant 0 : i32
        %dma_start3A_240 = tpu.memref_slice %arg15[%dma_start3A_238, %dma_start3A_239] : memref<50048x16xf32, #tpu.memory_space<vmem_shared>> -> memref<50048x16xf32, #tpu.memory_space<vmem_shared>>
        tpu.enqueue_indirect_dma source(%arg13 : memref<200x16xf32, #tpu.memory_space<vmem>>) target(%dma_start3A_240 : memref<50048x16xf32, #tpu.memory_space<vmem_shared>>) offsets(%dma_start3A_237 : memref<200xi32, #tpu.memory_space<vmem>>) semaphore(%arg22 : memref<!tpu.dma_semaphore, #tpu.memory_space<semaphore_mem>>) {add = true}
      } else {
      }
      %scan3A_173 = arith.constant 0 : i32
      scf.yield %scan3A_173 : i32
    }
    %scan3A_49 = arith.constant 63 : i32
    %add3A_50 = arith.constant 24800 : i32
    %add3A_51 = arith.addi %multiple_of3A, %add3A_50 : i32
    %multiple_of3A_52 = tpu.assume_multiple %add3A_51, 8 : i32
    %jit3A = arith.constant 4 : i32
    %div3A = arith.divsi %multiple_of3A_52, %jit3A : i32
    %sign3A = arith.constant 0 : i32
    %sign3A_53 = arith.cmpi sgt, %multiple_of3A_52, %sign3A : i32
    %sign3A_54 = arith.extui %sign3A_53 : i1 to i32
    %sign3A_55 = arith.constant 0 : i32
    %sign3A_56 = arith.cmpi slt, %multiple_of3A_52, %sign3A_55 : i32
    %sign3A_57 = arith.extui %sign3A_56 : i1 to i32
    %sign3A_58 = arith.subi %sign3A_54, %sign3A_57 : i32
    %sign3A_59 = arith.constant 0 : i32
    %sign3A_60 = arith.cmpi sgt, %jit3A, %sign3A_59 : i32
    %sign3A_61 = arith.extui %sign3A_60 : i1 to i32
    %sign3A_62 = arith.constant 0 : i32
    %sign3A_63 = arith.cmpi slt, %jit3A, %sign3A_62 : i32
    %sign3A_64 = arith.extui %sign3A_63 : i1 to i32
    %sign3A_65 = arith.subi %sign3A_61, %sign3A_64 : i32
    %ne3A = arith.cmpi ne, %sign3A_58, %sign3A_65 : i32
    %rem3A = arith.remsi %multiple_of3A_52, %jit3A : i32
    %ne3A_66 = arith.constant 0 : i32
    %ne3A_67 = arith.cmpi ne, %rem3A, %ne3A_66 : i32
    %and3A = arith.andi %ne3A, %ne3A_67 : i1
    %sub3A = arith.constant 1 : i32
    %sub3A_68 = arith.subi %div3A, %sub3A : i32
    %select_n3A = arith.select %and3A, %sub3A_68, %div3A : i32
    %dma_wait3A = arith.constant 0 : i32
    %dma_wait3A_69 = tpu.memref_slice %arg4[%select_n3A, %dma_wait3A] : memref<200000x256xbf16, #tpu.memory_space<hbm>> -> memref<50x256xbf16, #tpu.memory_space<hbm>>
    %dma_wait3A_70 = arith.constant 0 : i32
    %dma_wait3A_71 = tpu.memref_slice %arg4[%select_n3A, %dma_wait3A_70] : memref<200000x256xbf16, #tpu.memory_space<hbm>> -> memref<50x256xbf16, #tpu.memory_space<hbm>>
    tpu.wait_dma2 semaphore(%arg20 : memref<!tpu.dma_semaphore, #tpu.memory_space<semaphore_mem>>) src(%arg12 : memref<50x256xbf16, #tpu.memory_space<vmem>>) dst(%dma_wait3A_71 : memref<50x256xbf16, #tpu.memory_space<hbm>>)
    %dma_wait3A_72 = arith.constant 0 : i32
    %dma_wait3A_73 = arith.constant 0 : i32
    %dma_wait3A_74 = tpu.memref_slice %arg6[%dma_wait3A_72, %dma_wait3A_73] : memref<2x200xi32, #tpu.memory_space<vmem>> -> memref<1x200xi32, #tpu.memory_space<vmem>>
    %dma_wait3A_75 = tpu.memref_squeeze %dma_wait3A_74 : memref<1x200xi32, #tpu.memory_space<vmem>> -> memref<200xi32, #tpu.memory_space<vmem>>
    %dma_wait3A_76 = arith.constant 0 : i32
    %dma_wait3A_77 = arith.constant 0 : i32
    %dma_wait3A_78 = tpu.memref_slice %arg15[%dma_wait3A_76, %dma_wait3A_77] : memref<50048x16xf32, #tpu.memory_space<vmem_shared>> -> memref<50048x16xf32, #tpu.memory_space<vmem_shared>>
    tpu.wait_indirect_dma semaphore(%arg21 : memref<!tpu.dma_semaphore, #tpu.memory_space<semaphore_mem>>) src(%arg13 : memref<200x16xf32, #tpu.memory_space<vmem>>) dst(%dma_wait3A_78 : memref<50048x16xf32, #tpu.memory_space<vmem_shared>>)
    %dma_wait3A_79 = arith.constant 0 : i32
    %dma_wait3A_80 = arith.constant 0 : i32
    %dma_wait3A_81 = tpu.memref_slice %arg7[%dma_wait3A_79, %dma_wait3A_80] : memref<2x200xi32, #tpu.memory_space<vmem>> -> memref<1x200xi32, #tpu.memory_space<vmem>>
    %dma_wait3A_82 = tpu.memref_squeeze %dma_wait3A_81 : memref<1x200xi32, #tpu.memory_space<vmem>> -> memref<200xi32, #tpu.memory_space<vmem>>
    %dma_wait3A_83 = arith.constant 0 : i32
    %dma_wait3A_84 = arith.constant 0 : i32
    %dma_wait3A_85 = tpu.memref_slice %arg15[%dma_wait3A_83, %dma_wait3A_84] : memref<50048x16xf32, #tpu.memory_space<vmem_shared>> -> memref<50048x16xf32, #tpu.memory_space<vmem_shared>>
    tpu.wait_indirect_dma semaphore(%arg22 : memref<!tpu.dma_semaphore, #tpu.memory_space<semaphore_mem>>) src(%arg13 : memref<200x16xf32, #tpu.memory_space<vmem>>) dst(%dma_wait3A_85 : memref<50048x16xf32, #tpu.memory_space<vmem_shared>>)
    %barrier3A_86 = arith.constant 0 : index
    tpu.barrier barrier_id(%barrier3A_86)
    "tpu.region"() ({
      %run_scoped3A = tpu.sem_alloc : memref<!tpu.dma_semaphore, #tpu.memory_space<semaphore_mem>>
      %dma_start3A_87 = arith.constant 0 : i32
      %dma_start3A_88 = tpu.memref_slice %arg5[%arg0, %multiple_of3A_20, %dma_start3A_87] : memref<2x50048x16xf32, #tpu.memory_space<hbm>> -> memref<1x3128x16xf32, #tpu.memory_space<hbm>>
      %dma_start3A_89 = tpu.memref_squeeze %dma_start3A_88 : memref<1x3128x16xf32, #tpu.memory_space<hbm>> -> memref<3128x16xf32, #tpu.memory_space<hbm>>
      %dma_start3A_90 = arith.constant 0 : i32
      %dma_start3A_91 = tpu.memref_slice %arg15[%multiple_of3A_20, %dma_start3A_90] : memref<50048x16xf32, #tpu.memory_space<vmem_shared>> -> memref<3128x16xf32, #tpu.memory_space<vmem_shared>>
      tpu.enqueue_dma source(%dma_start3A_91 : memref<3128x16xf32, #tpu.memory_space<vmem_shared>>) target(%dma_start3A_89 : memref<3128x16xf32, #tpu.memory_space<hbm>>) target_semaphore(%run_scoped3A : memref<!tpu.dma_semaphore, #tpu.memory_space<semaphore_mem>>)
      %dma_wait3A_92 = arith.constant 0 : i32
      %dma_wait3A_93 = tpu.memref_slice %arg5[%arg0, %multiple_of3A_20, %dma_wait3A_92] : memref<2x50048x16xf32, #tpu.memory_space<hbm>> -> memref<1x3128x16xf32, #tpu.memory_space<hbm>>
      %dma_wait3A_94 = tpu.memref_squeeze %dma_wait3A_93 : memref<1x3128x16xf32, #tpu.memory_space<hbm>> -> memref<3128x16xf32, #tpu.memory_space<hbm>>
      %dma_wait3A_95 = arith.constant 0 : i32
      %dma_wait3A_96 = tpu.memref_slice %arg15[%multiple_of3A_20, %dma_wait3A_95] : memref<50048x16xf32, #tpu.memory_space<vmem_shared>> -> memref<3128x16xf32, #tpu.memory_space<vmem_shared>>
      tpu.wait_dma2 semaphore(%run_scoped3A : memref<!tpu.dma_semaphore, #tpu.memory_space<semaphore_mem>>) src(%dma_wait3A_96 : memref<3128x16xf32, #tpu.memory_space<vmem_shared>>) dst(%dma_wait3A_94 : memref<3128x16xf32, #tpu.memory_space<hbm>>)
      tpu.yield
    }) : () -> ()
    return
  }
}

module attributes {stable_mosaic.version = 14 : i64} {
  func.func @_k1_body(%arg0: i32, %arg1: memref<2000x32xf32, #tpu.memory_space<vmem>>, %arg2: memref<2000x1xi32, #tpu.memory_space<vmem>>, %arg3: memref<256x32xf32, #tpu.memory_space<vmem>>, %arg4: memref<32x64xf32, #tpu.memory_space<vmem>>, %arg5: memref<1x64xf32, #tpu.memory_space<vmem>>, %arg6: memref<64x32xf32, #tpu.memory_space<vmem>>, %arg7: memref<1x32xf32, #tpu.memory_space<vmem>>, %arg8: memref<32x64xf32, #tpu.memory_space<vmem>>, %arg9: memref<1x64xf32, #tpu.memory_space<vmem>>, %arg10: memref<64x32xf32, #tpu.memory_space<vmem>>, %arg11: memref<1x32xf32, #tpu.memory_space<vmem>>, %arg12: memref<32x64xf32, #tpu.memory_space<vmem>>, %arg13: memref<32x64xf32, #tpu.memory_space<vmem>>, %arg14: memref<32x64xf32, #tpu.memory_space<vmem>>, %arg15: memref<1x64xf32, #tpu.memory_space<vmem>>, %arg16: memref<32x64xf32, #tpu.memory_space<vmem>>, %arg17: memref<32x64xf32, #tpu.memory_space<vmem>>, %arg18: memref<1x64xf32, #tpu.memory_space<vmem>>, %arg19: memref<2x2000x64xbf16, #tpu.memory_space<vmem>>, %arg20: memref<2000x64xf32, #tpu.memory_space<vmem>>, %arg21: memref<256x32xf32, #tpu.memory_space<vmem>>) attributes {dimension_semantics = [#tpu.dimension_semantics<arbitrary>], iteration_bounds = array<i64: 25>, scalar_prefetch = 0 : i64, scratch_operands = 0 : i64, tpu.core_type = #tpu.core_type<tc>, window_params = [{transform_indices = @transform_0, window_bounds = array<i64: 2000, 32>}, {transform_indices = @transform_1, window_bounds = array<i64: 2000, 1>}, {pipeline_mode = #tpu.pipeline_mode<synchronous>, transform_indices = @transform_2, window_bounds = array<i64: 256, 32>}, {pipeline_mode = #tpu.pipeline_mode<synchronous>, transform_indices = @transform_3, window_bounds = array<i64: 32, 64>}, {pipeline_mode = #tpu.pipeline_mode<synchronous>, transform_indices = @transform_4, window_bounds = array<i64: 1, 64>}, {pipeline_mode = #tpu.pipeline_mode<synchronous>, transform_indices = @transform_5, window_bounds = array<i64: 64, 32>}, {pipeline_mode = #tpu.pipeline_mode<synchronous>, transform_indices = @transform_6, window_bounds = array<i64: 1, 32>}, {pipeline_mode = #tpu.pipeline_mode<synchronous>, transform_indices = @transform_7, window_bounds = array<i64: 32, 64>}, {pipeline_mode = #tpu.pipeline_mode<synchronous>, transform_indices = @transform_8, window_bounds = array<i64: 1, 64>}, {pipeline_mode = #tpu.pipeline_mode<synchronous>, transform_indices = @transform_9, window_bounds = array<i64: 64, 32>}, {pipeline_mode = #tpu.pipeline_mode<synchronous>, transform_indices = @transform_10, window_bounds = array<i64: 1, 32>}, {pipeline_mode = #tpu.pipeline_mode<synchronous>, transform_indices = @transform_11, window_bounds = array<i64: 32, 64>}, {pipeline_mode = #tpu.pipeline_mode<synchronous>, transform_indices = @transform_12, window_bounds = array<i64: 32, 64>}, {pipeline_mode = #tpu.pipeline_mode<synchronous>, transform_indices = @transform_13, window_bounds = array<i64: 32, 64>}, {pipeline_mode = #tpu.pipeline_mode<synchronous>, transform_indices = @transform_14, window_bounds = array<i64: 1, 64>}, {pipeline_mode = #tpu.pipeline_mode<synchronous>, transform_indices = @transform_15, window_bounds = array<i64: 32, 64>}, {pipeline_mode = #tpu.pipeline_mode<synchronous>, transform_indices = @transform_16, window_bounds = array<i64: 32, 64>}, {pipeline_mode = #tpu.pipeline_mode<synchronous>, transform_indices = @transform_17, window_bounds = array<i64: 1, 64>}, {transform_indices = @transform_18, window_bounds = array<i64: 2, 2000, 64>}, {transform_indices = @transform_19, window_bounds = array<i64: 2000, 64>}, {pipeline_mode = #tpu.pipeline_mode<synchronous>, transform_indices = @transform_20, window_bounds = array<i64: 256, 32>}]} {
    %get3A = arith.constant 0 : index
    %get3A_0 = arith.constant 0 : index
    %get3A_1 = vector.load %arg1[%get3A, %get3A_0] : memref<2000x32xf32, #tpu.memory_space<vmem>>, vector<2000x32xf32>
    %get3A_2 = arith.constant 0 : index
    %get3A_3 = arith.constant 0 : index
    %get3A_4 = vector.load %arg4[%get3A_2, %get3A_3] : memref<32x64xf32, #tpu.memory_space<vmem>>, vector<32x64xf32>
    %dot_general3A = arith.constant dense<0.000000e+00> : vector<2000x64xf32>
    %dot_general3A_5 = tpu.matmul %get3A_1, %get3A_4, %dot_general3A {dimension_numbers = #tpu.dot_dimension_numbers<[1], [0], [0], [1], [0, 0, 1, 1], [], []>, transpose_lhs_hint = false} : vector<2000x32xf32>, vector<32x64xf32>, vector<2000x64xf32> -> vector<2000x64xf32>
    %get3A_6 = arith.constant 0 : index
    %get3A_7 = arith.constant 0 : index
    %get3A_8 = vector.load %arg5[%get3A_6, %get3A_7] : memref<1x64xf32, #tpu.memory_space<vmem>>, vector<1x64xf32>
    %add3A = vector.broadcast %get3A_8 : vector<1x64xf32> to vector<2000x64xf32>
    %add3A_9 = arith.addf %dot_general3A_5, %add3A : vector<2000x64xf32>
    %max3A = arith.constant 0.000000e+00 : f32
    %max3A_10 = vector.broadcast %max3A : f32 to vector<2000x64xf32>
    %max3A_11 = arith.maximumf %add3A_9, %max3A_10 : vector<2000x64xf32>
    %get3A_12 = arith.constant 0 : index
    %get3A_13 = arith.constant 0 : index
    %get3A_14 = vector.load %arg6[%get3A_12, %get3A_13] : memref<64x32xf32, #tpu.memory_space<vmem>>, vector<64x32xf32>
    %dot_general3A_15 = arith.constant dense<0.000000e+00> : vector<2000x32xf32>
    %dot_general3A_16 = tpu.matmul %max3A_11, %get3A_14, %dot_general3A_15 {dimension_numbers = #tpu.dot_dimension_numbers<[1], [0], [0], [1], [0, 0, 1, 1], [], []>, transpose_lhs_hint = false} : vector<2000x64xf32>, vector<64x32xf32>, vector<2000x32xf32> -> vector<2000x32xf32>
    %get3A_17 = arith.constant 0 : index
    %get3A_18 = arith.constant 0 : index
    %get3A_19 = vector.load %arg7[%get3A_17, %get3A_18] : memref<1x32xf32, #tpu.memory_space<vmem>>, vector<1x32xf32>
    %add3A_20 = vector.broadcast %get3A_19 : vector<1x32xf32> to vector<2000x32xf32>
    %add3A_21 = arith.addf %dot_general3A_16, %add3A_20 : vector<2000x32xf32>
    %get3A_22 = arith.constant 0 : index
    %get3A_23 = arith.constant 0 : index
    %get3A_24 = vector.load %arg3[%get3A_22, %get3A_23] : memref<256x32xf32, #tpu.memory_space<vmem>>, vector<256x32xf32>
    %get3A_25 = arith.constant 0 : index
    %get3A_26 = arith.constant 0 : index
    %get3A_27 = vector.load %arg8[%get3A_25, %get3A_26] : memref<32x64xf32, #tpu.memory_space<vmem>>, vector<32x64xf32>
    %dot_general3A_28 = arith.constant dense<0.000000e+00> : vector<256x64xf32>
    %dot_general3A_29 = tpu.matmul %get3A_24, %get3A_27, %dot_general3A_28 {dimension_numbers = #tpu.dot_dimension_numbers<[1], [0], [0], [1], [0, 0, 1, 1], [], []>, transpose_lhs_hint = false} : vector<256x32xf32>, vector<32x64xf32>, vector<256x64xf32> -> vector<256x64xf32>
    %get3A_30 = arith.constant 0 : index
    %get3A_31 = arith.constant 0 : index
    %get3A_32 = vector.load %arg9[%get3A_30, %get3A_31] : memref<1x64xf32, #tpu.memory_space<vmem>>, vector<1x64xf32>
    %add3A_33 = vector.broadcast %get3A_32 : vector<1x64xf32> to vector<256x64xf32>
    %add3A_34 = arith.addf %dot_general3A_29, %add3A_33 : vector<256x64xf32>
    %max3A_35 = arith.constant 0.000000e+00 : f32
    %max3A_36 = vector.broadcast %max3A_35 : f32 to vector<256x64xf32>
    %max3A_37 = arith.maximumf %add3A_34, %max3A_36 : vector<256x64xf32>
    %get3A_38 = arith.constant 0 : index
    %get3A_39 = arith.constant 0 : index
    %get3A_40 = vector.load %arg10[%get3A_38, %get3A_39] : memref<64x32xf32, #tpu.memory_space<vmem>>, vector<64x32xf32>
    %dot_general3A_41 = arith.constant dense<0.000000e+00> : vector<256x32xf32>
    %dot_general3A_42 = tpu.matmul %max3A_37, %get3A_40, %dot_general3A_41 {dimension_numbers = #tpu.dot_dimension_numbers<[1], [0], [0], [1], [0, 0, 1, 1], [], []>, transpose_lhs_hint = false} : vector<256x64xf32>, vector<64x32xf32>, vector<256x32xf32> -> vector<256x32xf32>
    %get3A_43 = arith.constant 0 : index
    %get3A_44 = arith.constant 0 : index
    %get3A_45 = vector.load %arg11[%get3A_43, %get3A_44] : memref<1x32xf32, #tpu.memory_space<vmem>>, vector<1x32xf32>
    %add3A_46 = vector.broadcast %get3A_45 : vector<1x32xf32> to vector<256x32xf32>
    %add3A_47 = arith.addf %dot_general3A_42, %add3A_46 : vector<256x32xf32>
    %iota3A = tpu.iota {dimensions = array<i32: 1>} : vector<2000x256xi32>
    %get3A_48 = arith.constant 0 : index
    %get3A_49 = arith.constant 0 : index
    %get3A_50 = vector.load %arg2[%get3A_48, %get3A_49] : memref<2000x1xi32, #tpu.memory_space<vmem>>, vector<2000x1xi32>
    %eq3A = vector.broadcast %get3A_50 : vector<2000x1xi32> to vector<2000x256xi32>
    %eq3A_51 = arith.cmpi eq, %eq3A, %iota3A : vector<2000x256xi32>
    %convert_element_type3A = arith.extui %eq3A_51 : vector<2000x256xi1> to vector<2000x256xi32>
    %convert_element_type3A_52 = arith.sitofp %convert_element_type3A : vector<2000x256xi32> to vector<2000x256xf32>
    %get3A_53 = arith.constant 0 : index
    %get3A_54 = arith.constant 0 : index
    %get3A_55 = vector.load %arg14[%get3A_53, %get3A_54] : memref<32x64xf32, #tpu.memory_space<vmem>>, vector<32x64xf32>
    %dot_general3A_56 = arith.constant dense<0.000000e+00> : vector<256x64xf32>
    %dot_general3A_57 = tpu.matmul %add3A_47, %get3A_55, %dot_general3A_56 {dimension_numbers = #tpu.dot_dimension_numbers<[1], [0], [0], [1], [0, 0, 1, 1], [], []>, transpose_lhs_hint = false} : vector<256x32xf32>, vector<32x64xf32>, vector<256x64xf32> -> vector<256x64xf32>
    %get3A_58 = arith.constant 0 : index
    %get3A_59 = arith.constant 0 : index
    %get3A_60 = vector.load %arg17[%get3A_58, %get3A_59] : memref<32x64xf32, #tpu.memory_space<vmem>>, vector<32x64xf32>
    %dot_general3A_61 = arith.constant dense<0.000000e+00> : vector<256x64xf32>
    %dot_general3A_62 = tpu.matmul %add3A_47, %get3A_60, %dot_general3A_61 {dimension_numbers = #tpu.dot_dimension_numbers<[1], [0], [0], [1], [0, 0, 1, 1], [], []>, transpose_lhs_hint = false} : vector<256x32xf32>, vector<32x64xf32>, vector<256x64xf32> -> vector<256x64xf32>
    %get3A_63 = arith.constant 0 : index
    %get3A_64 = arith.constant 0 : index
    %get3A_65 = vector.load %arg12[%get3A_63, %get3A_64] : memref<32x64xf32, #tpu.memory_space<vmem>>, vector<32x64xf32>
    %dot_general3A_66 = arith.constant dense<0.000000e+00> : vector<2000x64xf32>
    %dot_general3A_67 = tpu.matmul %add3A_21, %get3A_65, %dot_general3A_66 {dimension_numbers = #tpu.dot_dimension_numbers<[1], [0], [0], [1], [0, 0, 1, 1], [], []>, transpose_lhs_hint = false} : vector<2000x32xf32>, vector<32x64xf32>, vector<2000x64xf32> -> vector<2000x64xf32>
    %dot_general3A_68 = arith.constant dense<0.000000e+00> : vector<2000x64xf32>
    %dot_general3A_69 = tpu.matmul %convert_element_type3A_52, %dot_general3A_57, %dot_general3A_68 {dimension_numbers = #tpu.dot_dimension_numbers<[1], [0], [0], [1], [0, 0, 1, 1], [], []>, transpose_lhs_hint = false} : vector<2000x256xf32>, vector<256x64xf32>, vector<2000x64xf32> -> vector<2000x64xf32>
    %add3A_70 = arith.addf %dot_general3A_67, %dot_general3A_69 : vector<2000x64xf32>
    %get3A_71 = arith.constant 0 : index
    %get3A_72 = arith.constant 0 : index
    %get3A_73 = vector.load %arg15[%get3A_71, %get3A_72] : memref<1x64xf32, #tpu.memory_space<vmem>>, vector<1x64xf32>
    %add3A_74 = vector.broadcast %get3A_73 : vector<1x64xf32> to vector<2000x64xf32>
    %add3A_75 = arith.addf %add3A_70, %add3A_74 : vector<2000x64xf32>
    %get3A_76 = arith.constant 0 : index
    %get3A_77 = arith.constant 0 : index
    %get3A_78 = vector.load %arg13[%get3A_76, %get3A_77] : memref<32x64xf32, #tpu.memory_space<vmem>>, vector<32x64xf32>
    %dot_general3A_79 = arith.constant dense<0.000000e+00> : vector<2000x64xf32>
    %dot_general3A_80 = tpu.matmul %add3A_21, %get3A_78, %dot_general3A_79 {dimension_numbers = #tpu.dot_dimension_numbers<[1], [0], [0], [1], [0, 0, 1, 1], [], []>, transpose_lhs_hint = false} : vector<2000x32xf32>, vector<32x64xf32>, vector<2000x64xf32> -> vector<2000x64xf32>
    %convert_element_type3A_81 = arith.truncf %add3A_75 : vector<2000x64xf32> to vector<2000x64xbf16>
    %swap3A = arith.constant 0 : index
    %swap3A_82 = arith.constant 0 : index
    %swap3A_83 = arith.constant 0 : index
    %swap3A_84 = vector.load %arg19[%swap3A, %swap3A_82, %swap3A_83] : memref<2x2000x64xbf16, #tpu.memory_space<vmem>>, vector<1x2000x64xbf16>
    %swap3A_85 = vector.shape_cast %swap3A_84 : vector<1x2000x64xbf16> to vector<2000x64xbf16>
    %swap3A_86 = vector.shape_cast %convert_element_type3A_81 : vector<2000x64xbf16> to vector<1x2000x64xbf16>
    tpu.vector_store %arg19[%swap3A, %swap3A_82, %swap3A_83], %swap3A_86 {strides = array<i32>} : memref<2x2000x64xbf16, #tpu.memory_space<vmem>>, vector<1x2000x64xbf16>,
    %convert_element_type3A_87 = arith.truncf %dot_general3A_80 : vector<2000x64xf32> to vector<2000x64xbf16>
    %swap3A_88 = arith.constant 1 : index
    %swap3A_89 = arith.constant 0 : index
    %swap3A_90 = arith.constant 0 : index
    %swap3A_91 = vector.load %arg19[%swap3A_88, %swap3A_89, %swap3A_90] : memref<2x2000x64xbf16, #tpu.memory_space<vmem>>, vector<1x2000x64xbf16>
    %swap3A_92 = vector.shape_cast %swap3A_91 : vector<1x2000x64xbf16> to vector<2000x64xbf16>
    %swap3A_93 = vector.shape_cast %convert_element_type3A_87 : vector<2000x64xbf16> to vector<1x2000x64xbf16>
    tpu.vector_store %arg19[%swap3A_88, %swap3A_89, %swap3A_90], %swap3A_93 {strides = array<i32>} : memref<2x2000x64xbf16, #tpu.memory_space<vmem>>, vector<1x2000x64xbf16>,
    %get3A_94 = arith.constant 0 : index
    %get3A_95 = arith.constant 0 : index
    %get3A_96 = vector.load %arg16[%get3A_94, %get3A_95] : memref<32x64xf32, #tpu.memory_space<vmem>>, vector<32x64xf32>
    %dot_general3A_97 = arith.constant dense<0.000000e+00> : vector<2000x64xf32>
    %dot_general3A_98 = tpu.matmul %add3A_21, %get3A_96, %dot_general3A_97 {dimension_numbers = #tpu.dot_dimension_numbers<[1], [0], [0], [1], [0, 0, 1, 1], [], []>, transpose_lhs_hint = false} : vector<2000x32xf32>, vector<32x64xf32>, vector<2000x64xf32> -> vector<2000x64xf32>
    %dot_general3A_99 = arith.constant dense<0.000000e+00> : vector<2000x64xf32>
    %dot_general3A_100 = tpu.matmul %convert_element_type3A_52, %dot_general3A_62, %dot_general3A_99 {dimension_numbers = #tpu.dot_dimension_numbers<[1], [0], [0], [1], [0, 0, 1, 1], [], []>, transpose_lhs_hint = false} : vector<2000x256xf32>, vector<256x64xf32>, vector<2000x64xf32> -> vector<2000x64xf32>
    %add3A_101 = arith.addf %dot_general3A_98, %dot_general3A_100 : vector<2000x64xf32>
    %get3A_102 = arith.constant 0 : index
    %get3A_103 = arith.constant 0 : index
    %get3A_104 = vector.load %arg18[%get3A_102, %get3A_103] : memref<1x64xf32, #tpu.memory_space<vmem>>, vector<1x64xf32>
    %add3A_105 = vector.broadcast %get3A_104 : vector<1x64xf32> to vector<2000x64xf32>
    %add3A_106 = arith.addf %add3A_101, %add3A_105 : vector<2000x64xf32>
    %swap3A_107 = arith.constant 0 : index
    %swap3A_108 = arith.constant 0 : index
    %swap3A_109 = vector.load %arg20[%swap3A_107, %swap3A_108] : memref<2000x64xf32, #tpu.memory_space<vmem>>, vector<2000x64xf32>
    tpu.vector_store %arg20[%swap3A_107, %swap3A_108], %add3A_106 {strides = array<i32>} : memref<2000x64xf32, #tpu.memory_space<vmem>>, vector<2000x64xf32>,
    %swap3A_110 = arith.constant 0 : index
    %swap3A_111 = arith.constant 0 : index
    %swap3A_112 = vector.load %arg21[%swap3A_110, %swap3A_111] : memref<256x32xf32, #tpu.memory_space<vmem>>, vector<256x32xf32>
    tpu.vector_store %arg21[%swap3A_110, %swap3A_111], %add3A_47 {strides = array<i32>} : memref<256x32xf32, #tpu.memory_space<vmem>>, vector<256x32xf32>,
    return
  }
  func.func @transform_0(%arg0: i32) -> (i32, i32) {
    %c0_i32 = arith.constant 0 : i32
    %c0_i32_0 = arith.constant 0 : i32
    return %arg0, %c0_i32 : i32, i32
  }
  func.func @transform_1(%arg0: i32) -> (i32, i32) {
    %c0_i32 = arith.constant 0 : i32
    %c0_i32_0 = arith.constant 0 : i32
    return %arg0, %c0_i32 : i32, i32
  }
  func.func @transform_2(%arg0: i32) -> (i32, i32) {
    %c0_i32 = arith.constant 0 : i32
    %c0_i32_0 = arith.constant 0 : i32
    %c0_i32_1 = arith.constant 0 : i32
    return %c0_i32, %c0_i32_0 : i32, i32
  }
  func.func @transform_3(%arg0: i32) -> (i32, i32) {
    %c0_i32 = arith.constant 0 : i32
    %c0_i32_0 = arith.constant 0 : i32
    %c0_i32_1 = arith.constant 0 : i32
    return %c0_i32, %c0_i32_0 : i32, i32
  }
  func.func @transform_4(%arg0: i32) -> (i32, i32) {
    %c0_i32 = arith.constant 0 : i32
    %c0_i32_0 = arith.constant 0 : i32
    %c0_i32_1 = arith.constant 0 : i32
    return %c0_i32, %c0_i32_0 : i32, i32
  }
  func.func @transform_5(%arg0: i32) -> (i32, i32) {
    %c0_i32 = arith.constant 0 : i32
    %c0_i32_0 = arith.constant 0 : i32
    %c0_i32_1 = arith.constant 0 : i32
    return %c0_i32, %c0_i32_0 : i32, i32
  }
  func.func @transform_6(%arg0: i32) -> (i32, i32) {
    %c0_i32 = arith.constant 0 : i32
    %c0_i32_0 = arith.constant 0 : i32
    %c0_i32_1 = arith.constant 0 : i32
    return %c0_i32, %c0_i32_0 : i32, i32
  }
  func.func @transform_7(%arg0: i32) -> (i32, i32) {
    %c0_i32 = arith.constant 0 : i32
    %c0_i32_0 = arith.constant 0 : i32
    %c0_i32_1 = arith.constant 0 : i32
    return %c0_i32, %c0_i32_0 : i32, i32
  }
  func.func @transform_8(%arg0: i32) -> (i32, i32) {
    %c0_i32 = arith.constant 0 : i32
    %c0_i32_0 = arith.constant 0 : i32
    %c0_i32_1 = arith.constant 0 : i32
    return %c0_i32, %c0_i32_0 : i32, i32
  }
  func.func @transform_9(%arg0: i32) -> (i32, i32) {
    %c0_i32 = arith.constant 0 : i32
    %c0_i32_0 = arith.constant 0 : i32
    %c0_i32_1 = arith.constant 0 : i32
    return %c0_i32, %c0_i32_0 : i32, i32
  }
  func.func @transform_10(%arg0: i32) -> (i32, i32) {
    %c0_i32 = arith.constant 0 : i32
    %c0_i32_0 = arith.constant 0 : i32
    %c0_i32_1 = arith.constant 0 : i32
    return %c0_i32, %c0_i32_0 : i32, i32
  }
  func.func @transform_11(%arg0: i32) -> (i32, i32) {
    %c0_i32 = arith.constant 0 : i32
    %c0_i32_0 = arith.constant 0 : i32
    %c0_i32_1 = arith.constant 0 : i32
    return %c0_i32, %c0_i32_0 : i32, i32
  }
  func.func @transform_12(%arg0: i32) -> (i32, i32) {
    %c0_i32 = arith.constant 0 : i32
    %c0_i32_0 = arith.constant 0 : i32
    %c0_i32_1 = arith.constant 0 : i32
    return %c0_i32, %c0_i32_0 : i32, i32
  }
  func.func @transform_13(%arg0: i32) -> (i32, i32) {
    %c0_i32 = arith.constant 0 : i32
    %c0_i32_0 = arith.constant 0 : i32
    %c0_i32_1 = arith.constant 0 : i32
    return %c0_i32, %c0_i32_0 : i32, i32
  }
  func.func @transform_14(%arg0: i32) -> (i32, i32) {
    %c0_i32 = arith.constant 0 : i32
    %c0_i32_0 = arith.constant 0 : i32
    %c0_i32_1 = arith.constant 0 : i32
    return %c0_i32, %c0_i32_0 : i32, i32
  }
  func.func @transform_15(%arg0: i32) -> (i32, i32) {
    %c0_i32 = arith.constant 0 : i32
    %c0_i32_0 = arith.constant 0 : i32
    %c0_i32_1 = arith.constant 0 : i32
    return %c0_i32, %c0_i32_0 : i32, i32
  }
  func.func @transform_16(%arg0: i32) -> (i32, i32) {
    %c0_i32 = arith.constant 0 : i32
    %c0_i32_0 = arith.constant 0 : i32
    %c0_i32_1 = arith.constant 0 : i32
    return %c0_i32, %c0_i32_0 : i32, i32
  }
  func.func @transform_17(%arg0: i32) -> (i32, i32) {
    %c0_i32 = arith.constant 0 : i32
    %c0_i32_0 = arith.constant 0 : i32
    %c0_i32_1 = arith.constant 0 : i32
    return %c0_i32, %c0_i32_0 : i32, i32
  }
  func.func @transform_18(%arg0: i32) -> (i32, i32, i32) {
    %c0_i32 = arith.constant 0 : i32
    %c0_i32_0 = arith.constant 0 : i32
    %c0_i32_1 = arith.constant 0 : i32
    return %c0_i32, %arg0, %c0_i32_0 : i32, i32, i32
  }
  func.func @transform_19(%arg0: i32) -> (i32, i32) {
    %c0_i32 = arith.constant 0 : i32
    %c0_i32_0 = arith.constant 0 : i32
    return %arg0, %c0_i32 : i32, i32
  }
  func.func @transform_20(%arg0: i32) -> (i32, i32) {
    %c0_i32 = arith.constant 0 : i32
    %c0_i32_0 = arith.constant 0 : i32
    %c0_i32_1 = arith.constant 0 : i32
    return %c0_i32, %c0_i32_0 : i32, i32
  }
}

module attributes {stable_mosaic.version = 14 : i64} {
  func.func @_k3_body(%arg0: i32, %arg1: memref<1000x128xf32, #tpu.memory_space<vmem>>, %arg2: memref<1000x256xbf16, #tpu.memory_space<vmem>>, %arg3: memref<128x256xf32, #tpu.memory_space<vmem>>, %arg4: memref<1x256xf32, #tpu.memory_space<vmem>>, %arg5: memref<256x256xf32, #tpu.memory_space<vmem>>, %arg6: memref<1x256xf32, #tpu.memory_space<vmem>>, %arg7: memref<256x256xf32, #tpu.memory_space<vmem>>, %arg8: memref<1x256xf32, #tpu.memory_space<vmem>>, %arg9: memref<256x128xf32, #tpu.memory_space<vmem>>, %arg10: memref<1x128xf32, #tpu.memory_space<vmem>>, %arg11: memref<1000x128xf32, #tpu.memory_space<vmem>>) attributes {dimension_semantics = [#tpu.dimension_semantics<arbitrary>], iteration_bounds = array<i64: 200>, scalar_prefetch = 0 : i64, scratch_operands = 0 : i64, tpu.core_type = #tpu.core_type<tc>, window_params = [{transform_indices = @transform_0, window_bounds = array<i64: 1000, 128>}, {transform_indices = @transform_1, window_bounds = array<i64: 1000, 256>}, {pipeline_mode = #tpu.pipeline_mode<synchronous>, transform_indices = @transform_2, window_bounds = array<i64: 128, 256>}, {pipeline_mode = #tpu.pipeline_mode<synchronous>, transform_indices = @transform_3, window_bounds = array<i64: 1, 256>}, {pipeline_mode = #tpu.pipeline_mode<synchronous>, transform_indices = @transform_4, window_bounds = array<i64: 256, 256>}, {pipeline_mode = #tpu.pipeline_mode<synchronous>, transform_indices = @transform_5, window_bounds = array<i64: 1, 256>}, {pipeline_mode = #tpu.pipeline_mode<synchronous>, transform_indices = @transform_6, window_bounds = array<i64: 256, 256>}, {pipeline_mode = #tpu.pipeline_mode<synchronous>, transform_indices = @transform_7, window_bounds = array<i64: 1, 256>}, {pipeline_mode = #tpu.pipeline_mode<synchronous>, transform_indices = @transform_8, window_bounds = array<i64: 256, 128>}, {pipeline_mode = #tpu.pipeline_mode<synchronous>, transform_indices = @transform_9, window_bounds = array<i64: 1, 128>}, {transform_indices = @transform_10, window_bounds = array<i64: 1000, 128>}]} {
    %get3A = arith.constant 0 : index
    %get3A_0 = arith.constant 0 : index
    %get3A_1 = vector.load %arg1[%get3A, %get3A_0] : memref<1000x128xf32, #tpu.memory_space<vmem>>, vector<1000x128xf32>
    %get3A_2 = arith.constant 0 : index
    %get3A_3 = arith.constant 0 : index
    %get3A_4 = vector.load %arg2[%get3A_2, %get3A_3] : memref<1000x256xbf16, #tpu.memory_space<vmem>>, vector<1000x256xbf16>
    %convert_element_type3A = arith.extf %get3A_4 : vector<1000x256xbf16> to vector<1000x256xf32>
    %get3A_5 = arith.constant 0 : index
    %get3A_6 = arith.constant 0 : index
    %get3A_7 = vector.load %arg3[%get3A_5, %get3A_6] : memref<128x256xf32, #tpu.memory_space<vmem>>, vector<128x256xf32>
    %dot_general3A = arith.constant dense<0.000000e+00> : vector<1000x256xf32>
    %dot_general3A_8 = tpu.matmul %get3A_1, %get3A_7, %dot_general3A {dimension_numbers = #tpu.dot_dimension_numbers<[1], [0], [0], [1], [0, 0, 1, 1], [], []>, transpose_lhs_hint = false} : vector<1000x128xf32>, vector<128x256xf32>, vector<1000x256xf32> -> vector<1000x256xf32>
    %get3A_9 = arith.constant 0 : index
    %get3A_10 = arith.constant 0 : index
    %get3A_11 = vector.load %arg4[%get3A_9, %get3A_10] : memref<1x256xf32, #tpu.memory_space<vmem>>, vector<1x256xf32>
    %add3A = vector.broadcast %get3A_11 : vector<1x256xf32> to vector<1000x256xf32>
    %add3A_12 = arith.addf %dot_general3A_8, %add3A : vector<1000x256xf32>
    %max3A = arith.constant 0.000000e+00 : f32
    %max3A_13 = vector.broadcast %max3A : f32 to vector<1000x256xf32>
    %max3A_14 = arith.maximumf %add3A_12, %max3A_13 : vector<1000x256xf32>
    %get3A_15 = arith.constant 0 : index
    %get3A_16 = arith.constant 0 : index
    %get3A_17 = vector.load %arg5[%get3A_15, %get3A_16] : memref<256x256xf32, #tpu.memory_space<vmem>>, vector<256x256xf32>
    %dot_general3A_18 = arith.constant dense<0.000000e+00> : vector<1000x256xf32>
    %dot_general3A_19 = tpu.matmul %max3A_14, %get3A_17, %dot_general3A_18 {dimension_numbers = #tpu.dot_dimension_numbers<[1], [0], [0], [1], [0, 0, 1, 1], [], []>, transpose_lhs_hint = false} : vector<1000x256xf32>, vector<256x256xf32>, vector<1000x256xf32> -> vector<1000x256xf32>
    %add3A_20 = arith.addf %convert_element_type3A, %dot_general3A_19 : vector<1000x256xf32>
    %get3A_21 = arith.constant 0 : index
    %get3A_22 = arith.constant 0 : index
    %get3A_23 = vector.load %arg6[%get3A_21, %get3A_22] : memref<1x256xf32, #tpu.memory_space<vmem>>, vector<1x256xf32>
    %add3A_24 = vector.broadcast %get3A_23 : vector<1x256xf32> to vector<1000x256xf32>
    %add3A_25 = arith.addf %add3A_20, %add3A_24 : vector<1000x256xf32>
    %max3A_26 = arith.constant 0.000000e+00 : f32
    %max3A_27 = vector.broadcast %max3A_26 : f32 to vector<1000x256xf32>
    %max3A_28 = arith.maximumf %add3A_25, %max3A_27 : vector<1000x256xf32>
    %get3A_29 = arith.constant 0 : index
    %get3A_30 = arith.constant 0 : index
    %get3A_31 = vector.load %arg7[%get3A_29, %get3A_30] : memref<256x256xf32, #tpu.memory_space<vmem>>, vector<256x256xf32>
    %dot_general3A_32 = arith.constant dense<0.000000e+00> : vector<1000x256xf32>
    %dot_general3A_33 = tpu.matmul %max3A_28, %get3A_31, %dot_general3A_32 {dimension_numbers = #tpu.dot_dimension_numbers<[1], [0], [0], [1], [0, 0, 1, 1], [], []>, transpose_lhs_hint = false} : vector<1000x256xf32>, vector<256x256xf32>, vector<1000x256xf32> -> vector<1000x256xf32>
    %get3A_34 = arith.constant 0 : index
    %get3A_35 = arith.constant 0 : index
    %get3A_36 = vector.load %arg8[%get3A_34, %get3A_35] : memref<1x256xf32, #tpu.memory_space<vmem>>, vector<1x256xf32>
    %add3A_37 = vector.broadcast %get3A_36 : vector<1x256xf32> to vector<1000x256xf32>
    %add3A_38 = arith.addf %dot_general3A_33, %add3A_37 : vector<1000x256xf32>
    %max3A_39 = arith.constant 0.000000e+00 : f32
    %max3A_40 = vector.broadcast %max3A_39 : f32 to vector<1000x256xf32>
    %max3A_41 = arith.maximumf %add3A_38, %max3A_40 : vector<1000x256xf32>
    %get3A_42 = arith.constant 0 : index
    %get3A_43 = arith.constant 0 : index
    %get3A_44 = vector.load %arg9[%get3A_42, %get3A_43] : memref<256x128xf32, #tpu.memory_space<vmem>>, vector<256x128xf32>
    %dot_general3A_45 = arith.constant dense<0.000000e+00> : vector<1000x128xf32>
    %dot_general3A_46 = tpu.matmul %max3A_41, %get3A_44, %dot_general3A_45 {dimension_numbers = #tpu.dot_dimension_numbers<[1], [0], [0], [1], [0, 0, 1, 1], [], []>, transpose_lhs_hint = false} : vector<1000x256xf32>, vector<256x128xf32>, vector<1000x128xf32> -> vector<1000x128xf32>
    %get3A_47 = arith.constant 0 : index
    %get3A_48 = arith.constant 0 : index
    %get3A_49 = vector.load %arg10[%get3A_47, %get3A_48] : memref<1x128xf32, #tpu.memory_space<vmem>>, vector<1x128xf32>
    %add3A_50 = vector.broadcast %get3A_49 : vector<1x128xf32> to vector<1000x128xf32>
    %add3A_51 = arith.addf %dot_general3A_46, %add3A_50 : vector<1000x128xf32>
    %add3A_52 = arith.addf %add3A_51, %get3A_1 : vector<1000x128xf32>
    %swap3A = arith.constant 0 : index
    %swap3A_53 = arith.constant 0 : index
    %swap3A_54 = vector.load %arg11[%swap3A, %swap3A_53] : memref<1000x128xf32, #tpu.memory_space<vmem>>, vector<1000x128xf32>
    tpu.vector_store %arg11[%swap3A, %swap3A_53], %add3A_52 {strides = array<i32>} : memref<1000x128xf32, #tpu.memory_space<vmem>>, vector<1000x128xf32>,
    return
  }
  func.func @transform_0(%arg0: i32) -> (i32, i32) {
    %c0_i32 = arith.constant 0 : i32
    %c0_i32_0 = arith.constant 0 : i32
    return %arg0, %c0_i32 : i32, i32
  }
  func.func @transform_1(%arg0: i32) -> (i32, i32) {
    %c0_i32 = arith.constant 0 : i32
    %c0_i32_0 = arith.constant 0 : i32
    return %arg0, %c0_i32 : i32, i32
  }
  func.func @transform_2(%arg0: i32) -> (i32, i32) {
    %c0_i32 = arith.constant 0 : i32
    %c0_i32_0 = arith.constant 0 : i32
    %c0_i32_1 = arith.constant 0 : i32
    return %c0_i32, %c0_i32_0 : i32, i32
  }
  func.func @transform_3(%arg0: i32) -> (i32, i32) {
    %c0_i32 = arith.constant 0 : i32
    %c0_i32_0 = arith.constant 0 : i32
    %c0_i32_1 = arith.constant 0 : i32
    return %c0_i32, %c0_i32_0 : i32, i32
  }
  func.func @transform_4(%arg0: i32) -> (i32, i32) {
    %c0_i32 = arith.constant 0 : i32
    %c0_i32_0 = arith.constant 0 : i32
    %c0_i32_1 = arith.constant 0 : i32
    return %c0_i32, %c0_i32_0 : i32, i32
  }
  func.func @transform_5(%arg0: i32) -> (i32, i32) {
    %c0_i32 = arith.constant 0 : i32
    %c0_i32_0 = arith.constant 0 : i32
    %c0_i32_1 = arith.constant 0 : i32
    return %c0_i32, %c0_i32_0 : i32, i32
  }
  func.func @transform_6(%arg0: i32) -> (i32, i32) {
    %c0_i32 = arith.constant 0 : i32
    %c0_i32_0 = arith.constant 0 : i32
    %c0_i32_1 = arith.constant 0 : i32
    return %c0_i32, %c0_i32_0 : i32, i32
  }
  func.func @transform_7(%arg0: i32) -> (i32, i32) {
    %c0_i32 = arith.constant 0 : i32
    %c0_i32_0 = arith.constant 0 : i32
    %c0_i32_1 = arith.constant 0 : i32
    return %c0_i32, %c0_i32_0 : i32, i32
  }
  func.func @transform_8(%arg0: i32) -> (i32, i32) {
    %c0_i32 = arith.constant 0 : i32
    %c0_i32_0 = arith.constant 0 : i32
    %c0_i32_1 = arith.constant 0 : i32
    return %c0_i32, %c0_i32_0 : i32, i32
  }
  func.func @transform_9(%arg0: i32) -> (i32, i32) {
    %c0_i32 = arith.constant 0 : i32
    %c0_i32_0 = arith.constant 0 : i32
    %c0_i32_1 = arith.constant 0 : i32
    return %c0_i32, %c0_i32_0 : i32, i32
  }
  func.func @transform_10(%arg0: i32) -> (i32, i32) {
    %c0_i32 = arith.constant 0 : i32
    %c0_i32_0 = arith.constant 0 : i32
    return %arg0, %c0_i32 : i32, i32
  }
}

module attributes {stable_mosaic.version = 14 : i64} {
  func.func @_k5_body(%arg0: i32, %arg1: memref<2x2000x32xf32, #tpu.memory_space<vmem>>, %arg2: memref<2x2000x16xf32, #tpu.memory_space<vmem>>, %arg3: memref<2000x64xf32, #tpu.memory_space<vmem>>, %arg4: memref<2000x32xf32, #tpu.memory_space<vmem>>, %arg5: memref<2000x1xi32, #tpu.memory_space<vmem>>, %arg6: memref<32x64xf32, #tpu.memory_space<vmem>>, %arg7: memref<64x64xf32, #tpu.memory_space<vmem>>, %arg8: memref<1x64xf32, #tpu.memory_space<vmem>>, %arg9: memref<64x32xf32, #tpu.memory_space<vmem>>, %arg10: memref<1x32xf32, #tpu.memory_space<vmem>>, %arg11: memref<2000x32xf32, #tpu.memory_space<vmem>>, %arg12: memref<256x128xf32, #tpu.memory_space<vmem>>) attributes {dimension_semantics = [#tpu.dimension_semantics<arbitrary>], iteration_bounds = array<i64: 25>, scalar_prefetch = 0 : i64, scratch_operands = 0 : i64, tpu.core_type = #tpu.core_type<tc>, window_params = [{transform_indices = @transform_0, window_bounds = array<i64: 2, 2000, 32>}, {transform_indices = @transform_1, window_bounds = array<i64: 2, 2000, 16>}, {transform_indices = @transform_2, window_bounds = array<i64: 2000, 64>}, {transform_indices = @transform_3, window_bounds = array<i64: 2000, 32>}, {transform_indices = @transform_4, window_bounds = array<i64: 2000, 1>}, {pipeline_mode = #tpu.pipeline_mode<synchronous>, transform_indices = @transform_5, window_bounds = array<i64: 32, 64>}, {pipeline_mode = #tpu.pipeline_mode<synchronous>, transform_indices = @transform_6, window_bounds = array<i64: 64, 64>}, {pipeline_mode = #tpu.pipeline_mode<synchronous>, transform_indices = @transform_7, window_bounds = array<i64: 1, 64>}, {pipeline_mode = #tpu.pipeline_mode<synchronous>, transform_indices = @transform_8, window_bounds = array<i64: 64, 32>}, {pipeline_mode = #tpu.pipeline_mode<synchronous>, transform_indices = @transform_9, window_bounds = array<i64: 1, 32>}, {transform_indices = @transform_10, window_bounds = array<i64: 2000, 32>}, {pipeline_mode = #tpu.pipeline_mode<synchronous>, transform_indices = @transform_11, window_bounds = array<i64: 256, 128>}]} {
    %get3A = arith.constant 0 : index
    %get3A_0 = arith.constant 0 : index
    %get3A_1 = arith.constant 0 : index
    %get3A_2 = vector.load %arg1[%get3A, %get3A_0, %get3A_1] : memref<2x2000x32xf32, #tpu.memory_space<vmem>>, vector<1x2000x32xf32>
    %get3A_3 = vector.shape_cast %get3A_2 : vector<1x2000x32xf32> to vector<2000x32xf32>
    %get3A_4 = arith.constant 1 : index
    %get3A_5 = arith.constant 0 : index
    %get3A_6 = arith.constant 0 : index
    %get3A_7 = vector.load %arg1[%get3A_4, %get3A_5, %get3A_6] : memref<2x2000x32xf32, #tpu.memory_space<vmem>>, vector<1x2000x32xf32>
    %get3A_8 = vector.shape_cast %get3A_7 : vector<1x2000x32xf32> to vector<2000x32xf32>
    %add3A = arith.addf %get3A_3, %get3A_8 : vector<2000x32xf32>
    %get3A_9 = arith.constant 0 : index
    %get3A_10 = arith.constant 0 : index
    %get3A_11 = arith.constant 0 : index
    %get3A_12 = vector.load %arg2[%get3A_9, %get3A_10, %get3A_11] : memref<2x2000x16xf32, #tpu.memory_space<vmem>>, vector<1x2000x1xf32>
    %get3A_13 = vector.shape_cast %get3A_12 : vector<1x2000x1xf32> to vector<2000x1xf32>
    %get3A_14 = arith.constant 1 : index
    %get3A_15 = arith.constant 0 : index
    %get3A_16 = arith.constant 0 : index
    %get3A_17 = vector.load %arg2[%get3A_14, %get3A_15, %get3A_16] : memref<2x2000x16xf32, #tpu.memory_space<vmem>>, vector<1x2000x1xf32>
    %get3A_18 = vector.shape_cast %get3A_17 : vector<1x2000x1xf32> to vector<2000x1xf32>
    %add3A_19 = arith.addf %get3A_13, %get3A_18 : vector<2000x1xf32>
    %max3A = arith.constant 1.000000e+00 : f32
    %max3A_20 = vector.broadcast %max3A : f32 to vector<2000x1xf32>
    %max3A_21 = arith.maximumf %add3A_19, %max3A_20 : vector<2000x1xf32>
    %div3A = vector.broadcast %max3A_21 : vector<2000x1xf32> to vector<2000x32xf32>
    %div3A_22 = arith.divf %add3A, %div3A : vector<2000x32xf32>
    %get3A_23 = arith.constant 0 : index
    %get3A_24 = arith.constant 0 : index
    %get3A_25 = vector.load %arg6[%get3A_23, %get3A_24] : memref<32x64xf32, #tpu.memory_space<vmem>>, vector<32x64xf32>
    %dot_general3A = arith.constant dense<0.000000e+00> : vector<2000x64xf32>
    %dot_general3A_26 = tpu.matmul %div3A_22, %get3A_25, %dot_general3A {dimension_numbers = #tpu.dot_dimension_numbers<[1], [0], [0], [1], [0, 0, 1, 1], [], []>, transpose_lhs_hint = false} : vector<2000x32xf32>, vector<32x64xf32>, vector<2000x64xf32> -> vector<2000x64xf32>
    %get3A_27 = arith.constant 0 : index
    %get3A_28 = arith.constant 0 : index
    %get3A_29 = vector.load %arg3[%get3A_27, %get3A_28] : memref<2000x64xf32, #tpu.memory_space<vmem>>, vector<2000x64xf32>
    %add3A_30 = arith.addf %dot_general3A_26, %get3A_29 : vector<2000x64xf32>
    %max3A_31 = arith.constant 0.000000e+00 : f32
    %max3A_32 = vector.broadcast %max3A_31 : f32 to vector<2000x64xf32>
    %max3A_33 = arith.maximumf %add3A_30, %max3A_32 : vector<2000x64xf32>
    %get3A_34 = arith.constant 0 : index
    %get3A_35 = arith.constant 0 : index
    %get3A_36 = vector.load %arg7[%get3A_34, %get3A_35] : memref<64x64xf32, #tpu.memory_space<vmem>>, vector<64x64xf32>
    %dot_general3A_37 = arith.constant dense<0.000000e+00> : vector<2000x64xf32>
    %dot_general3A_38 = tpu.matmul %max3A_33, %get3A_36, %dot_general3A_37 {dimension_numbers = #tpu.dot_dimension_numbers<[1], [0], [0], [1], [0, 0, 1, 1], [], []>, transpose_lhs_hint = false} : vector<2000x64xf32>, vector<64x64xf32>, vector<2000x64xf32> -> vector<2000x64xf32>
    %get3A_39 = arith.constant 0 : index
    %get3A_40 = arith.constant 0 : index
    %get3A_41 = vector.load %arg8[%get3A_39, %get3A_40] : memref<1x64xf32, #tpu.memory_space<vmem>>, vector<1x64xf32>
    %add3A_42 = vector.broadcast %get3A_41 : vector<1x64xf32> to vector<2000x64xf32>
    %add3A_43 = arith.addf %dot_general3A_38, %add3A_42 : vector<2000x64xf32>
    %max3A_44 = arith.constant 0.000000e+00 : f32
    %max3A_45 = vector.broadcast %max3A_44 : f32 to vector<2000x64xf32>
    %max3A_46 = arith.maximumf %add3A_43, %max3A_45 : vector<2000x64xf32>
    %get3A_47 = arith.constant 0 : index
    %get3A_48 = arith.constant 0 : index
    %get3A_49 = vector.load %arg9[%get3A_47, %get3A_48] : memref<64x32xf32, #tpu.memory_space<vmem>>, vector<64x32xf32>
    %dot_general3A_50 = arith.constant dense<0.000000e+00> : vector<2000x32xf32>
    %dot_general3A_51 = tpu.matmul %max3A_46, %get3A_49, %dot_general3A_50 {dimension_numbers = #tpu.dot_dimension_numbers<[1], [0], [0], [1], [0, 0, 1, 1], [], []>, transpose_lhs_hint = false} : vector<2000x64xf32>, vector<64x32xf32>, vector<2000x32xf32> -> vector<2000x32xf32>
    %get3A_52 = arith.constant 0 : index
    %get3A_53 = arith.constant 0 : index
    %get3A_54 = vector.load %arg10[%get3A_52, %get3A_53] : memref<1x32xf32, #tpu.memory_space<vmem>>, vector<1x32xf32>
    %add3A_55 = vector.broadcast %get3A_54 : vector<1x32xf32> to vector<2000x32xf32>
    %add3A_56 = arith.addf %dot_general3A_51, %add3A_55 : vector<2000x32xf32>
    %get3A_57 = arith.constant 0 : index
    %get3A_58 = arith.constant 0 : index
    %get3A_59 = vector.load %arg4[%get3A_57, %get3A_58] : memref<2000x32xf32, #tpu.memory_space<vmem>>, vector<2000x32xf32>
    %add3A_60 = arith.addf %add3A_56, %get3A_59 : vector<2000x32xf32>
    %swap3A = arith.constant 0 : index
    %swap3A_61 = arith.constant 0 : index
    %swap3A_62 = vector.load %arg11[%swap3A, %swap3A_61] : memref<2000x32xf32, #tpu.memory_space<vmem>>, vector<2000x32xf32>
    tpu.vector_store %arg11[%swap3A, %swap3A_61], %add3A_60 {strides = array<i32>} : memref<2000x32xf32, #tpu.memory_space<vmem>>, vector<2000x32xf32>,
    %iota3A = tpu.iota {dimensions = array<i32: 1>} : vector<2000x256xi32>
    %get3A_63 = arith.constant 0 : index
    %get3A_64 = arith.constant 0 : index
    %get3A_65 = vector.load %arg5[%get3A_63, %get3A_64] : memref<2000x1xi32, #tpu.memory_space<vmem>>, vector<2000x1xi32>
    %eq3A = vector.broadcast %get3A_65 : vector<2000x1xi32> to vector<2000x256xi32>
    %eq3A_66 = arith.cmpi eq, %eq3A, %iota3A : vector<2000x256xi32>
    %convert_element_type3A = arith.extui %eq3A_66 : vector<2000x256xi1> to vector<2000x256xi32>
    %convert_element_type3A_67 = arith.sitofp %convert_element_type3A : vector<2000x256xi32> to vector<2000x256xf32>
    %broadcast_in_dim3A = arith.constant 1.000000e+00 : f32
    %broadcast_in_dim3A_68 = vector.broadcast %broadcast_in_dim3A : f32 to vector<2000x1xf32>
    %broadcast_in_dim3A_69 = arith.constant 0.000000e+00 : f32
    %broadcast_in_dim3A_70 = vector.broadcast %broadcast_in_dim3A_69 : f32 to vector<2000x62xf32>
    %concatenate3A = tpu.concatenate %add3A_60, %add3A, %add3A_19, %broadcast_in_dim3A_68, %broadcast_in_dim3A_70 in 1 : vector<2000x32xf32>, vector<2000x32xf32>, vector<2000x1xf32>, vector<2000x1xf32>, vector<2000x62xf32> -> vector<2000x128xf32>
    %dot_general3A_71 = arith.constant dense<0.000000e+00> : vector<256x128xf32>
    %dot_general3A_72 = tpu.matmul %convert_element_type3A_67, %concatenate3A, %dot_general3A_71 {dimension_numbers = #tpu.dot_dimension_numbers<[0], [0], [1], [1], [0, 1, 1, 1], [], []>, transpose_lhs_hint = false} : vector<2000x256xf32>, vector<2000x128xf32>, vector<256x128xf32> -> vector<256x128xf32>
    %eq3A_73 = arith.constant 0 : i32
    %eq3A_74 = arith.cmpi eq, %arg0, %eq3A_73 : i32
    %convert_element_type3A_75 = arith.extui %eq3A_74 : i1 to i32
    %cond3A = arith.constant 0 : i32
    %cond3A_76 = arith.cmpi ne, %convert_element_type3A_75, %cond3A : i32
    scf.if %cond3A_76 {
      %swap3A_81 = arith.constant 0 : index
      %swap3A_82 = arith.constant 0 : index
      %swap3A_83 = vector.load %arg12[%swap3A_81, %swap3A_82] : memref<256x128xf32, #tpu.memory_space<vmem>>, vector<256x128xf32>
      tpu.vector_store %arg12[%swap3A_81, %swap3A_82], %dot_general3A_72 {strides = array<i32>} : memref<256x128xf32, #tpu.memory_space<vmem>>, vector<256x128xf32>,
    } else {
    }
    %ne3A = arith.constant 0 : i32
    %ne3A_77 = arith.cmpi ne, %arg0, %ne3A : i32
    %convert_element_type3A_78 = arith.extui %ne3A_77 : i1 to i32
    %cond3A_79 = arith.constant 0 : i32
    %cond3A_80 = arith.cmpi ne, %convert_element_type3A_78, %cond3A_79 : i32
    scf.if %cond3A_80 {
      %get3A_81 = arith.constant 0 : index
      %get3A_82 = arith.constant 0 : index
      %get3A_83 = vector.load %arg12[%get3A_81, %get3A_82] : memref<256x128xf32, #tpu.memory_space<vmem>>, vector<256x128xf32>
      %add3A_84 = arith.addf %get3A_83, %dot_general3A_72 : vector<256x128xf32>
      %swap3A_85 = arith.constant 0 : index
      %swap3A_86 = arith.constant 0 : index
      %swap3A_87 = vector.load %arg12[%swap3A_85, %swap3A_86] : memref<256x128xf32, #tpu.memory_space<vmem>>, vector<256x128xf32>
      tpu.vector_store %arg12[%swap3A_85, %swap3A_86], %add3A_84 {strides = array<i32>} : memref<256x128xf32, #tpu.memory_space<vmem>>, vector<256x128xf32>,
    } else {
    }
    return
  }
  func.func @transform_0(%arg0: i32) -> (i32, i32, i32) {
    %c0_i32 = arith.constant 0 : i32
    %c0_i32_0 = arith.constant 0 : i32
    %c0_i32_1 = arith.constant 0 : i32
    return %c0_i32, %arg0, %c0_i32_0 : i32, i32, i32
  }
  func.func @transform_1(%arg0: i32) -> (i32, i32, i32) {
    %c0_i32 = arith.constant 0 : i32
    %c0_i32_0 = arith.constant 0 : i32
    %c0_i32_1 = arith.constant 0 : i32
    return %c0_i32, %arg0, %c0_i32_0 : i32, i32, i32
  }
  func.func @transform_2(%arg0: i32) -> (i32, i32) {
    %c0_i32 = arith.constant 0 : i32
    %c0_i32_0 = arith.constant 0 : i32
    return %arg0, %c0_i32 : i32, i32
  }
  func.func @transform_3(%arg0: i32) -> (i32, i32) {
    %c0_i32 = arith.constant 0 : i32
    %c0_i32_0 = arith.constant 0 : i32
    return %arg0, %c0_i32 : i32, i32
  }
  func.func @transform_4(%arg0: i32) -> (i32, i32) {
    %c0_i32 = arith.constant 0 : i32
    %c0_i32_0 = arith.constant 0 : i32
    return %arg0, %c0_i32 : i32, i32
  }
  func.func @transform_5(%arg0: i32) -> (i32, i32) {
    %c0_i32 = arith.constant 0 : i32
    %c0_i32_0 = arith.constant 0 : i32
    %c0_i32_1 = arith.constant 0 : i32
    return %c0_i32, %c0_i32_0 : i32, i32
  }
  func.func @transform_6(%arg0: i32) -> (i32, i32) {
    %c0_i32 = arith.constant 0 : i32
    %c0_i32_0 = arith.constant 0 : i32
    %c0_i32_1 = arith.constant 0 : i32
    return %c0_i32, %c0_i32_0 : i32, i32
  }
  func.func @transform_7(%arg0: i32) -> (i32, i32) {
    %c0_i32 = arith.constant 0 : i32
    %c0_i32_0 = arith.constant 0 : i32
    %c0_i32_1 = arith.constant 0 : i32
    return %c0_i32, %c0_i32_0 : i32, i32
  }
  func.func @transform_8(%arg0: i32) -> (i32, i32) {
    %c0_i32 = arith.constant 0 : i32
    %c0_i32_0 = arith.constant 0 : i32
    %c0_i32_1 = arith.constant 0 : i32
    return %c0_i32, %c0_i32_0 : i32, i32
  }
  func.func @transform_9(%arg0: i32) -> (i32, i32) {
    %c0_i32 = arith.constant 0 : i32
    %c0_i32_0 = arith.constant 0 : i32
    %c0_i32_1 = arith.constant 0 : i32
    return %c0_i32, %c0_i32_0 : i32, i32
  }
  func.func @transform_10(%arg0: i32) -> (i32, i32) {
    %c0_i32 = arith.constant 0 : i32
    %c0_i32_0 = arith.constant 0 : i32
    return %arg0, %c0_i32 : i32, i32
  }
  func.func @transform_11(%arg0: i32) -> (i32, i32) {
    %c0_i32 = arith.constant 0 : i32
    %c0_i32_0 = arith.constant 0 : i32
    %c0_i32_1 = arith.constant 0 : i32
    return %c0_i32, %c0_i32_0 : i32, i32
  }
}

module attributes {stable_mosaic.version = 14 : i64} {
  func.func @_k6_body(%arg0: memref<256x32xf32, #tpu.memory_space<vmem>>, %arg1: memref<256x128xf32, #tpu.memory_space<vmem>>, %arg2: memref<256x32xf32, #tpu.memory_space<vmem>>, %arg3: memref<32x64xf32, #tpu.memory_space<vmem>>, %arg4: memref<32x64xf32, #tpu.memory_space<vmem>>, %arg5: memref<32x64xf32, #tpu.memory_space<vmem>>, %arg6: memref<1x64xf32, #tpu.memory_space<vmem>>, %arg7: memref<64x64xf32, #tpu.memory_space<vmem>>, %arg8: memref<1x64xf32, #tpu.memory_space<vmem>>, %arg9: memref<64x32xf32, #tpu.memory_space<vmem>>, %arg10: memref<1x32xf32, #tpu.memory_space<vmem>>, %arg11: memref<256x32xf32, #tpu.memory_space<vmem>>) attributes {dimension_semantics = [], scalar_prefetch = 0 : i64, scratch_operands = 0 : i64, tpu.core_type = #tpu.core_type<tc>} {
    %get3A = arith.constant 0 : index
    %get3A_0 = arith.constant 0 : index
    %get3A_1 = vector.load %arg1[%get3A, %get3A_0] : memref<256x128xf32, #tpu.memory_space<vmem>>, vector<256x128xf32>
    %slice3A = vector.extract_strided_slice %get3A_1 {offsets = [0, 0], sizes = [256, 32], strides = [1, 1]} : vector<256x128xf32> to vector<256x32xf32>
    %slice3A_2 = vector.extract_strided_slice %get3A_1 {offsets = [0, 65], sizes = [256, 1], strides = [1, 1]} : vector<256x128xf32> to vector<256x1xf32>
    %max3A = arith.constant 1.000000e+00 : f32
    %max3A_3 = vector.broadcast %max3A : f32 to vector<256x1xf32>
    %max3A_4 = arith.maximumf %slice3A_2, %max3A_3 : vector<256x1xf32>
    %div3A = vector.broadcast %max3A_4 : vector<256x1xf32> to vector<256x32xf32>
    %div3A_5 = arith.divf %slice3A, %div3A : vector<256x32xf32>
    %slice3A_6 = vector.extract_strided_slice %get3A_1 {offsets = [0, 32], sizes = [256, 32], strides = [1, 1]} : vector<256x128xf32> to vector<256x32xf32>
    %slice3A_7 = vector.extract_strided_slice %get3A_1 {offsets = [0, 64], sizes = [256, 1], strides = [1, 1]} : vector<256x128xf32> to vector<256x1xf32>
    %max3A_8 = arith.constant 1.000000e+00 : f32
    %max3A_9 = vector.broadcast %max3A_8 : f32 to vector<256x1xf32>
    %max3A_10 = arith.maximumf %slice3A_7, %max3A_9 : vector<256x1xf32>
    %div3A_11 = vector.broadcast %max3A_10 : vector<256x1xf32> to vector<256x32xf32>
    %div3A_12 = arith.divf %slice3A_6, %div3A_11 : vector<256x32xf32>
    %get3A_13 = arith.constant 0 : index
    %get3A_14 = arith.constant 0 : index
    %get3A_15 = vector.load %arg0[%get3A_13, %get3A_14] : memref<256x32xf32, #tpu.memory_space<vmem>>, vector<256x32xf32>
    %get3A_16 = arith.constant 0 : index
    %get3A_17 = arith.constant 0 : index
    %get3A_18 = vector.load %arg3[%get3A_16, %get3A_17] : memref<32x64xf32, #tpu.memory_space<vmem>>, vector<32x64xf32>
    %dot_general3A = arith.constant dense<0.000000e+00> : vector<256x64xf32>
    %dot_general3A_19 = tpu.matmul %get3A_15, %get3A_18, %dot_general3A {dimension_numbers = #tpu.dot_dimension_numbers<[1], [0], [0], [1], [0, 0, 1, 1], [], []>, transpose_lhs_hint = false} : vector<256x32xf32>, vector<32x64xf32>, vector<256x64xf32> -> vector<256x64xf32>
    %get3A_20 = arith.constant 0 : index
    %get3A_21 = arith.constant 0 : index
    %get3A_22 = vector.load %arg4[%get3A_20, %get3A_21] : memref<32x64xf32, #tpu.memory_space<vmem>>, vector<32x64xf32>
    %dot_general3A_23 = arith.constant dense<0.000000e+00> : vector<256x64xf32>
    %dot_general3A_24 = tpu.matmul %div3A_5, %get3A_22, %dot_general3A_23 {dimension_numbers = #tpu.dot_dimension_numbers<[1], [0], [0], [1], [0, 0, 1, 1], [], []>, transpose_lhs_hint = false} : vector<256x32xf32>, vector<32x64xf32>, vector<256x64xf32> -> vector<256x64xf32>
    %add3A = arith.addf %dot_general3A_19, %dot_general3A_24 : vector<256x64xf32>
    %get3A_25 = arith.constant 0 : index
    %get3A_26 = arith.constant 0 : index
    %get3A_27 = vector.load %arg5[%get3A_25, %get3A_26] : memref<32x64xf32, #tpu.memory_space<vmem>>, vector<32x64xf32>
    %dot_general3A_28 = arith.constant dense<0.000000e+00> : vector<256x64xf32>
    %dot_general3A_29 = tpu.matmul %div3A_12, %get3A_27, %dot_general3A_28 {dimension_numbers = #tpu.dot_dimension_numbers<[1], [0], [0], [1], [0, 0, 1, 1], [], []>, transpose_lhs_hint = false} : vector<256x32xf32>, vector<32x64xf32>, vector<256x64xf32> -> vector<256x64xf32>
    %add3A_30 = arith.addf %add3A, %dot_general3A_29 : vector<256x64xf32>
    %get3A_31 = arith.constant 0 : index
    %get3A_32 = arith.constant 0 : index
    %get3A_33 = vector.load %arg6[%get3A_31, %get3A_32] : memref<1x64xf32, #tpu.memory_space<vmem>>, vector<1x64xf32>
    %add3A_34 = vector.broadcast %get3A_33 : vector<1x64xf32> to vector<256x64xf32>
    %add3A_35 = arith.addf %add3A_30, %add3A_34 : vector<256x64xf32>
    %max3A_36 = arith.constant 0.000000e+00 : f32
    %max3A_37 = vector.broadcast %max3A_36 : f32 to vector<256x64xf32>
    %max3A_38 = arith.maximumf %add3A_35, %max3A_37 : vector<256x64xf32>
    %get3A_39 = arith.constant 0 : index
    %get3A_40 = arith.constant 0 : index
    %get3A_41 = vector.load %arg7[%get3A_39, %get3A_40] : memref<64x64xf32, #tpu.memory_space<vmem>>, vector<64x64xf32>
    %dot_general3A_42 = arith.constant dense<0.000000e+00> : vector<256x64xf32>
    %dot_general3A_43 = tpu.matmul %max3A_38, %get3A_41, %dot_general3A_42 {dimension_numbers = #tpu.dot_dimension_numbers<[1], [0], [0], [1], [0, 0, 1, 1], [], []>, transpose_lhs_hint = false} : vector<256x64xf32>, vector<64x64xf32>, vector<256x64xf32> -> vector<256x64xf32>
    %get3A_44 = arith.constant 0 : index
    %get3A_45 = arith.constant 0 : index
    %get3A_46 = vector.load %arg8[%get3A_44, %get3A_45] : memref<1x64xf32, #tpu.memory_space<vmem>>, vector<1x64xf32>
    %add3A_47 = vector.broadcast %get3A_46 : vector<1x64xf32> to vector<256x64xf32>
    %add3A_48 = arith.addf %dot_general3A_43, %add3A_47 : vector<256x64xf32>
    %max3A_49 = arith.constant 0.000000e+00 : f32
    %max3A_50 = vector.broadcast %max3A_49 : f32 to vector<256x64xf32>
    %max3A_51 = arith.maximumf %add3A_48, %max3A_50 : vector<256x64xf32>
    %get3A_52 = arith.constant 0 : index
    %get3A_53 = arith.constant 0 : index
    %get3A_54 = vector.load %arg9[%get3A_52, %get3A_53] : memref<64x32xf32, #tpu.memory_space<vmem>>, vector<64x32xf32>
    %dot_general3A_55 = arith.constant dense<0.000000e+00> : vector<256x32xf32>
    %dot_general3A_56 = tpu.matmul %max3A_51, %get3A_54, %dot_general3A_55 {dimension_numbers = #tpu.dot_dimension_numbers<[1], [0], [0], [1], [0, 0, 1, 1], [], []>, transpose_lhs_hint = false} : vector<256x64xf32>, vector<64x32xf32>, vector<256x32xf32> -> vector<256x32xf32>
    %get3A_57 = arith.constant 0 : index
    %get3A_58 = arith.constant 0 : index
    %get3A_59 = vector.load %arg10[%get3A_57, %get3A_58] : memref<1x32xf32, #tpu.memory_space<vmem>>, vector<1x32xf32>
    %add3A_60 = vector.broadcast %get3A_59 : vector<1x32xf32> to vector<256x32xf32>
    %add3A_61 = arith.addf %dot_general3A_56, %add3A_60 : vector<256x32xf32>
    %get3A_62 = arith.constant 0 : index
    %get3A_63 = arith.constant 0 : index
    %get3A_64 = vector.load %arg2[%get3A_62, %get3A_63] : memref<256x32xf32, #tpu.memory_space<vmem>>, vector<256x32xf32>
    %add3A_65 = arith.addf %add3A_61, %get3A_64 : vector<256x32xf32>
    %swap3A = arith.constant 0 : index
    %swap3A_66 = arith.constant 0 : index
    %swap3A_67 = vector.load %arg11[%swap3A, %swap3A_66] : memref<256x32xf32, #tpu.memory_space<vmem>>, vector<256x32xf32>
    tpu.vector_store %arg11[%swap3A, %swap3A_66], %add3A_65 {strides = array<i32>} : memref<256x32xf32, #tpu.memory_space<vmem>>, vector<256x32xf32>,
    return
  }
}

</mosaic_0001>

<sc_bundles>
// kernel: kernel.11.cloned.1.call-start
scs
__scs_entry_jumppad:
0x0: {  	(pc) =	sbr.rel $0x88, $3  }
0x1: {  	(tag) =	ssettag $0x0;
	lr =	simm.s32 $0x1  }
0x2: {  	[smem:$0x3F7E] =	sst lr;
	_ =	strace $0xD0000000  }
0x3: {  	_ = 	snop  }
0x4: {  	_ = 	snop  }
0x5: {  	_ = 	snop  }
0x6: {  	_ = 	snop  }
0x7: {  	_ = 	snop  }
__scs_overlays_trampoline_lowered:
0x8: {  	[smem:$0x3F8D] =	sst s0  }
0x9: {  	[smem:$0x3F8E] =	sst s1  }
0xa: {  	[smem:$0x3F8F] =	sst s2  }
0xb: {  	[smem:$0x3F90] =	sst s3  }
0xc: {  	[smem:$0x3F91] =	sst s4  }
0xd: {  	[smem:$0x3F92] =	sst s5  }
0xe: {  	[smem:$0x3F93] =	sst s6  }
0xf: {  	[smem:$0x3F94] =	sst s7  }
0x10: {  	[smem:$0x3F95] =	sst s8  }
0x11: {  	[smem:$0x3F96] =	sst s9;
	s0 =	simm.s32 @!p0 $0x0  }
0x12: {  	s1 =	sld [smem:$0x3F7C];
	s0 =	simm.s32 @p0 $0x1  }
0x13: {  	[smem:$0x3F97] =	sst s0;
	s0 =	simm.s32 @!p1 $0x0  }
0x14: {  	s2 =	sld [smem:$0x3F7B];
	s0 =	simm.s32 @p1 $0x1  }
0x15: {  	[smem:$0x3F98] =	sst s0;
	s0 =	simm.s32 @!p2 $0x0  }
0x16: {  	s3 =	sld [smem:$0x3FDB];
	s0 =	simm.s32 @p2 $0x1  }
0x17: {  	s4 =	simm.s32 $0x1BF5;
	[smem:$0x3F9A] =	sst s0  }
0x18: {  	s0 =	sld [smem:$0x3F7D];
	_ =	swait.ge [sflag:s4], $0x0  }
0x19: {  	s7 =	sld [smem:$0x3F7E]  }
0x1a: {  	s8 =	sadd.s32 $0xFFFFE003, lr  }
0x1b: {  	s9 =	sadd.s32 $0xFFFFFEF7, lr;
	s5 =	simm.s32 $0xFFFFFFFF;
	p2 =	slt.u32 s8, $0xFFFFF086  }
0x1c: {  	p1 =	slt.u32 s9, $0xF7A;
	s5 =	simm.s32 @!p2 $0x0  }
0x1d: {  	s5 =	simm.s32 @p1 $0x1;
	p0 =	seq.s32 s7, s2  }
0x1e: {  	s7 =	smul.u32 @!p0 $0xF7A, s2;
	p2 =	seq.s32 @!p0 s5, $0x0  }
0x1f: {  	s9 =	smul.u32 $0xF7A, s1;
	s8 =	simm.s32 @!p0 $0x1BF5;
	p2 =	por !p2, p0  }
0x20: {  	[sflag:s8] =	ssyncset.s32 @!p0 $0xFFFFF086;
	s6 =	sadd.s32 @!p0 s3, s7;
	s7 =	simm.s32 @!p0 $0x108  }
0x21: {  	s3 =	sadd.s32 s3, s9;
	s6 =	sadd.s32 @!p0 $0x88, s6;
	s7 =	simm.s32 @p2 $0x1082  }
0x22: {  	[simem:s7], [sflag:s8] =	dma.local @!p0 [hbm:s6], $0xF7A  }
0x23: {  	s9 =	sor.u32 $0xD0000000, s2;
	s6 =	simm.s32 $0x108;
	_ =	swait.ge @!p0 [sflag:s8], $0x0  }
0x24: {  	s3 =	sadd.s32 $0x88, s3;
	s6 =	simm.s32 @!p1 $0x1082;
	[sflag:s4] =	ssyncset.s32 $0xFFFFF086  }
0x25: {  	[simem:s6], [sflag:s4] =	dma.local [hbm:s3], $0xF7A  }
0x26: {  	[smem:$0x3F7E] =	sst s1;
	(tag) =	ssettag s2;
	_ =	strace s9  }
0x27: {  	s1 =	sld [smem:$0x3F8E]  }
0x28: {  	s2 =	sld [smem:$0x3F8F]  }
0x29: {  	s4 =	sld [smem:$0x3F91]  }
0x2a: {  	p0 =	seq.s32 s5, $0x0;
	s5 =	sld [smem:$0x3F92]  }
0x2b: {  	s6 =	sld [smem:$0x3F93]  }
0x2c: {  	s7 =	sld [smem:$0x3F94]  }
0x2d: {  	s3 =	simm.s32 $0x108;
	s8 =	sld [smem:$0x3F95]  }
0x2e: {  	s3 =	simm.s32 @!p0 $0x1082;
	s9 =	sld [smem:$0x3F96]  }
0x2f: {  	lr =	sadd.s32 s0, s3;
	s0 =	sld [smem:$0x3F8D]  }
0x30: {  	s3 =	sld [smem:$0x3F90]  }
0x31: {  	[smem:$0x3F99] =	sst s10  }
0x32: {  	s10 =	sld [smem:$0x3F97];
	_ =	sdelay $0x3  }
0x33: {  	p0 =	seq.s32 s10, $0x1;
	s10 =	sld [smem:$0x3F99];
	_ =	sdelay $0x3  }
0x34: {  	[smem:$0x3F99] =	sst s10  }
0x35: {  	s10 =	sld [smem:$0x3F98];
	_ =	sdelay $0x3  }
0x36: {  	p1 =	seq.s32 s10, $0x1;
	s10 =	sld [smem:$0x3F99];
	_ =	sdelay $0x3  }
0x37: {  	[smem:$0x3F99] =	sst s10  }
0x38: {  	s10 =	sld [smem:$0x3F9A]  }
0x39: {  	_ = 	snop;
	(pc) =	sbr.ind lr, $3  }
0x3a: {  	_ = 	snop  }
0x3b: {  	_ = 	snop  }
0x3c: {  	p2 =	seq.s32 s10, $0x1;
	s10 =	sld [smem:$0x3F99]  }
0x3d: {  	_ =	shalt  }
0x3e: {  	_ =	shalt  }
0x3f: {  	_ =	shalt  }
0x40: {  	_ =	shalt  }
0x41: {  	_ =	shalt  }
0x42: {  	_ =	shalt  }
0x43: {  	_ =	shalt  }
0x44: {  	_ =	shalt  }
0x45: {  	_ =	shalt  }
0x46: {  	_ =	shalt  }
0x47: {  	_ =	shalt  }
0x48: {  	_ =	shalt  }
0x49: {  	_ =	shalt  }
0x4a: {  	_ =	shalt  }
0x4b: {  	_ =	shalt  }
0x4c: {  	_ =	shalt  }
0x4d: {  	_ =	shalt  }
0x4e: {  	_ =	shalt  }
0x4f: {  	_ =	shalt  }
0x50: {  	_ =	shalt  }
0x51: {  	_ =	shalt  }
0x52: {  	_ =	shalt  }
0x53: {  	_ =	shalt  }
0x54: {  	_ =	shalt  }
0x55: {  	_ =	shalt  }
0x56: {  	_ =	shalt  }
0x57: {  	_ =	shalt  }
0x58: {  	_ =	shalt  }
0x59: {  	_ =	shalt  }
0x5a: {  	_ =	shalt  }
0x5b: {  	_ =	shalt  }
0x5c: {  	_ =	shalt  }
0x5d: {  	_ =	shalt  }
0x5e: {  	_ =	shalt  }
0x5f: {  	_ =	shalt  }
0x60: {  	_ =	shalt  }
0x61: {  	_ =	shalt  }
0x62: {  	_ =	shalt  }
0x63: {  	_ =	shalt  }
0x64: {  	_ =	shalt  }
0x65: {  	_ =	shalt  }
0x66: {  	_ =	shalt  }
0x67: {  	_ =	shalt  }
0x68: {  	_ =	shalt  }
0x69: {  	_ =	shalt  }
0x6a: {  	_ =	shalt  }
0x6b: {  	_ =	shalt  }
0x6c: {  	_ =	shalt  }
0x6d: {  	_ =	shalt  }
0x6e: {  	_ =	shalt  }
0x6f: {  	_ =	shalt  }
0x70: {  	_ =	shalt  }
0x71: {  	_ =	shalt  }
0x72: {  	_ =	shalt  }
0x73: {  	_ =	shalt  }
0x74: {  	_ =	shalt  }
0x75: {  	_ =	shalt  }
0x76: {  	_ =	shalt  }
0x77: {  	_ =	shalt  }
0x78: {  	_ =	shalt  }
0x79: {  	_ =	shalt  }
0x7a: {  	_ =	shalt  }
0x7b: {  	_ =	shalt  }
0x7c: {  	_ =	shalt  }
0x7d: {  	_ =	shalt  }
0x7e: {  	_ =	shalt  }
0x7f: {  	_ =	shalt  }
0x80: {  	_ =	shalt  }
0x81: {  	_ =	shalt  }
0x82: {  	_ =	shalt  }
0x83: {  	_ =	shalt  }
0x84: {  	_ =	shalt  }
0x85: {  	_ =	shalt  }
0x86: {  	_ =	shalt  }
0x87: {  	_ =	shalt  }
.Lfunc_end0:
.L_simem_size_0:
called_computation.2_lowered:
.L_overlay_start_0:
0x88: {  	s2 =	sld [smem:$0x3FD9]  }
0x89: {  	s3 =	sld [smem:$0x3FFE];
	_ =	sdelay $0x1  }
0x8a: {  	s1 =	srdreg.scid  }
0x8b: {  	s0 =	sand.u32 $0x1, s1  }
0x8c: {  	s16 =	sshll.u32 s0, $0xA;
	s2 =	sadd.s32 s3, s2  }
0x8d: {  	s2 =	sadd.s32 s2, s16  }
0x8e: {  	[smem:$0x3FA5] =	sst s2  }
0x8f: {  	_ = 	snop  }
0x90: {  	(tm) =	ssettm $0x1  }
0x91: {  	s17 =	sld [smem:$0x3FFB];
	_ =	sdelay $0x3  }
0x92: {  	_ =	strace s17  }
0x93: {  	s2 =	sld [smem:$0x3FFC];
	_ =	sdelay $0x3  }
0x94: {  	_ =	strace s2  }
0x95: {  	s2 =	sld [smem:$0x3FFD];
	_ =	sdelay $0x3  }
0x96: {  	_ =	strace s2  }
0x97: {  	_ =	strace $0x8FFFFFFF  }
0x98: {  	s18 =	sld [smem:$0x3FDB];
	_ =	sdelay $0x1  }
0x99: {  	s19 =	simm.s32 $_scs_section_size  }
0x9a: {  	s4 =	simm.s32 $_size__tile_overlayer_lowered;
	s5 =	simm.s32 $_tile_overlayer_lowered  }
0x9b: {  	s22 =	simm.s32 $0x1BFF;
	s21 =	sshll.u32 s5, $0x1;
	s2 =	sadd.s32 s19, s18  }
0x9c: {  	s6 =	simm.s32 $0x0;
	s20 =	sshll.u32 s4, $0x1;
	s4 =	sadd.s32 s21, s2  }
0x9d: {  	[timem:s6], [sflag:s22] =	dma.local [hbm:s4], s20  }
0x9e: {  	_ =	swait.ge [sflag:s22], s20  }
0x9f: {  	s3 =	ssub.s32 $0x0, s20;
	[sflag:s22] =	ssyncset.done $0x0  }
0xa0: {  	[sflag:s22] =	ssyncadd.s32 s3;
	_ =	sdelay $0x1  }
0xa1: {  	s23 =	simm.s32 $0x1B8B  }
0xa2: {  	_ =	swait.ge [sflag:s23], $0x1  }
0xa3: {  	[sflag:s23] =	ssyncset.done $0x0  }
0xa4: {  	s25 =	simm.s32 $0x1B8E;
	s24 =	sld [smem:$0x3FFE];
	[sflag:s23] =	ssyncadd.s32 $0xFFFFFFFF  }
0xa5: {  	s26 =	simm.s32 $execute0_lowered;
	[smem:$0x3FD2] =	sst s25  }
0xa6: {  	s4 =	sshll.u32 s26, $0x1;
	_ =	strace $0x80000049;
	[dreg:$0x1] =	wrdreg $0xFFFFFFFF  }
0xa7: {  	s28 =	simm.s32 $_size_execute0_lowered;
	s2 =	sadd.s32 s2, s4;
	[dreg:$0x0] =	wrdreg $0x0  }
0xa8: {  	s4 =	sshll.u32 s28, $0x1;
	[dreg:$0x2] =	wrdreg s2  }
0xa9: {  	[dreg:$0x3] =	wrdreg s4  }
0xaa: {  	[dreg:$0x4] =	wrdreg $0xC0  }
0xab: {  	_ =	task [dreg:s6], $0x5FFFF  }
0xac: {  	[dreg:$0x1] =	wrdreg $0xFFFFFFFF  }
0xad: {  	[dreg:$0x0] =	wrdreg $0x60  }
0xae: {  	[dreg:$0x2] =	wrdreg s24  }
0xaf: {  	[dreg:$0x3] =	wrdreg $0x78200  }
0xb0: {  	[dreg:$0x4] =	wrdreg $0xA  }
0xb1: {  	_ =	task.clear_ibuf [dreg:s6], $0x5FFFF;
	_ =	strace $0x90000049  }
0xb2: {  	s29 =	simm.s32 $0xA;
	_ =	strace $0x8000004B  }
0xb3: {  	_ =	swait.ge [sflag:s29], $0x1  }
0xb4: {  	[sflag:s29] =	ssyncadd.s32 $0xFFFFFFFF  }
0xb5: {  	_ =	strace $0x9000004B  }
0xb6: {  	_ =	sfence  }
0xb7: {  	s30 =	sld [smem:$0x0];
	_ =	sdelay $0x2  }
0xb8: {  	s31 =	sshll.u32 s1, $0xD;
	s1 =	sshrl.u32 s1, $0x2  }
0xb9: {  	s3 =	sand.u32 $0x4000, s31;
	s1 =	sadd.s32 s1, s30  }
0xba: {  	s0 =	sor.u32 s3, s0;
	s1 =	sshll.u32 s1, $0x11  }
0xbb: {  	s0 =	sor.u32 s1, s0  }
0xbc: {  	s0 =	sadd.s32 $0x8F2B, s0  }
0xbd: {  	[sflag:s0] =	ssyncadd.remote.s32 $0x1  }
0xbe: {  	_ =	sfence.sel $0xFFFF  }
0xbf: {  	[dreg:$0x0] =	wrdreg $0xFFFFFFFF;
	(pc) =	sbr.abs _section_cstart, $3  }
0xc0: {  	[dreg:$0x1] =	wrdreg $0xFFFFFFFF  }
0xc1: {  	_ =	task.clear_ibuf [dreg:s6], $0x2FFFF;
	_ =	strace $0x9FFFFFFF  }
0xc2: {  	(tm) =	ssettm $0x7FFFFFFF  }
0xc3: {  	_ =	shalt  }
tec
execute0_lowered:
.L_overlay_start_1:
0x0: {  	(tag) =	ssettag $0x1  }
0x1: {  	s7 =	rddreg [dreg:$0x0]  }
0x2: {  	s1 =	rddreg [dreg:$0x1]  }
0x3: {  	s0 =	rddreg [dreg:$0x2];
	s2 =	simm.s32 $0x0;
	s3 =	srdreg.scid  }
0x4: {  	s17 =	simm.s32 $0xC8;
	s18 =	simm.s32 $0x3520;
	s19 =	simm.s32 $0x2  }
0x5: {  	s20 =	simm.s32 $0x190;
	s21 =	simm.s32 $0x4E20;
	s22 =	simm.s32 $0x3  }
0x6: {  	s23 =	simm.s32 $0x4;
	[smem:$0x7FF] =	sst s2;
	s8 =	sand.u32 $0x1, s3  }
0x7: {  	s25 =	simm.s32 $0x0;
	s3 =	stileid.u32;
	s9 =	smul.u32 $0x187000, s8  }
0x8: {  	s4 =	sadd.s32 $0x5F2C00, s7;
	s5 =	sshll.u32 s8, $0x4;
	s11 =	smul.u32 $0x18700, s3  }
0x9: {  	_ =	strace $0x8000004A;
	s16 =	smul.u32 $0x61C00, s3;
	s10 =	sor.u32 s3, s5  }
0xa: {  	s8 =	ssub.s32 $0x2, s8;
	s5 =	sadd.s32 $0x2B4A00, s7;
	s6 =	smul.u32 $0x61A8, s10  }
0xb: {  	s13 =	sshrl.u32 s8, $0x1;
	s9 =	sadd.s32 s11, s9;
	s12 =	smul.u32 $0x186A, s10  }
0xc: {  	s14 =	smul.u32 $0x186A0, s10;
	s13 =	ssub.s32 s8, s13;
	s24 =	sadd.s32 s11, s1  }
.Ltmp0:
0xd: {  	s31 =	sshrl.u32 s16, $0x2;
	s16 =	simm.s32 $0x1;
	(pc) =	sbr.rel .LBB2_1-.Ltmp0, $4  }
0xe: {  	s9 =	sshrl.u32 s9, $0x3;
	s11 =	smax.u32 s13, $0x1;
	s13 =	simm.s32 $0x6720  }
0xf: {  	s24 =	sshrl.u32 s24, $0x3;
	s15 =	sadd.s32 s9, s7;
	s7 =	smul.u32 $0x7D, s10  }
0x10: {  	s8 =	sadd.s32 s5, s12;
	s9 =	sadd.s32 s4, s14;
	s12 =	sadd.s32 s31, s1  }
0x11: {  	v0 =	vimm.f32 $0.0e+00;
	s14 =	simm.s32 $0x5;
	s10 =	sadd.s32 $0x2E5800, s15;
	s15 =	simm.s32 $0x320  }
.LBB2_13:
0x12: {  	_ =	swait.ge [sflag:s22], $0x1900  }
0x13: {  	[sflag:s22] =	ssyncset.done $0x0  }
0x14: {  	[sflag:s22] =	ssyncadd.s32 $0xFFFFE700  }
0x15: {  	_ =	swait.ge [sflag:s23], $0x1900  }
0x16: {  	s25 =	sadd.s32 $0x1, s25;
	[sflag:s23] =	ssyncset.done $0x0  }
0x17: {  	s26 =	sshll.u32 s3, $0x6;
	p0 =	sne.s32 s25, s11;
	[sflag:s23] =	ssyncadd.s32 $0xFFFFE700  }
.Ltmp1:
0x18: {  	s26 =	sor.u32 $0x1C05, s26;
	[bflag:$0x0] =	sbarrier.arrive $0xFFFF;
	(pc) =	sbr.rel @!p0 .LBB2_14-.Ltmp1, $4  }
0x19: {  	[hbm:s10], [sflag:s26] =	dma.local [spmem:s24], $0x30E0  }
0x1a: {  	_ =	swait.ge [sflag:s14], $0x30E0  }
0x1b: {  	[sflag:s14] =	ssyncset.done $0x0  }
0x1c: {  	[sflag:s14] =	ssyncadd.s32 $0xFFFFCF20  }
.LBB2_1:
0x1d: {  	s26 =	simm.s32 $0x0  }
.LBB2_2:
0x1e: {  	p0 =	sne.s32 s26, $0x4380  }
.Ltmp2:
0x1f: {  	_ = 	snop;
	(pc) =	sbr.rel @p0 .LBB2_2-.Ltmp2, $4  }
0x20: {  	_ = 	snop  }
0x21: {  	s28 =	sshra.s32 s26, $0x2  }
0x22: {  	[tilespmem:s28+$0x6720] =	vst v0  }
0x23: {  	s26 =	sadd.s32 $0x80, s26;
	[tilespmem:s28+$0x6730] =	vst v0  }
0x24: {  	s26 =	sadd.s32 $0x0, s12  }
0x25: {  	[spmem:s26] =	stream.linear.scatter [tilespmem:s13], [sflag:$0x5], $0x1100, $0x38;
	[tilespmem:$0x1FF20] =	vst v63  }
0x26: {  	s26 =	simm.s32 $0x4400;
	_ =	swait.ge [sflag:s14], $0x1100  }
.LBB2_4:
0x27: {  	s28 =	sshra.s32 s26, $0x2;
	[sflag:s14] =	ssyncset.done $0x0;
	p0 =	sne.s32 s26, $0x5D800  }
.Ltmp3:
0x28: {  	s28 =	sadd.s32 s28, s12;
	[sflag:s14] =	ssyncadd.s32 $0xFFFFEF00;
	(pc) =	sbr.rel @p0 .LBB2_4-.Ltmp3, $3  }
0x29: {  	[spmem:s28] =	stream.linear.scatter [tilespmem:s13], [sflag:$0x5], $0x1100, $0x38;
	[tilespmem:$0x1FF20] =	vst v63  }
0x2a: {  	s26 =	sadd.s32 $0x4400, s26;
	_ =	sdelay $0x1  }
0x2b: {  	_ =	swait.ge [sflag:s14], $0x1100  }
0x2c: {  	[sflag:s14] =	ssyncset.done $0x0  }
0x2d: {  	[sflag:s14] =	ssyncadd.s32 $0xFFFFEF00  }
0x2e: {  	s26 =	simm.s32 $0x0;
	[bflag:$0x0] =	sbarrier.arrive $0xFFFF  }
0x2f: {  	[tilespmem:s26], [sflag:$0x5] =	stream.linear.gather [hbm4b:s8+s26], $0x190, $0x38;
	[tilespmem:$0x1FF20] =	vst v63  }
.Ltmp4:
0x30: {  	_ = 	snop;
	(pc) =	sbr.rel .LBB2_6-.Ltmp4, $4  }
0x31: {  	_ =	swait.ge [sflag:s14], $0x190  }
0x32: {  	[sflag:s14] =	ssyncset.done $0x0  }
0x33: {  	[sflag:s14] =	ssyncadd.s32 $0xFFFFFE70  }
0x34: {  	[tilespmem:s15], [sflag:$0x1] =	stream.linear.gather [hbm4b:s9+s26], $0x1900, $0x38;
	[tilespmem:$0x1FF20] =	vst v63  }
.LBB2_12:
0x35: {  	s26 =	sadd.s32 $0x1, s26  }
0x36: {  	p0 =	sne.s32 s26, $0x3F  }
.Ltmp5:
0x37: {  	_ = 	snop;
	(pc) =	sbr.rel @!p0 .LBB2_13-.Ltmp5, $1  }
0x38: {  	_ =	sdelay $0x3  }
.LBB2_6:
0x39: {  	s28 =	sshllo.u32 s26, $0x1  }
0x3a: {  	p0 =	sgt.u32 s28, $0x7C  }
0x3b: {  	p1 =	seq.s32 @!p0 s26, $0x0  }
0x3c: {  	p1 =	por p1, p0  }
0x3d: {  	s30 =	sadd.s32 @!p0 s7, s28;
	s29 =	simm.s32 @!p1 $0x4  }
0x3e: {  	s30 =	smul.u32 @!p0 $0x32, s30;
	_ =	swait.ge @!p1 [sflag:s29], $0x1900  }
0x3f: {  	s31 =	simm.s32 @!p0 $0x190;
	s28 =	smul.u32 @!p0 $0xC8, s28;
	[sflag:s29] =	ssyncset.done @!p1 $0x0  }
0x40: {  	[sflag:s29] =	ssyncadd.s32 @!p1 $0xFFFFE700;
	s29 =	sadd.s32 @!p0 s5, s30;
	s30 =	simm.s32 @!p0 $0x0  }
0x41: {  	[tilespmem:s31], [sflag:$0x5] =	stream.linear.gather @!p0 [hbm4b:s29+s30], $0x190, $0x38;
	[tilespmem:$0x1FF20] =	vst v63  }
0x42: {  	s28 =	sadd.s32 @!p0 s6, s28;
	s29 =	simm.s32 @!p0 $0x5  }
0x43: {  	s28 =	sshll.u32 @!p0 s28, $0x2;
	_ =	swait.ge @!p0 [sflag:s29], $0x190  }
0x44: {  	s28 =	sand.u32 @!p0 $0x1FFFFFE0, s28;
	[sflag:s29] =	ssyncset.done @!p0 $0x0  }
0x45: {  	s28 =	sadd.s32 @!p0 s4, s28;
	[sflag:s29] =	ssyncadd.s32 @!p0 $0xFFFFFE70;
	s29 =	simm.s32 @!p0 $0x1C20  }
0x46: {  	[tilespmem:s29], [sflag:$0x2] =	stream.linear.gather @!p0 [hbm4b:s28+s30], $0x1900, $0x38;
	[tilespmem:$0x1FF20] =	vst v63  }
0x47: {  	_ =	swait.ge [sflag:s16], $0x1900  }
0x48: {  	[sflag:s16] =	ssyncset.done $0x0  }
0x49: {  	s29 =	simm.s32 $0x0;
	[sflag:s16] =	ssyncadd.s32 $0xFFFFE700  }
0x4a: {  	v4 =	vld [tilespmem:s29+$0x390]  }
0x4b: {  	v5 =	vld [tilespmem:s29+$0x320]  }
0x4c: {  	v6 =	vld [tilespmem:s29+$0x330]  }
0x4d: {  	v3 =	vld [tilespmem:s29+$0x340]  }
0x4e: {  	v1 =	vld [tilespmem:s29+$0x350]  }
0x4f: {  	v2 =	vld [tilespmem:s29+$0x360];
	[tilespmem:s29+$0x3590] =	vst v4  }
0x50: {  	[tilespmem:s29+$0x3520] =	vst v5;
	v4 =	vld [tilespmem:s29+$0x370]  }
0x51: {  	s31 =	simm.s32 $0x400;
	s28 =	sshll.u32 s26, $0x1;
	s30 =	simm.s32 $0x80;
	[tilespmem:s29+$0x3530] =	vst v6;
	v5 =	vld [tilespmem:s29+$0x380]  }
.LBB2_7:
0x52: {  	p1 =	sne.s32 s31, $0x6200;
	v6 =	vld [tilespmem:s30+$0x390];
	[tilespmem:s29+$0x3540] =	vst v3  }
0x53: {  	v7 =	vld [tilespmem:s30+$0x320];
	[tilespmem:s29+$0x3550] =	vst v1  }
0x54: {  	v8 =	vld [tilespmem:s30+$0x330];
	[tilespmem:s29+$0x3560] =	vst v2  }
.Ltmp6:
0x55: {  	v3 =	vld [tilespmem:s30+$0x340];
	[tilespmem:s29+$0x3570] =	vst v4;
	(pc) =	sbr.rel @p1 .LBB2_7-.Ltmp6, $4  }
0x56: {  	v1 =	vld [tilespmem:s30+$0x350];
	[tilespmem:s29+$0x3580] =	vst v5;
	s29 =	smov.u32 s30  }
0x57: {  	v2 =	vld [tilespmem:s29+$0x360];
	[tilespmem:s29+$0x3590] =	vst v6  }
0x58: {  	[tilespmem:s29+$0x3520] =	vst v7;
	v4 =	vld [tilespmem:s29+$0x370]  }
0x59: {  	s30 =	sshra.s32 s31, $0x2;
	s31 =	sadd.s32 $0x200, s31;
	[tilespmem:s29+$0x3530] =	vst v8;
	v5 =	vld [tilespmem:s29+$0x380]  }
0x5a: {  	v6 =	vld [tilespmem:s30+$0x390];
	[tilespmem:s29+$0x3540] =	vst v3  }
0x5b: {  	v3 =	vld [tilespmem:s30+$0x320];
	[tilespmem:s29+$0x3550] =	vst v1  }
0x5c: {  	v1 =	vld [tilespmem:s30+$0x330];
	[tilespmem:s29+$0x3560] =	vst v2  }
0x5d: {  	v2 =	vld [tilespmem:s30+$0x340];
	[tilespmem:s29+$0x3570] =	vst v4  }
0x5e: {  	v4 =	vld [tilespmem:s30+$0x350];
	[tilespmem:s29+$0x3580] =	vst v5  }
0x5f: {  	v5 =	vld [tilespmem:s30+$0x360];
	[tilespmem:s30+$0x3590] =	vst v6  }
0x60: {  	[tilespmem:s30+$0x3520] =	vst v3;
	v3 =	vld [tilespmem:s30+$0x370]  }
0x61: {  	[tilespmem:s30+$0x3530] =	vst v1;
	v1 =	vld [tilespmem:s30+$0x380]  }
0x62: {  	[tilespmem:s30+$0x3540] =	vst v2  }
0x63: {  	[tilespmem:s30+$0x3550] =	vst v4  }
0x64: {  	p1 =	seq.s32 s26, $0x3E;
	[tilespmem:s30+$0x3560] =	vst v5  }
0x65: {  	s28 =	sadd.s32 @!p1 $0x2, s28;
	[tilespmem:s30+$0x3570] =	vst v3  }
0x66: {  	s29 =	simm.s32 @!p1 $0x3;
	[tilespmem:s30+$0x3580] =	vst v1;
	s30 =	sadd.s32 @!p1 s7, s28  }
0x67: {  	[spmem:s1] =	stream.indirect.scatter.add.f32 [tilespmem:s18], [sflag:$0x3], $0x20, s2, s17, $0xb8;
	[tilespmem:$0x1FF20] =	vst v63  }
0x68: {  	s30 =	smul.u32 @!p1 $0x32, s30;
	_ =	swait.ge @!p1 [sflag:s29], $0x1900  }
0x69: {  	s28 =	smul.u32 @!p1 $0xC8, s28;
	[sflag:s29] =	ssyncset.done @!p1 $0x0  }
0x6a: {  	[sflag:s29] =	ssyncadd.s32 @!p1 $0xFFFFE700;
	s29 =	sadd.s32 @!p1 s5, s30;
	s30 =	simm.s32 @!p1 $0x0  }
0x6b: {  	[tilespmem:s30], [sflag:$0x5] =	stream.linear.gather @!p1 [hbm4b:s29+s30], $0x190, $0x38;
	[tilespmem:$0x1FF20] =	vst v63  }
.Ltmp7:
0x6c: {  	s28 =	sadd.s32 @!p1 s6, s28;
	s29 =	simm.s32 @!p1 $0x5;
	(pc) =	sbr.rel @p0 .LBB2_12-.Ltmp7, $4  }
0x6d: {  	s28 =	sshll.u32 @!p1 s28, $0x2;
	_ =	swait.ge @!p1 [sflag:s29], $0x190  }
0x6e: {  	s28 =	sand.u32 @!p1 $0x1FFFFFE0, s28;
	[sflag:s29] =	ssyncset.done @!p1 $0x0  }
0x6f: {  	s28 =	sadd.s32 @!p1 s4, s28;
	[sflag:s29] =	ssyncadd.s32 @!p1 $0xFFFFFE70;
	s29 =	simm.s32 @!p1 $0x320  }
0x70: {  	[tilespmem:s29], [sflag:$0x1] =	stream.linear.gather @!p1 [hbm4b:s28+s30], $0x1900, $0x38;
	[tilespmem:$0x1FF20] =	vst v63  }
0x71: {  	_ =	swait.ge [sflag:s19], $0x1900  }
0x72: {  	[sflag:s19] =	ssyncset.done $0x0  }
0x73: {  	s28 =	simm.s32 $0x0;
	[sflag:s19] =	ssyncadd.s32 $0xFFFFE700  }
0x74: {  	v4 =	vld [tilespmem:s28+$0x1C90]  }
0x75: {  	v5 =	vld [tilespmem:s28+$0x1C20]  }
0x76: {  	v6 =	vld [tilespmem:s28+$0x1C30]  }
0x77: {  	v3 =	vld [tilespmem:s28+$0x1C40]  }
0x78: {  	v1 =	vld [tilespmem:s28+$0x1C50]  }
0x79: {  	v2 =	vld [tilespmem:s28+$0x1C60];
	[tilespmem:s28+$0x4E90] =	vst v4  }
0x7a: {  	[tilespmem:s28+$0x4E20] =	vst v5;
	v4 =	vld [tilespmem:s28+$0x1C70]  }
0x7b: {  	s29 =	simm.s32 $0x80;
	s30 =	simm.s32 $0x400;
	[tilespmem:s28+$0x4E30] =	vst v6;
	v5 =	vld [tilespmem:s28+$0x1C80]  }
.LBB2_10:
0x7c: {  	p0 =	sne.s32 s30, $0x6200;
	v6 =	vld [tilespmem:s29+$0x1C90];
	[tilespmem:s28+$0x4E40] =	vst v3  }
0x7d: {  	v7 =	vld [tilespmem:s29+$0x1C20];
	[tilespmem:s28+$0x4E50] =	vst v1  }
0x7e: {  	v8 =	vld [tilespmem:s29+$0x1C30];
	[tilespmem:s28+$0x4E60] =	vst v2  }
.Ltmp8:
0x7f: {  	v3 =	vld [tilespmem:s29+$0x1C40];
	[tilespmem:s28+$0x4E70] =	vst v4;
	(pc) =	sbr.rel @p0 .LBB2_10-.Ltmp8, $4  }
0x80: {  	v1 =	vld [tilespmem:s29+$0x1C50];
	[tilespmem:s28+$0x4E80] =	vst v5;
	s28 =	smov.u32 s29  }
0x81: {  	v2 =	vld [tilespmem:s28+$0x1C60];
	[tilespmem:s28+$0x4E90] =	vst v6  }
0x82: {  	[tilespmem:s28+$0x4E20] =	vst v7;
	v4 =	vld [tilespmem:s28+$0x1C70]  }
0x83: {  	s29 =	sshra.s32 s30, $0x2;
	s30 =	sadd.s32 $0x200, s30;
	[tilespmem:s28+$0x4E30] =	vst v8;
	v5 =	vld [tilespmem:s28+$0x1C80]  }
0x84: {  	v6 =	vld [tilespmem:s29+$0x1C90];
	[tilespmem:s28+$0x4E40] =	vst v3  }
0x85: {  	v3 =	vld [tilespmem:s29+$0x1C20];
	[tilespmem:s28+$0x4E50] =	vst v1  }
0x86: {  	v1 =	vld [tilespmem:s29+$0x1C30];
	[tilespmem:s28+$0x4E60] =	vst v2  }
0x87: {  	v2 =	vld [tilespmem:s29+$0x1C40];
	[tilespmem:s28+$0x4E70] =	vst v4  }
0x88: {  	v4 =	vld [tilespmem:s29+$0x1C50];
	[tilespmem:s28+$0x4E80] =	vst v5  }
0x89: {  	v5 =	vld [tilespmem:s29+$0x1C60];
	[tilespmem:s29+$0x4E90] =	vst v6  }
0x8a: {  	[tilespmem:s29+$0x4E20] =	vst v3;
	v3 =	vld [tilespmem:s29+$0x1C70]  }
0x8b: {  	[tilespmem:s29+$0x4E30] =	vst v1;
	v1 =	vld [tilespmem:s29+$0x1C80]  }
0x8c: {  	[tilespmem:s29+$0x4E40] =	vst v2  }
.Ltmp9:
0x8d: {  	[tilespmem:s29+$0x4E50] =	vst v4;
	(pc) =	sbr.rel .LBB2_12-.Ltmp9, $4  }
0x8e: {  	[tilespmem:s29+$0x4E60] =	vst v5  }
0x8f: {  	[tilespmem:s29+$0x4E70] =	vst v3  }
0x90: {  	[tilespmem:s29+$0x4E80] =	vst v1  }
0x91: {  	[spmem:s1] =	stream.indirect.scatter.add.f32 [tilespmem:s21], [sflag:$0x4], $0x20, s20, s17, $0xb8;
	[tilespmem:$0x1FF20] =	vst v63  }
.LBB2_14:
0x92: {  	_ =	sfence.sel $0x180000  }
0x93: {  	[bflag:$0x0] =	sbarrier.arrive $0xFFFF  }
0x94: {  	p0 =	sne.s32 s3, $0x0;
	_ =	strace $0x9000004A  }
0x95: {  	s0 =	sadd.s32 @!p0 $0x100000, s0;
	[bflag:$0x2] =	sbarrier.arrive $0xFFFF  }
0x96: {  	[sflag:s0] =	ssyncadd.tile.s32 @!p0 $0x1;
	_ =	shalt  }
.Lfunc_end2:
_tile_overlayer_lowered:
.L_overlay_start_2:
0x97: {  	(tag) =	ssettag $0x2  }
0x98: {  	s0 =	rddreg [dreg:$0x0];
	s2 =	stileid.u32  }
0x99: {  	s1 =	rddreg [dreg:$0x1];
	p0 =	sne.s32 s2, $0x0  }
0x9a: {  	s3 =	rddreg [dreg:$0x2];
	[bflag:$0x3] =	sbarrier.arrive $0xFFFF;
	s2 =	simm.s32 @!p0 $0x1C05  }
0x9b: {  	[timem:s3], [sflag:s2] =	dma.local @!p0 [hbm:s0], s1  }
0x9c: {  	s0 =	simm.s32 @!p0 $0x5  }
0x9d: {  	_ =	swait.ge @!p0 [sflag:s0], s1  }
0x9e: {  	s1 =	ssub.s32 @!p0 $0x0, s1;
	[sflag:s0] =	ssyncset.done @!p0 $0x0  }
0x9f: {  	[sflag:s0] =	ssyncadd.s32 @!p0 s1  }
0xa0: {  	[bflag:$0x3] =	sbarrier.arrive $0xFFFF  }
0xa1: {  	_ =	shalt  }

// kernel: kernel.8.cloned.1.call-start
scs
__scs_entry_jumppad:
0x0: {  	(pc) =	sbr.rel $0x88, $3  }
0x1: {  	(tag) =	ssettag $0x0;
	lr =	simm.s32 $0x1  }
0x2: {  	[smem:$0x3F7E] =	sst lr;
	_ =	strace $0xD0000000  }
0x3: {  	_ = 	snop  }
0x4: {  	_ = 	snop  }
0x5: {  	_ = 	snop  }
0x6: {  	_ = 	snop  }
0x7: {  	_ = 	snop  }
__scs_overlays_trampoline_lowered:
0x8: {  	[smem:$0x3F8D] =	sst s0  }
0x9: {  	[smem:$0x3F8E] =	sst s1  }
0xa: {  	[smem:$0x3F8F] =	sst s2  }
0xb: {  	[smem:$0x3F90] =	sst s3  }
0xc: {  	[smem:$0x3F91] =	sst s4  }
0xd: {  	[smem:$0x3F92] =	sst s5  }
0xe: {  	[smem:$0x3F93] =	sst s6  }
0xf: {  	[smem:$0x3F94] =	sst s7  }
0x10: {  	[smem:$0x3F95] =	sst s8  }
0x11: {  	[smem:$0x3F96] =	sst s9;
	s0 =	simm.s32 @!p0 $0x0  }
0x12: {  	s1 =	sld [smem:$0x3F7C];
	s0 =	simm.s32 @p0 $0x1  }
0x13: {  	[smem:$0x3F97] =	sst s0;
	s0 =	simm.s32 @!p1 $0x0  }
0x14: {  	s2 =	sld [smem:$0x3F7B];
	s0 =	simm.s32 @p1 $0x1  }
0x15: {  	[smem:$0x3F98] =	sst s0;
	s0 =	simm.s32 @!p2 $0x0  }
0x16: {  	s3 =	sld [smem:$0x3FDB];
	s0 =	simm.s32 @p2 $0x1  }
0x17: {  	s4 =	simm.s32 $0x1BF5;
	[smem:$0x3F9A] =	sst s0  }
0x18: {  	s0 =	sld [smem:$0x3F7D];
	_ =	swait.ge [sflag:s4], $0x0  }
0x19: {  	s7 =	sld [smem:$0x3F7E]  }
0x1a: {  	s8 =	sadd.s32 $0xFFFFE003, lr  }
0x1b: {  	s9 =	sadd.s32 $0xFFFFFEF7, lr;
	s5 =	simm.s32 $0xFFFFFFFF;
	p2 =	slt.u32 s8, $0xFFFFF086  }
0x1c: {  	p1 =	slt.u32 s9, $0xF7A;
	s5 =	simm.s32 @!p2 $0x0  }
0x1d: {  	s5 =	simm.s32 @p1 $0x1;
	p0 =	seq.s32 s7, s2  }
0x1e: {  	s7 =	smul.u32 @!p0 $0xF7A, s2;
	p2 =	seq.s32 @!p0 s5, $0x0  }
0x1f: {  	s9 =	smul.u32 $0xF7A, s1;
	s8 =	simm.s32 @!p0 $0x1BF5;
	p2 =	por !p2, p0  }
0x20: {  	[sflag:s8] =	ssyncset.s32 @!p0 $0xFFFFF086;
	s6 =	sadd.s32 @!p0 s3, s7;
	s7 =	simm.s32 @!p0 $0x108  }
0x21: {  	s3 =	sadd.s32 s3, s9;
	s6 =	sadd.s32 @!p0 $0x88, s6;
	s7 =	simm.s32 @p2 $0x1082  }
0x22: {  	[simem:s7], [sflag:s8] =	dma.local @!p0 [hbm:s6], $0xF7A  }
0x23: {  	s9 =	sor.u32 $0xD0000000, s2;
	s6 =	simm.s32 $0x108;
	_ =	swait.ge @!p0 [sflag:s8], $0x0  }
0x24: {  	s3 =	sadd.s32 $0x88, s3;
	s6 =	simm.s32 @!p1 $0x1082;
	[sflag:s4] =	ssyncset.s32 $0xFFFFF086  }
0x25: {  	[simem:s6], [sflag:s4] =	dma.local [hbm:s3], $0xF7A  }
0x26: {  	[smem:$0x3F7E] =	sst s1;
	(tag) =	ssettag s2;
	_ =	strace s9  }
0x27: {  	s1 =	sld [smem:$0x3F8E]  }
0x28: {  	s2 =	sld [smem:$0x3F8F]  }
0x29: {  	s4 =	sld [smem:$0x3F91]  }
0x2a: {  	p0 =	seq.s32 s5, $0x0;
	s5 =	sld [smem:$0x3F92]  }
0x2b: {  	s6 =	sld [smem:$0x3F93]  }
0x2c: {  	s7 =	sld [smem:$0x3F94]  }
0x2d: {  	s3 =	simm.s32 $0x108;
	s8 =	sld [smem:$0x3F95]  }
0x2e: {  	s3 =	simm.s32 @!p0 $0x1082;
	s9 =	sld [smem:$0x3F96]  }
0x2f: {  	lr =	sadd.s32 s0, s3;
	s0 =	sld [smem:$0x3F8D]  }
0x30: {  	s3 =	sld [smem:$0x3F90]  }
0x31: {  	[smem:$0x3F99] =	sst s10  }
0x32: {  	s10 =	sld [smem:$0x3F97];
	_ =	sdelay $0x3  }
0x33: {  	p0 =	seq.s32 s10, $0x1;
	s10 =	sld [smem:$0x3F99];
	_ =	sdelay $0x3  }
0x34: {  	[smem:$0x3F99] =	sst s10  }
0x35: {  	s10 =	sld [smem:$0x3F98];
	_ =	sdelay $0x3  }
0x36: {  	p1 =	seq.s32 s10, $0x1;
	s10 =	sld [smem:$0x3F99];
	_ =	sdelay $0x3  }
0x37: {  	[smem:$0x3F99] =	sst s10  }
0x38: {  	s10 =	sld [smem:$0x3F9A]  }
0x39: {  	_ = 	snop;
	(pc) =	sbr.ind lr, $3  }
0x3a: {  	_ = 	snop  }
0x3b: {  	_ = 	snop  }
0x3c: {  	p2 =	seq.s32 s10, $0x1;
	s10 =	sld [smem:$0x3F99]  }
0x3d: {  	_ =	shalt  }
0x3e: {  	_ =	shalt  }
0x3f: {  	_ =	shalt  }
0x40: {  	_ =	shalt  }
0x41: {  	_ =	shalt  }
0x42: {  	_ =	shalt  }
0x43: {  	_ =	shalt  }
0x44: {  	_ =	shalt  }
0x45: {  	_ =	shalt  }
0x46: {  	_ =	shalt  }
0x47: {  	_ =	shalt  }
0x48: {  	_ =	shalt  }
0x49: {  	_ =	shalt  }
0x4a: {  	_ =	shalt  }
0x4b: {  	_ =	shalt  }
0x4c: {  	_ =	shalt  }
0x4d: {  	_ =	shalt  }
0x4e: {  	_ =	shalt  }
0x4f: {  	_ =	shalt  }
0x50: {  	_ =	shalt  }
0x51: {  	_ =	shalt  }
0x52: {  	_ =	shalt  }
0x53: {  	_ =	shalt  }
0x54: {  	_ =	shalt  }
0x55: {  	_ =	shalt  }
0x56: {  	_ =	shalt  }
0x57: {  	_ =	shalt  }
0x58: {  	_ =	shalt  }
0x59: {  	_ =	shalt  }
0x5a: {  	_ =	shalt  }
0x5b: {  	_ =	shalt  }
0x5c: {  	_ =	shalt  }
0x5d: {  	_ =	shalt  }
0x5e: {  	_ =	shalt  }
0x5f: {  	_ =	shalt  }
0x60: {  	_ =	shalt  }
0x61: {  	_ =	shalt  }
0x62: {  	_ =	shalt  }
0x63: {  	_ =	shalt  }
0x64: {  	_ =	shalt  }
0x65: {  	_ =	shalt  }
0x66: {  	_ =	shalt  }
0x67: {  	_ =	shalt  }
0x68: {  	_ =	shalt  }
0x69: {  	_ =	shalt  }
0x6a: {  	_ =	shalt  }
0x6b: {  	_ =	shalt  }
0x6c: {  	_ =	shalt  }
0x6d: {  	_ =	shalt  }
0x6e: {  	_ =	shalt  }
0x6f: {  	_ =	shalt  }
0x70: {  	_ =	shalt  }
0x71: {  	_ =	shalt  }
0x72: {  	_ =	shalt  }
0x73: {  	_ =	shalt  }
0x74: {  	_ =	shalt  }
0x75: {  	_ =	shalt  }
0x76: {  	_ =	shalt  }
0x77: {  	_ =	shalt  }
0x78: {  	_ =	shalt  }
0x79: {  	_ =	shalt  }
0x7a: {  	_ =	shalt  }
0x7b: {  	_ =	shalt  }
0x7c: {  	_ =	shalt  }
0x7d: {  	_ =	shalt  }
0x7e: {  	_ =	shalt  }
0x7f: {  	_ =	shalt  }
0x80: {  	_ =	shalt  }
0x81: {  	_ =	shalt  }
0x82: {  	_ =	shalt  }
0x83: {  	_ =	shalt  }
0x84: {  	_ =	shalt  }
0x85: {  	_ =	shalt  }
0x86: {  	_ =	shalt  }
0x87: {  	_ =	shalt  }
.Lfunc_end0:
.L_simem_size_0:
called_computation.1_lowered:
.L_overlay_start_0:
0x88: {  	s2 =	sld [smem:$0x3FD9]  }
0x89: {  	s3 =	sld [smem:$0x3FFE];
	_ =	sdelay $0x1  }
0x8a: {  	s1 =	srdreg.scid  }
0x8b: {  	s0 =	sand.u32 $0x1, s1  }
0x8c: {  	s14 =	sshll.u32 s0, $0xA;
	s2 =	sadd.s32 s3, s2  }
0x8d: {  	s2 =	sadd.s32 s2, s14  }
0x8e: {  	[smem:$0x3FA5] =	sst s2  }
0x8f: {  	_ = 	snop  }
0x90: {  	s2 =	sld [smem:$0x3FD0];
	_ =	sdelay $0x2  }
0x91: {  	s15 =	simm.s32 $0xB;
	s4 =	simm.s32 $0x10  }
0x92: {  	[smem:s4], [sflag:s15] =	dma.local [hbm:s2], $0x1  }
0x93: {  	_ =	swait.eq [sflag:s15], $0x1  }
0x94: {  	[sflag:s15] =	ssyncset.done $0x0  }
0x95: {  	[sflag:s15] =	ssyncadd.s32 $0xFFFFFFFF  }
0x96: {  	s16 =	sld [smem:$0x10];
	(tm) =	ssettm $0x1  }
0x97: {  	s17 =	sld [smem:$0x3FFB];
	_ =	sdelay $0x3  }
0x98: {  	_ =	strace s17  }
0x99: {  	s3 =	sld [smem:$0x3FFC];
	_ =	sdelay $0x3  }
0x9a: {  	_ =	strace s3  }
0x9b: {  	s3 =	sld [smem:$0x3FFD];
	_ =	sdelay $0x3  }
0x9c: {  	_ =	strace s3  }
0x9d: {  	_ =	strace $0x8FFFFFFF  }
0x9e: {  	s18 =	sld [smem:$0x3FDB];
	_ =	sdelay $0x1  }
0x9f: {  	s19 =	simm.s32 $_scs_section_size  }
0xa0: {  	s5 =	simm.s32 $_size__tile_overlayer_lowered;
	s6 =	simm.s32 $_tile_overlayer_lowered  }
0xa1: {  	s22 =	simm.s32 $0x1BFF;
	s21 =	sshll.u32 s6, $0x1;
	s3 =	sadd.s32 s19, s18  }
0xa2: {  	s7 =	simm.s32 $0x0;
	s20 =	sshll.u32 s5, $0x1;
	s5 =	sadd.s32 s21, s3  }
0xa3: {  	[timem:s7], [sflag:s22] =	dma.local [hbm:s5], s20  }
0xa4: {  	_ =	swait.ge [sflag:s22], s20  }
0xa5: {  	s4 =	ssub.s32 $0x0, s20;
	[sflag:s22] =	ssyncset.done $0x0  }
0xa6: {  	[sflag:s22] =	ssyncadd.s32 s4;
	_ =	sdelay $0x1  }
0xa7: {  	s23 =	simm.s32 $0x1B8B  }
0xa8: {  	_ =	swait.ge [sflag:s23], $0x1  }
0xa9: {  	[sflag:s23] =	ssyncset.done $0x0  }
0xaa: {  	s25 =	simm.s32 $0x1B8E;
	s24 =	sld [smem:$0x3FFE];
	[sflag:s23] =	ssyncadd.s32 $0xFFFFFFFF  }
0xab: {  	s26 =	simm.s32 $execute0_lowered;
	[smem:$0x3FD2] =	sst s25  }
0xac: {  	s5 =	sshll.u32 s26, $0x1;
	_ =	strace $0x80000046;
	[dreg:$0x1] =	wrdreg $0xFFFFFFFF  }
0xad: {  	s28 =	simm.s32 $_size_execute0_lowered;
	s3 =	sadd.s32 s3, s5;
	[dreg:$0x0] =	wrdreg $0x0  }
0xae: {  	s5 =	sshll.u32 s28, $0x1;
	[dreg:$0x2] =	wrdreg s3  }
0xaf: {  	[dreg:$0x3] =	wrdreg s5  }
0xb0: {  	[dreg:$0x4] =	wrdreg $0xC0  }
0xb1: {  	_ =	task [dreg:s7], $0x5FFFF  }
0xb2: {  	[dreg:$0x1] =	wrdreg $0xFFFFFFFF  }
0xb3: {  	[dreg:$0x0] =	wrdreg $0x60  }
0xb4: {  	[dreg:$0x2] =	wrdreg s24  }
0xb5: {  	[dreg:$0x3] =	wrdreg s16  }
0xb6: {  	[dreg:$0x4] =	wrdreg $0x98200  }
0xb7: {  	[dreg:$0x5] =	wrdreg $0x9  }
0xb8: {  	_ =	task.clear_ibuf [dreg:s7], $0x6FFFF;
	_ =	strace $0x90000046  }
0xb9: {  	s29 =	simm.s32 $0x9;
	_ =	strace $0x80000048  }
0xba: {  	_ =	swait.ge [sflag:s29], $0x1  }
0xbb: {  	[sflag:s29] =	ssyncadd.s32 $0xFFFFFFFF  }
0xbc: {  	_ =	strace $0x90000048  }
0xbd: {  	_ =	sfence  }
0xbe: {  	s30 =	sld [smem:$0x0];
	_ =	sdelay $0x2  }
0xbf: {  	s31 =	sshll.u32 s1, $0xD;
	s1 =	sshrl.u32 s1, $0x2  }
0xc0: {  	s3 =	sand.u32 $0x4000, s31;
	s1 =	sadd.s32 s1, s30  }
0xc1: {  	s0 =	sor.u32 s3, s0;
	s1 =	sshll.u32 s1, $0x11  }
0xc2: {  	s0 =	sor.u32 s1, s0  }
0xc3: {  	s0 =	sadd.s32 $0x8F2B, s0  }
0xc4: {  	[sflag:s0] =	ssyncadd.remote.s32 $0x1  }
0xc5: {  	_ =	sfence.sel $0xFFFF  }
0xc6: {  	[dreg:$0x0] =	wrdreg $0xFFFFFFFF;
	(pc) =	sbr.abs _section_cstart, $3  }
0xc7: {  	[dreg:$0x1] =	wrdreg $0xFFFFFFFF  }
0xc8: {  	_ =	task.clear_ibuf [dreg:s7], $0x2FFFF;
	_ =	strace $0x9FFFFFFF  }
0xc9: {  	(tm) =	ssettm $0x7FFFFFFF  }
tec
execute0_lowered:
.L_overlay_start_1:
0x0: {  	(tag) =	ssettag $0x1  }
0x1: {  	s0 =	rddreg [dreg:$0x0]  }
0x2: {  	s2 =	rddreg [dreg:$0x1];
	s3 =	srdreg.scid  }
0x3: {  	s1 =	rddreg [dreg:$0x2];
	s13 =	stileid.u32;
	s7 =	sand.u32 $0x1, s3  }
0x4: {  	s3 =	simm.s32 $0x0;
	s5 =	sadd.s32 $0x252E00, s0;
	s6 =	sadd.s32 $0x2B4A00, s0  }
0x5: {  	s11 =	smul.u32 $0xC380, s13;
	s4 =	sshll.u32 s7, $0x4;
	[smem:$0x7FF] =	sst s3  }
0x6: {  	s9 =	smul.u32 $0xC3800, s7;
	s10 =	ssub.s32 $0x2, s7;
	s7 =	sadd.s32 $0x2E5800, s0  }
0x7: {  	s8 =	sor.u32 s13, s4;
	_ =	strace $0x80000047;
	s28 =	sshrl.u32 s10, $0x1  }
0x8: {  	s12 =	smul.u32 $0x186A, s8;
	s0 =	ssub.s32 s10, s28;
	s9 =	sadd.s32 s11, s9  }
0x9: {  	s13 =	smul.u32 $0x30E00, s13;
	s9 =	sshrl.u32 s9, $0x3;
	s0 =	smax.u32 s0, $0x1  }
0xa: {  	s29 =	sadd.s32 s6, s12;
	s2 =	sadd.s32 s2, s9;
	[dreg:$0x6] =	wrdreg s0  }
0xb: {  	s9 =	sshrl.u32 s13, $0x2;
	s12 =	sadd.s32 s11, s1;
	[dreg:$0x4] =	wrdreg s29  }
0xc: {  	[dreg:$0x5] =	wrdreg s2;
	s13 =	sadd.s32 s9, s1;
	s25 =	sshrl.u32 s12, $0x3  }
0xd: {  	s14 =	sadd.s32 $0xB80, s13;
	[dreg:$0x12] =	wrdreg s25  }
0xe: {  	s15 =	sadd.s32 $0x1700, s13;
	[dreg:$0x7] =	wrdreg s14  }
0xf: {  	s16 =	sadd.s32 $0x2280, s13;
	[dreg:$0x8] =	wrdreg s15  }
0x10: {  	s17 =	sadd.s32 $0x2E00, s13;
	[dreg:$0x9] =	wrdreg s16  }
0x11: {  	s18 =	sadd.s32 $0x3980, s13;
	[dreg:$0xa] =	wrdreg s17  }
0x12: {  	s4 =	smul.u32 $0x7D, s8;
	s19 =	sadd.s32 $0x4500, s13;
	[dreg:$0xb] =	wrdreg s18  }
0x13: {  	s8 =	smul.u32 $0x61A8, s8;
	s20 =	sadd.s32 $0x5080, s13;
	[dreg:$0xc] =	wrdreg s19  }
0x14: {  	s10 =	sadd.s32 $0x2, s4;
	s21 =	sadd.s32 $0x5C00, s13;
	[dreg:$0xd] =	wrdreg s20  }
0x15: {  	s0 =	simm.s32 $0x8CA0;
	s22 =	sadd.s32 $0x6780, s13;
	[dreg:$0xe] =	wrdreg s21  }
0x16: {  	s11 =	simm.s32 $0x1;
	s23 =	sadd.s32 $0x7300, s13;
	[dreg:$0xf] =	wrdreg s22  }
0x17: {  	s2 =	simm.s32 $0x8;
	s24 =	sadd.s32 $0x7E80, s13;
	[dreg:$0x10] =	wrdreg s23  }
0x18: {  	s9 =	simm.s32 $0xC8;
	s26 =	sadd.s32 $0x8A00, s13;
	[dreg:$0x11] =	wrdreg s24  }
0x19: {  	s12 =	simm.s32 $0x2;
	s28 =	sadd.s32 $0x9580, s13;
	[dreg:$0x13] =	wrdreg s26  }
.Ltmp0:
0x1a: {  	s29 =	sadd.s32 $0xA100, s13;
	[dreg:$0x14] =	wrdreg s28;
	(pc) =	sbr.rel .LBB2_1-.Ltmp0, $4  }
0x1b: {  	s30 =	sadd.s32 $0xAC80, s13;
	s31 =	sadd.s32 $0xB800, s13;
	[dreg:$0x15] =	wrdreg s29  }
0x1c: {  	s14 =	simm.s32 $0x6720;
	s15 =	simm.s32 $0x8020;
	s16 =	simm.s32 $0x3  }
0x1d: {  	s17 =	simm.s32 $0x4;
	s18 =	simm.s32 $0x5;
	s19 =	simm.s32 $0x190  }
0x1e: {  	v0 =	vimm.f32 $1.000000000e+00;
	v1 =	vimm.f32 $0.0e+00;
	s20 =	simm.s32 $0x6;
	s21 =	simm.s32 $0x7;
	s22 =	simm.s32 $0x0  }
.LBB2_13:
0x1f: {  	_ =	swait.ge [sflag:s18], $0x1900  }
0x20: {  	[sflag:s18] =	ssyncset.done $0x0  }
0x21: {  	[sflag:s18] =	ssyncadd.s32 $0xFFFFE700  }
0x22: {  	_ =	swait.ge [sflag:s20], $0xC80  }
0x23: {  	[sflag:s20] =	ssyncset.done $0x0  }
0x24: {  	[sflag:s20] =	ssyncadd.s32 $0xFFFFF380  }
0x25: {  	_ =	swait.ge [sflag:s21], $0xC80  }
0x26: {  	[sflag:s21] =	ssyncset.done $0x0  }
0x27: {  	[sflag:s21] =	ssyncadd.s32 $0xFFFFF380  }
0x28: {  	s23 =	stileid.u32;
	[bflag:$0x0] =	sbarrier.arrive $0xFFFF  }
0x29: {  	s23 =	sshll.u32 s23, $0x6;
	s24 =	rddreg [dreg:$0x5]  }
0x2a: {  	s23 =	sor.u32 $0x1C08, s23;
	s25 =	rddreg [dreg:$0x12]  }
0x2b: {  	[hbm:s24], [sflag:s23] =	dma.local [spmem:s25], $0x1870  }
0x2c: {  	_ =	swait.ge [sflag:s2], $0x1870  }
0x2d: {  	s22 =	sadd.s32 $0x1, s22;
	s29 =	rddreg [dreg:$0x6]  }
0x2e: {  	p0 =	sne.s32 s22, s29  }
.Ltmp1:
0x2f: {  	_ = 	snop;
	(pc) =	sbr.rel @!p0 .LBB2_14-.Ltmp1, $3  }
0x30: {  	_ =	sdelay $0x1  }
0x31: {  	[sflag:s2] =	ssyncset.done $0x0  }
0x32: {  	[sflag:s2] =	ssyncadd.s32 $0xFFFFE790  }
.LBB2_1:
0x33: {  	s23 =	simm.s32 $0x0  }
.LBB2_2:
0x34: {  	p0 =	sne.s32 s23, $0x31C0  }
.Ltmp2:
0x35: {  	_ = 	snop;
	(pc) =	sbr.rel @p0 .LBB2_2-.Ltmp2, $3  }
0x36: {  	_ =	sdelay $0x1  }
0x37: {  	s24 =	sshra.s32 s23, $0x2  }
0x38: {  	s23 =	sadd.s32 $0x40, s23;
	[tilespmem:s24+$0x8020] =	vst v0  }
0x39: {  	s23 =	simm.s32 $0x40;
	s24 =	simm.s32 $0x0  }
.LBB2_4:
0x3a: {  	p0 =	sne.s32 s23, $0x2DC0;
	[tilespmem:s24+$0x8CA0] =	vst v1;
	s24 =	smov.u32 s23;
	s23 =	sadd.s32 $0x40, s23  }
.Ltmp3:
0x3b: {  	(pc) =	sbr.rel @p0 .LBB2_4-.Ltmp3, $2  }
0x3c: {  	_ =	sdelay $0x2  }
0x3d: {  	s24 =	sshra.s32 s24, $0x2  }
0x3e: {  	[tilespmem:s24+$0x8CA0] =	vst v1  }
0x3f: {  	[spmem:s13] =	stream.linear.scatter [tilespmem:s0], [sflag:$0x8], $0xB80, $0x38;
	[tilespmem:$0x15BA0] =	vst v63  }
0x40: {  	_ =	swait.ge [sflag:s2], $0xB80  }
0x41: {  	[sflag:s2] =	ssyncset.done $0x0  }
0x42: {  	s23 =	rddreg [dreg:$0x7];
	[sflag:s2] =	ssyncadd.s32 $0xFFFFF480  }
0x43: {  	[spmem:s23] =	stream.linear.scatter [tilespmem:s0], [sflag:$0x8], $0xB80, $0x38;
	[tilespmem:$0x15BA0] =	vst v63  }
0x44: {  	_ =	swait.ge [sflag:s2], $0xB80  }
0x45: {  	[sflag:s2] =	ssyncset.done $0x0  }
0x46: {  	s29 =	rddreg [dreg:$0x8];
	[sflag:s2] =	ssyncadd.s32 $0xFFFFF480  }
0x47: {  	[spmem:s29] =	stream.linear.scatter [tilespmem:s0], [sflag:$0x8], $0xB80, $0x38;
	[tilespmem:$0x15BA0] =	vst v63  }
0x48: {  	_ =	swait.ge [sflag:s2], $0xB80  }
0x49: {  	[sflag:s2] =	ssyncset.done $0x0  }
0x4a: {  	s24 =	rddreg [dreg:$0x9];
	[sflag:s2] =	ssyncadd.s32 $0xFFFFF480  }
0x4b: {  	[spmem:s24] =	stream.linear.scatter [tilespmem:s0], [sflag:$0x8], $0xB80, $0x38;
	[tilespmem:$0x15BA0] =	vst v63  }
0x4c: {  	_ =	swait.ge [sflag:s2], $0xB80  }
0x4d: {  	[sflag:s2] =	ssyncset.done $0x0  }
0x4e: {  	s25 =	rddreg [dreg:$0xa];
	[sflag:s2] =	ssyncadd.s32 $0xFFFFF480  }
0x4f: {  	[spmem:s25] =	stream.linear.scatter [tilespmem:s0], [sflag:$0x8], $0xB80, $0x38;
	[tilespmem:$0x15BA0] =	vst v63  }
0x50: {  	_ =	swait.ge [sflag:s2], $0xB80  }
0x51: {  	[sflag:s2] =	ssyncset.done $0x0  }
0x52: {  	s26 =	rddreg [dreg:$0xb];
	[sflag:s2] =	ssyncadd.s32 $0xFFFFF480  }
0x53: {  	[spmem:s26] =	stream.linear.scatter [tilespmem:s0], [sflag:$0x8], $0xB80, $0x38;
	[tilespmem:$0x15BA0] =	vst v63  }
0x54: {  	_ =	swait.ge [sflag:s2], $0xB80  }
0x55: {  	[sflag:s2] =	ssyncset.done $0x0  }
0x56: {  	s28 =	rddreg [dreg:$0xc];
	[sflag:s2] =	ssyncadd.s32 $0xFFFFF480  }
0x57: {  	[spmem:s28] =	stream.linear.scatter [tilespmem:s0], [sflag:$0x8], $0xB80, $0x38;
	[tilespmem:$0x15BA0] =	vst v63  }
0x58: {  	_ =	swait.ge [sflag:s2], $0xB80  }
0x59: {  	[sflag:s2] =	ssyncset.done $0x0  }
0x5a: {  	s29 =	rddreg [dreg:$0xd];
	[sflag:s2] =	ssyncadd.s32 $0xFFFFF480  }
0x5b: {  	[spmem:s29] =	stream.linear.scatter [tilespmem:s0], [sflag:$0x8], $0xB80, $0x38;
	[tilespmem:$0x15BA0] =	vst v63  }
0x5c: {  	_ =	swait.ge [sflag:s2], $0xB80  }
0x5d: {  	[sflag:s2] =	ssyncset.done $0x0  }
0x5e: {  	s24 =	rddreg [dreg:$0xe];
	[sflag:s2] =	ssyncadd.s32 $0xFFFFF480  }
0x5f: {  	[spmem:s24] =	stream.linear.scatter [tilespmem:s0], [sflag:$0x8], $0xB80, $0x38;
	[tilespmem:$0x15BA0] =	vst v63  }
0x60: {  	_ =	swait.ge [sflag:s2], $0xB80  }
0x61: {  	[sflag:s2] =	ssyncset.done $0x0  }
0x62: {  	s25 =	rddreg [dreg:$0xf];
	[sflag:s2] =	ssyncadd.s32 $0xFFFFF480  }
0x63: {  	[spmem:s25] =	stream.linear.scatter [tilespmem:s0], [sflag:$0x8], $0xB80, $0x38;
	[tilespmem:$0x15BA0] =	vst v63  }
0x64: {  	_ =	swait.ge [sflag:s2], $0xB80  }
0x65: {  	[sflag:s2] =	ssyncset.done $0x0  }
0x66: {  	s26 =	rddreg [dreg:$0x10];
	[sflag:s2] =	ssyncadd.s32 $0xFFFFF480  }
0x67: {  	[spmem:s26] =	stream.linear.scatter [tilespmem:s0], [sflag:$0x8], $0xB80, $0x38;
	[tilespmem:$0x15BA0] =	vst v63  }
0x68: {  	_ =	swait.ge [sflag:s2], $0xB80  }
0x69: {  	[sflag:s2] =	ssyncset.done $0x0  }
0x6a: {  	s28 =	rddreg [dreg:$0x11];
	[sflag:s2] =	ssyncadd.s32 $0xFFFFF480  }
0x6b: {  	[spmem:s28] =	stream.linear.scatter [tilespmem:s0], [sflag:$0x8], $0xB80, $0x38;
	[tilespmem:$0x15BA0] =	vst v63  }
0x6c: {  	_ =	swait.ge [sflag:s2], $0xB80  }
0x6d: {  	[sflag:s2] =	ssyncset.done $0x0  }
0x6e: {  	s29 =	rddreg [dreg:$0x13];
	[sflag:s2] =	ssyncadd.s32 $0xFFFFF480  }
0x6f: {  	[spmem:s29] =	stream.linear.scatter [tilespmem:s0], [sflag:$0x8], $0xB80, $0x38;
	[tilespmem:$0x15BA0] =	vst v63  }
0x70: {  	_ =	swait.ge [sflag:s2], $0xB80  }
0x71: {  	[sflag:s2] =	ssyncset.done $0x0  }
0x72: {  	s24 =	rddreg [dreg:$0x14];
	[sflag:s2] =	ssyncadd.s32 $0xFFFFF480  }
0x73: {  	[spmem:s24] =	stream.linear.scatter [tilespmem:s0], [sflag:$0x8], $0xB80, $0x38;
	[tilespmem:$0x15BA0] =	vst v63  }
0x74: {  	_ =	swait.ge [sflag:s2], $0xB80  }
0x75: {  	[sflag:s2] =	ssyncset.done $0x0  }
0x76: {  	s25 =	rddreg [dreg:$0x15];
	[sflag:s2] =	ssyncadd.s32 $0xFFFFF480  }
0x77: {  	[spmem:s25] =	stream.linear.scatter [tilespmem:s0], [sflag:$0x8], $0xB80, $0x38;
	[tilespmem:$0x15BA0] =	vst v63  }
0x78: {  	_ =	swait.ge [sflag:s2], $0xB80  }
0x79: {  	[sflag:s2] =	ssyncset.done $0x0  }
0x7a: {  	[sflag:s2] =	ssyncadd.s32 $0xFFFFF480  }
0x7b: {  	[spmem:s30] =	stream.linear.scatter [tilespmem:s0], [sflag:$0x8], $0xB80, $0x38;
	[tilespmem:$0x15BA0] =	vst v63  }
0x7c: {  	_ =	swait.ge [sflag:s2], $0xB80  }
0x7d: {  	[sflag:s2] =	ssyncset.done $0x0  }
0x7e: {  	[sflag:s2] =	ssyncadd.s32 $0xFFFFF480  }
0x7f: {  	[spmem:s31] =	stream.linear.scatter [tilespmem:s0], [sflag:$0x8], $0xB80, $0x38;
	[tilespmem:$0x15BA0] =	vst v63  }
0x80: {  	_ =	swait.ge [sflag:s2], $0xB80  }
0x81: {  	[sflag:s2] =	ssyncset.done $0x0  }
0x82: {  	[sflag:s2] =	ssyncadd.s32 $0xFFFFF480  }
0x83: {  	[bflag:$0x0] =	sbarrier.arrive $0xFFFF  }
0x84: {  	s23 =	simm.s32 $0x0;
	s26 =	rddreg [dreg:$0x4]  }
0x85: {  	[tilespmem:s23], [sflag:$0x8] =	stream.linear.gather [hbm4b:s26+s23], $0x190, $0x38;
	[tilespmem:$0x15BA0] =	vst v63  }
0x86: {  	_ =	swait.ge [sflag:s2], $0x190  }
.Ltmp4:
0x87: {  	[sflag:s2] =	ssyncset.done $0x0;
	(pc) =	sbr.rel .LBB2_6-.Ltmp4, $4  }
0x88: {  	s28 =	simm.s32 $0x320;
	[sflag:s2] =	ssyncadd.s32 $0xFFFFFE70  }
0x89: {  	[tilespmem:s28], [sflag:$0x1] =	stream.indirect.gather [hbm4b:s5+s9], $0x20, s23, s9, $0xb8;
	[tilespmem:$0x15BA0] =	vst v63  }
0x8a: {  	s29 =	simm.s32 $0x1C20  }
0x8b: {  	[tilespmem:s29], [sflag:$0x2] =	stream.indirect.gather [hbm4b:s5+s9], $0x20, s9, s9, $0xb8;
	[tilespmem:$0x15BA0] =	vst v63  }
.LBB2_12:
0x8c: {  	s23 =	sadd.s32 $0x1, s23  }
0x8d: {  	p0 =	sne.s32 s23, $0x3F  }
.Ltmp5:
0x8e: {  	_ = 	snop;
	(pc) =	sbr.rel @!p0 .LBB2_13-.Ltmp5, $1  }
0x8f: {  	_ =	sdelay $0x3  }
.LBB2_6:
0x90: {  	s24 =	sshllo.u32 s23, $0x1  }
0x91: {  	p0 =	sgt.u32 s24, $0x7C  }
0x92: {  	p1 =	seq.s32 @!p0 s23, $0x0  }
0x93: {  	p1 =	por p1, p0  }
0x94: {  	s26 =	sadd.s32 @!p0 s4, s24;
	s25 =	simm.s32 @!p1 $0x7  }
0x95: {  	s26 =	smul.u32 @!p0 $0x32, s26;
	_ =	swait.ge @!p1 [sflag:s25], $0xC80  }
0x96: {  	s28 =	simm.s32 @!p0 $0x190;
	[sflag:s25] =	ssyncset.done @!p1 $0x0  }
0x97: {  	[sflag:s25] =	ssyncadd.s32 @!p1 $0xFFFFF380;
	s25 =	sadd.s32 @!p0 s6, s26;
	s26 =	simm.s32 @!p0 $0x0  }
0x98: {  	[tilespmem:s28], [sflag:$0x8] =	stream.linear.gather @!p0 [hbm4b:s25+s26], $0x190, $0x38;
	[tilespmem:$0x15BA0] =	vst v63  }
0x99: {  	s25 =	simm.s32 @!p0 $0x8  }
0x9a: {  	_ =	swait.ge @!p0 [sflag:s25], $0x190  }
0x9b: {  	[sflag:s25] =	ssyncset.done @!p0 $0x0  }
0x9c: {  	s26 =	simm.s32 @!p0 $0x3520;
	[sflag:s25] =	ssyncadd.s32 @!p0 $0xFFFFFE70;
	s25 =	simm.s32 @!p0 $0xC8  }
0x9d: {  	[tilespmem:s26], [sflag:$0x3] =	stream.indirect.gather @!p0 [hbm4b:s5+s25], $0x20, s28, s25, $0xb8;
	[tilespmem:$0x15BA0] =	vst v63  }
0x9e: {  	s26 =	simm.s32 @!p0 $0x258;
	s28 =	simm.s32 @!p0 $0x4E20  }
0x9f: {  	[tilespmem:s28], [sflag:$0x4] =	stream.indirect.gather @!p0 [hbm4b:s5+s25], $0x20, s26, s25, $0xb8;
	[tilespmem:$0x15BA0] =	vst v63  }
0xa0: {  	_ =	swait.ge [sflag:s11], $0x1900  }
0xa1: {  	[sflag:s11] =	ssyncset.done $0x0  }
0xa2: {  	[sflag:s11] =	ssyncadd.s32 $0xFFFFE700  }
0xa3: {  	_ =	swait.ge [sflag:s12], $0x1900  }
0xa4: {  	p1 =	seq.s32 s23, $0x0;
	[sflag:s12] =	ssyncset.done $0x0  }
0xa5: {  	s25 =	simm.s32 @!p1 $0x5;
	[sflag:s12] =	ssyncadd.s32 $0xFFFFE700  }
0xa6: {  	_ =	swait.ge @!p1 [sflag:s25], $0x1900  }
0xa7: {  	[sflag:s25] =	ssyncset.done @!p1 $0x0  }
0xa8: {  	s26 =	simm.s32 $0x0;
	[sflag:s25] =	ssyncadd.s32 @!p1 $0xFFFFE700  }
0xa9: {  	v2 =	vld [tilespmem:s26+$0x390]  }
0xaa: {  	v3 =	vld [tilespmem:s26+$0x1C90]  }
0xab: {  	v4 =	vld [tilespmem:s26+$0x320]  }
0xac: {  	v5 =	vld [tilespmem:s26+$0x1C20]  }
0xad: {  	v6 =	vld [tilespmem:s26+$0x330]  }
0xae: {  	v7 =	vld [tilespmem:s26+$0x1C30]  }
0xaf: {  	v8 =	vld [tilespmem:s26+$0x340]  }
0xb0: {  	v9 =	vld [tilespmem:s26+$0x350]  }
0xb1: {  	v2 =	vadd.bf16 v3, v2;
	v3 =	vld [tilespmem:s26+$0x1C40]  }
0xb2: {  	v10 =	vld [tilespmem:s26+$0x1C50]  }
0xb3: {  	v11 =	vld [tilespmem:s26+$0x1C60];
	v4 =	vadd.bf16 v5, v4  }
0xb4: {  	[tilespmem:s26+$0x6790] =	vst v2;
	v2 =	vadd.bf16 v7, v6;
	v7 =	vld [tilespmem:s26+$0x360]  }
0xb5: {  	v5 =	vld [tilespmem:s26+$0x1C70];
	[tilespmem:s26+$0x6720] =	vst v4  }
0xb6: {  	v4 =	vld [tilespmem:s26+$0x370];
	[tilespmem:s26+$0x6730] =	vst v2;
	v2 =	vadd.bf16 v3, v8  }
0xb7: {  	v6 =	vld [tilespmem:s26+$0x1C80];
	v8 =	vadd.bf16 v10, v9  }
0xb8: {  	s28 =	simm.s32 $0x80;
	[tilespmem:s26+$0x6740] =	vst v2;
	v2 =	vld [tilespmem:s26+$0x380]  }
0xb9: {  	s29 =	simm.s32 $0x400;
	s25 =	sshll.u32 s23, $0x1;
	v7 =	vadd.bf16 v11, v7;
	v3 =	vld [tilespmem:s28+$0x390];
	[tilespmem:s26+$0x6750] =	vst v8  }
.LBB2_7:
0xba: {  	p1 =	sne.s32 s29, $0x6200;
	v8 =	vld [tilespmem:s28+$0x1C90]  }
0xbb: {  	v9 =	vld [tilespmem:s28+$0x320];
	[tilespmem:s26+$0x6760] =	vst v7;
	v4 =	vadd.bf16 v5, v4  }
0xbc: {  	v5 =	vld [tilespmem:s28+$0x1C20]  }
0xbd: {  	v7 =	vld [tilespmem:s28+$0x330];
	[tilespmem:s26+$0x6770] =	vst v4;
	v2 =	vadd.bf16 v6, v2  }
0xbe: {  	v4 =	vld [tilespmem:s28+$0x1C30]  }
0xbf: {  	v6 =	vld [tilespmem:s28+$0x340];
	v3 =	vadd.bf16 v8, v3;
	[tilespmem:s26+$0x6780] =	vst v2;
	s26 =	smov.u32 s28  }
0xc0: {  	v2 =	vld [tilespmem:s26+$0x1C40]  }
0xc1: {  	v5 =	vadd.bf16 v5, v9;
	v8 =	vld [tilespmem:s26+$0x350];
	[tilespmem:s26+$0x6790] =	vst v3  }
0xc2: {  	v3 =	vld [tilespmem:s26+$0x1C50]  }
0xc3: {  	[tilespmem:s26+$0x6720] =	vst v5;
	v4 =	vadd.bf16 v4, v7;
	v7 =	vld [tilespmem:s26+$0x360]  }
0xc4: {  	v9 =	vld [tilespmem:s26+$0x1C60]  }
.Ltmp6:
0xc5: {  	[tilespmem:s26+$0x6730] =	vst v4;
	v2 =	vadd.bf16 v2, v6;
	v4 =	vld [tilespmem:s26+$0x370];
	(pc) =	sbr.rel @p1 .LBB2_7-.Ltmp6, $4  }
0xc6: {  	v5 =	vld [tilespmem:s26+$0x1C70]  }
0xc7: {  	[tilespmem:s26+$0x6740] =	vst v2;
	v8 =	vadd.bf16 v3, v8;
	v2 =	vld [tilespmem:s26+$0x380]  }
0xc8: {  	s28 =	sshra.s32 s29, $0x2;
	v6 =	vld [tilespmem:s26+$0x1C80]  }
0xc9: {  	s29 =	sadd.s32 $0x200, s29;
	v3 =	vld [tilespmem:s28+$0x390];
	[tilespmem:s26+$0x6750] =	vst v8;
	v7 =	vadd.bf16 v9, v7  }
0xca: {  	v8 =	vld [tilespmem:s28+$0x1C90]  }
0xcb: {  	v9 =	vld [tilespmem:s28+$0x320];
	[tilespmem:s26+$0x6760] =	vst v7;
	v4 =	vadd.bf16 v5, v4  }
0xcc: {  	v56 =	vld [tilespmem:s28+$0x1C20]  }
0xcd: {  	v7 =	vld [tilespmem:s28+$0x330];
	[tilespmem:s26+$0x6770] =	vst v4;
	v2 =	vadd.bf16 v6, v2  }
0xce: {  	v4 =	vld [tilespmem:s28+$0x1C30]  }
0xcf: {  	v57 =	vld [tilespmem:s28+$0x340];
	[tilespmem:s26+$0x6780] =	vst v2  }
0xd0: {  	v2 =	vadd.bf16 v8, v3;
	v3 =	vld [tilespmem:s28+$0x1C40]  }
0xd1: {  	v58 =	vld [tilespmem:s28+$0x350]  }
0xd2: {  	v59 =	vld [tilespmem:s28+$0x360]  }
0xd3: {  	v60 =	vld [tilespmem:s28+$0x1C60]  }
0xd4: {  	v61 =	vld [tilespmem:s28+$0x370]  }
0xd5: {  	[tilespmem:s28+$0x6790] =	vst v2;
	v2 =	vld [tilespmem:s28+$0x1C50]  }
0xd6: {  	v62 =	vld [tilespmem:s28+$0x1C70];
	v3 =	vadd.bf16 v3, v57  }
0xd7: {  	v63 =	vld [tilespmem:s28+$0x1C80]  }
0xd8: {  	v5 =	vadd.bf16 v56, v9;
	[tilespmem:s28+$0x6740] =	vst v3;
	v3 =	vld [tilespmem:s28+$0x380]  }
0xd9: {  	v4 =	vadd.bf16 v4, v7  }
0xda: {  	[tilespmem:s28+$0x6720] =	vst v5;
	v2 =	vadd.bf16 v2, v58  }
0xdb: {  	s29 =	smul.u32 $0x190, s23;
	[tilespmem:s28+$0x6730] =	vst v4;
	v5 =	vadd.bf16 v60, v59  }
0xdc: {  	[tilespmem:s28+$0x6750] =	vst v2;
	v2 =	vadd.bf16 v62, v61  }
0xdd: {  	s26 =	sadd.s32 s8, s29;
	[tilespmem:s28+$0x6760] =	vst v5;
	v3 =	vadd.bf16 v63, v3  }
0xde: {  	s26 =	sshll.u32 s26, $0x2;
	[tilespmem:s28+$0x6770] =	vst v2  }
0xdf: {  	p1 =	seq.s32 s23, $0x3E;
	s26 =	sadd.s32 s7, s26;
	[tilespmem:s28+$0x6780] =	vst v3  }
0xe0: {  	[hbm4b:s26+s3] =	stream.linear.scatter [tilespmem:s14], [sflag:$0x5], $0x1900, $0x38;
	[tilespmem:$0x15BA0] =	vst v63  }
0xe1: {  	s25 =	sadd.s32 @!p1 s25, s10;
	s26 =	simm.s32 @!p1 $0x6  }
0xe2: {  	[spmem:s1] =	stream.indirect.scatter.add.f32 [tilespmem:s15], [sflag:$0x6], $0x10, s3, s9, $0xb8;
	[tilespmem:$0x15BA0] =	vst v63  }
0xe3: {  	s25 =	smul.u32 @!p1 $0x32, s25;
	_ =	swait.ge @!p1 [sflag:s26], $0xC80  }
0xe4: {  	[sflag:s26] =	ssyncset.done @!p1 $0x0  }
0xe5: {  	s25 =	sadd.s32 @!p1 s6, s25;
	[sflag:s26] =	ssyncadd.s32 @!p1 $0xFFFFF380;
	s26 =	simm.s32 @!p1 $0x0  }
0xe6: {  	[tilespmem:s26], [sflag:$0x8] =	stream.linear.gather @!p1 [hbm4b:s25+s26], $0x190, $0x38;
	[tilespmem:$0x15BA0] =	vst v63  }
0xe7: {  	s25 =	simm.s32 @!p1 $0x8  }
0xe8: {  	_ =	swait.ge @!p1 [sflag:s25], $0x190  }
.Ltmp7:
0xe9: {  	[sflag:s25] =	ssyncset.done @!p1 $0x0;
	(pc) =	sbr.rel @p0 .LBB2_12-.Ltmp7, $4  }
0xea: {  	s28 =	simm.s32 @!p1 $0x320;
	[sflag:s25] =	ssyncadd.s32 @!p1 $0xFFFFFE70;
	s25 =	simm.s32 @!p1 $0xC8  }
0xeb: {  	[tilespmem:s28], [sflag:$0x1] =	stream.indirect.gather @!p1 [hbm4b:s5+s25], $0x20, s26, s25, $0xb8;
	[tilespmem:$0x15BA0] =	vst v63  }
0xec: {  	s26 =	simm.s32 @!p1 $0x1C20  }
0xed: {  	[tilespmem:s26], [sflag:$0x2] =	stream.indirect.gather @!p1 [hbm4b:s5+s25], $0x20, s25, s25, $0xb8;
	[tilespmem:$0x15BA0] =	vst v63  }
0xee: {  	_ =	swait.ge [sflag:s16], $0x1900  }
0xef: {  	[sflag:s16] =	ssyncset.done $0x0  }
0xf0: {  	[sflag:s16] =	ssyncadd.s32 $0xFFFFE700  }
0xf1: {  	_ =	swait.ge [sflag:s17], $0x1900  }
0xf2: {  	[sflag:s17] =	ssyncset.done $0x0  }
0xf3: {  	[sflag:s17] =	ssyncadd.s32 $0xFFFFE700  }
0xf4: {  	_ =	swait.ge [sflag:s18], $0x1900  }
0xf5: {  	[sflag:s18] =	ssyncset.done $0x0  }
0xf6: {  	s25 =	simm.s32 $0x0;
	[sflag:s18] =	ssyncadd.s32 $0xFFFFE700  }
0xf7: {  	v2 =	vld [tilespmem:s25+$0x3590]  }
0xf8: {  	v3 =	vld [tilespmem:s25+$0x4E90]  }
0xf9: {  	v4 =	vld [tilespmem:s25+$0x3520]  }
0xfa: {  	v5 =	vld [tilespmem:s25+$0x4E20]  }
0xfb: {  	v6 =	vld [tilespmem:s25+$0x3530]  }
0xfc: {  	v7 =	vld [tilespmem:s25+$0x4E30]  }
0xfd: {  	v8 =	vld [tilespmem:s25+$0x3540]  }
0xfe: {  	v9 =	vld [tilespmem:s25+$0x3550]  }
0xff: {  	v2 =	vadd.bf16 v3, v2;
	v3 =	vld [tilespmem:s25+$0x4E40]  }
0x100: {  	v10 =	vld [tilespmem:s25+$0x4E50]  }
0x101: {  	v11 =	vld [tilespmem:s25+$0x4E60];
	v4 =	vadd.bf16 v5, v4  }
0x102: {  	[tilespmem:s25+$0x6790] =	vst v2;
	v2 =	vadd.bf16 v7, v6;
	v7 =	vld [tilespmem:s25+$0x3560]  }
0x103: {  	v5 =	vld [tilespmem:s25+$0x4E70];
	[tilespmem:s25+$0x6720] =	vst v4  }
0x104: {  	v4 =	vld [tilespmem:s25+$0x3570];
	[tilespmem:s25+$0x6730] =	vst v2;
	v2 =	vadd.bf16 v3, v8  }
0x105: {  	v6 =	vld [tilespmem:s25+$0x4E80];
	v8 =	vadd.bf16 v10, v9  }
0x106: {  	s26 =	simm.s32 $0x80;
	[tilespmem:s25+$0x6740] =	vst v2;
	v2 =	vld [tilespmem:s25+$0x3580]  }
0x107: {  	s28 =	simm.s32 $0x400;
	v7 =	vadd.bf16 v11, v7;
	v3 =	vld [tilespmem:s26+$0x3590];
	[tilespmem:s25+$0x6750] =	vst v8  }
.LBB2_10:
0x108: {  	p0 =	sne.s32 s28, $0x6200;
	v8 =	vld [tilespmem:s26+$0x4E90]  }
0x109: {  	v9 =	vld [tilespmem:s26+$0x3520];
	[tilespmem:s25+$0x6760] =	vst v7;
	v4 =	vadd.bf16 v5, v4  }
0x10a: {  	v5 =	vld [tilespmem:s26+$0x4E20]  }
0x10b: {  	v7 =	vld [tilespmem:s26+$0x3530];
	[tilespmem:s25+$0x6770] =	vst v4;
	v2 =	vadd.bf16 v6, v2  }
0x10c: {  	v4 =	vld [tilespmem:s26+$0x4E30]  }
0x10d: {  	v6 =	vld [tilespmem:s26+$0x3540];
	v3 =	vadd.bf16 v8, v3;
	[tilespmem:s25+$0x6780] =	vst v2;
	s25 =	smov.u32 s26  }
0x10e: {  	v2 =	vld [tilespmem:s25+$0x4E40]  }
0x10f: {  	v5 =	vadd.bf16 v5, v9;
	v8 =	vld [tilespmem:s25+$0x3550];
	[tilespmem:s25+$0x6790] =	vst v3  }
0x110: {  	v3 =	vld [tilespmem:s25+$0x4E50]  }
0x111: {  	[tilespmem:s25+$0x6720] =	vst v5;
	v4 =	vadd.bf16 v4, v7;
	v7 =	vld [tilespmem:s25+$0x3560]  }
0x112: {  	v9 =	vld [tilespmem:s25+$0x4E60]  }
.Ltmp8:
0x113: {  	[tilespmem:s25+$0x6730] =	vst v4;
	v2 =	vadd.bf16 v2, v6;
	v4 =	vld [tilespmem:s25+$0x3570];
	(pc) =	sbr.rel @p0 .LBB2_10-.Ltmp8, $4  }
0x114: {  	v5 =	vld [tilespmem:s25+$0x4E70]  }
0x115: {  	[tilespmem:s25+$0x6740] =	vst v2;
	v8 =	vadd.bf16 v3, v8;
	v2 =	vld [tilespmem:s25+$0x3580]  }
0x116: {  	s26 =	sshra.s32 s28, $0x2;
	v6 =	vld [tilespmem:s25+$0x4E80]  }
0x117: {  	s28 =	sadd.s32 $0x200, s28;
	v3 =	vld [tilespmem:s26+$0x3590];
	[tilespmem:s25+$0x6750] =	vst v8;
	v7 =	vadd.bf16 v9, v7  }
0x118: {  	v8 =	vld [tilespmem:s26+$0x4E90]  }
0x119: {  	v9 =	vld [tilespmem:s26+$0x3520];
	[tilespmem:s25+$0x6760] =	vst v7;
	v4 =	vadd.bf16 v5, v4  }
0x11a: {  	v56 =	vld [tilespmem:s26+$0x4E20]  }
0x11b: {  	v7 =	vld [tilespmem:s26+$0x3530];
	[tilespmem:s25+$0x6770] =	vst v4;
	v2 =	vadd.bf16 v6, v2  }
0x11c: {  	v4 =	vld [tilespmem:s26+$0x4E30]  }
0x11d: {  	v57 =	vld [tilespmem:s26+$0x3540];
	[tilespmem:s25+$0x6780] =	vst v2  }
0x11e: {  	v2 =	vadd.bf16 v8, v3;
	v3 =	vld [tilespmem:s26+$0x4E40]  }
0x11f: {  	v58 =	vld [tilespmem:s26+$0x3550]  }
0x120: {  	v59 =	vld [tilespmem:s26+$0x3560]  }
0x121: {  	v60 =	vld [tilespmem:s26+$0x4E60]  }
0x122: {  	v61 =	vld [tilespmem:s26+$0x3570]  }
0x123: {  	[tilespmem:s26+$0x6790] =	vst v2;
	v2 =	vld [tilespmem:s26+$0x4E50]  }
0x124: {  	v62 =	vld [tilespmem:s26+$0x4E70];
	v3 =	vadd.bf16 v3, v57  }
0x125: {  	v63 =	vld [tilespmem:s26+$0x4E80]  }
0x126: {  	v5 =	vadd.bf16 v56, v9;
	[tilespmem:s26+$0x6740] =	vst v3;
	v3 =	vld [tilespmem:s26+$0x3580]  }
0x127: {  	v4 =	vadd.bf16 v4, v7  }
0x128: {  	s24 =	smul.u32 $0xC8, s24;
	[tilespmem:s26+$0x6720] =	vst v5;
	v2 =	vadd.bf16 v2, v58  }
0x129: {  	[tilespmem:s26+$0x6730] =	vst v4;
	v5 =	vadd.bf16 v60, v59  }
0x12a: {  	s24 =	sadd.s32 s8, s24;
	[tilespmem:s26+$0x6750] =	vst v2;
	v2 =	vadd.bf16 v62, v61  }
0x12b: {  	s24 =	sshll.u32 s24, $0x2;
	[tilespmem:s26+$0x6760] =	vst v5;
	v3 =	vadd.bf16 v63, v3  }
.Ltmp9:
0x12c: {  	s24 =	sand.u32 $0xFFFFFE0, s24;
	[tilespmem:s26+$0x6770] =	vst v2;
	(pc) =	sbr.rel .LBB2_12-.Ltmp9, $4  }
0x12d: {  	s24 =	sadd.s32 s7, s24;
	[tilespmem:s26+$0x6780] =	vst v3  }
0x12e: {  	[hbm4b:s24+s3] =	stream.linear.scatter [tilespmem:s14], [sflag:$0x5], $0x1900, $0x38;
	[tilespmem:$0x15BA0] =	vst v63  }
0x12f: {  	_ = 	snop  }
0x130: {  	[spmem:s1] =	stream.indirect.scatter.add.f32 [tilespmem:s15], [sflag:$0x7], $0x10, s19, s9, $0xb8;
	[tilespmem:$0x15BA0] =	vst v63  }
.LBB2_14:
0x131: {  	_ =	sfence.sel $0x180000  }
0x132: {  	[bflag:$0x0] =	sbarrier.arrive $0xFFFF  }
0x133: {  	_ =	strace $0x90000047  }
0x134: {  	s0 =	stileid.u32;
	[bflag:$0x2] =	sbarrier.arrive $0xFFFF  }
0x135: {  	p0 =	sne.s32 s0, $0x0;
	s0 =	rddreg [dreg:$0x3]  }
0x136: {  	s0 =	sadd.s32 @!p0 $0x100000, s0  }
0x137: {  	[sflag:s0] =	ssyncadd.tile.s32 @!p0 $0x1;
	_ =	shalt  }
.Lfunc_end2:
_tile_overlayer_lowered:
.L_overlay_start_2:
0x138: {  	(tag) =	ssettag $0x2  }
0x139: {  	s0 =	rddreg [dreg:$0x0];
	s2 =	stileid.u32  }
0x13a: {  	s1 =	rddreg [dreg:$0x1];
	p0 =	sne.s32 s2, $0x0  }
0x13b: {  	s3 =	rddreg [dreg:$0x2];
	[bflag:$0x3] =	sbarrier.arrive $0xFFFF;
	s2 =	simm.s32 @!p0 $0x1C08  }
0x13c: {  	[timem:s3], [sflag:s2] =	dma.local @!p0 [hbm:s0], s1  }
0x13d: {  	s0 =	simm.s32 @!p0 $0x8  }
0x13e: {  	_ =	swait.ge @!p0 [sflag:s0], s1  }
0x13f: {  	s1 =	ssub.s32 @!p0 $0x0, s1;
	[sflag:s0] =	ssyncset.done @!p0 $0x0  }
0x140: {  	[sflag:s0] =	ssyncadd.s32 @!p0 s1  }
0x141: {  	[bflag:$0x3] =	sbarrier.arrive $0xFFFF  }
0x142: {  	_ =	shalt  }

// kernel: sparse-core-data-format-call.cloned.1.call-start
scs
called_computation_lowered:
.L_overlay_start_0:
0x0: {  	s2 =	sld [smem:$0x3FD9]  }
0x1: {  	s3 =	sld [smem:$0x3FFE];
	_ =	sdelay $0x1  }
0x2: {  	s1 =	srdreg.scid  }
0x3: {  	s0 =	sand.u32 $0x1, s1  }
0x4: {  	s16 =	sshll.u32 s0, $0xA;
	s2 =	sadd.s32 s3, s2  }
0x5: {  	s2 =	sadd.s32 s2, s16  }
0x6: {  	[smem:$0x3FA5] =	sst s2  }
0x7: {  	_ = 	snop  }
0x8: {  	s2 =	sld [smem:$0x3FD0];
	_ =	sdelay $0x2  }
0x9: {  	s17 =	simm.s32 $0xB;
	s4 =	simm.s32 $0x10  }
0xa: {  	[smem:s4], [sflag:s17] =	dma.local [hbm:s2], $0x1  }
0xb: {  	_ =	swait.eq [sflag:s17], $0x1  }
0xc: {  	[sflag:s17] =	ssyncset.done $0x0  }
0xd: {  	[sflag:s17] =	ssyncadd.s32 $0xFFFFFFFF  }
0xe: {  	s18 =	sld [smem:$0x11];
	(tm) =	ssettm $0x1  }
0xf: {  	s19 =	sld [smem:$0x3FFB];
	_ =	sdelay $0x3  }
0x10: {  	_ =	strace s19  }
0x11: {  	s2 =	sld [smem:$0x3FFC];
	_ =	sdelay $0x3  }
0x12: {  	_ =	strace s2  }
0x13: {  	s2 =	sld [smem:$0x3FFD];
	_ =	sdelay $0x3  }
0x14: {  	_ =	strace s2  }
0x15: {  	_ =	strace $0x8FFFFFFF  }
0x16: {  	s20 =	sld [smem:$0x3FDB];
	_ =	sdelay $0x1  }
0x17: {  	s21 =	simm.s32 $_scs_section_size  }
0x18: {  	s5 =	simm.s32 $_size__tile_overlayer_lowered;
	s6 =	simm.s32 $_tile_overlayer_lowered  }
0x19: {  	s7 =	simm.s32 $0x1BFF;
	s22 =	sshll.u32 s6, $0x1;
	s4 =	sadd.s32 s21, s20  }
0x1a: {  	s23 =	simm.s32 $0x0;
	s5 =	sshll.u32 s5, $0x1;
	s6 =	sadd.s32 s22, s4  }
0x1b: {  	[timem:s23], [sflag:s7] =	dma.local [hbm:s6], s5  }
0x1c: {  	_ =	swait.ge [sflag:s7], s5  }
0x1d: {  	s5 =	ssub.s32 $0x0, s5;
	[sflag:s7] =	ssyncset.done $0x0  }
0x1e: {  	[sflag:s7] =	ssyncadd.s32 s5;
	_ =	sdelay $0x1  }
0x1f: {  	s24 =	simm.s32 $0x1B8B  }
0x20: {  	_ =	swait.ge [sflag:s24], $0x1  }
0x21: {  	[sflag:s24] =	ssyncset.done $0x0  }
0x22: {  	[sflag:s24] =	ssyncadd.s32 $0xFFFFFFFF  }
0x23: {  	s5 =	sld [smem:$0x0]  }
0x24: {  	s6 =	sand.u32 $0xFFFFFFFE, s1  }
0x25: {  	p0 =	sne.s32 s1, s6  }
0x26: {  	s6 =	sshll.u32 @p0 s6, $0xE  }
0x27: {  	s6 =	sadd.s32 @p0 $0x11B8D, s6;
	s7 =	sshll.u32 @p0 s5, $0x11  }
0x28: {  	s6 =	sor.u32 @p0 s7, s6  }
0x29: {  	[sflag:s6] =	ssyncadd.remote.s32 @p0 $0x1;
	_ =	sdelay $0x1  }
0x2a: {  	s6 =	simm.s32 @p0 $0x1B8D  }
0x2b: {  	_ =	swait.eq @p0 [sflag:s6], $0x1  }
0x2c: {  	[sflag:s6] =	ssyncadd.s32 @p0 $0xFFFFFFFF  }
0x2d: {  	s7 =	sshll.u32 @!p0 s1, $0xE  }
0x2e: {  	s7 =	sor.u32 @!p0 $0x4000, s7;
	s6 =	simm.s32 @!p0 $0x1B8D  }
0x2f: {  	s5 =	sshll.u32 @!p0 s5, $0x11;
	s7 =	sadd.s32 @!p0 $0x11B8D, s7;
	_ =	swait.eq @!p0 [sflag:s6], $0x1  }
0x30: {  	s5 =	sor.u32 @!p0 s5, s7;
	[sflag:s6] =	ssyncadd.s32 @!p0 $0xFFFFFFFF  }
0x31: {  	s26 =	simm.s32 $0x1B8E;
	s25 =	sld [smem:$0x3FFE];
	[sflag:s5] =	ssyncadd.remote.s32 @!p0 $0x1  }
0x32: {  	s27 =	simm.s32 $execute0_lowered;
	[smem:$0x3FD2] =	sst s26  }
0x33: {  	s6 =	sshll.u32 s27, $0x1;
	_ =	strace $0x8000004C;
	[dreg:$0x1] =	wrdreg $0xFFFFFFFF  }
0x34: {  	s28 =	simm.s32 $_size_execute0_lowered;
	s4 =	sadd.s32 s4, s6;
	[dreg:$0x0] =	wrdreg $0x0  }
0x35: {  	s6 =	sshll.u32 s28, $0x1;
	[dreg:$0x2] =	wrdreg s4  }
0x36: {  	[dreg:$0x3] =	wrdreg s6  }
0x37: {  	[dreg:$0x4] =	wrdreg $0xC0  }
0x38: {  	_ =	task [dreg:s23], $0x5FFFF  }
0x39: {  	[dreg:$0x1] =	wrdreg $0xFFFFFFFF  }
0x3a: {  	[dreg:$0x0] =	wrdreg $0x60  }
0x3b: {  	[dreg:$0x2] =	wrdreg s25  }
0x3c: {  	[dreg:$0x3] =	wrdreg s18  }
0x3d: {  	[dreg:$0x4] =	wrdreg $0x9  }
0x3e: {  	_ =	task.clear_ibuf [dreg:s23], $0x5FFFF;
	_ =	strace $0x9000004C  }
0x3f: {  	s29 =	simm.s32 $0x9;
	_ =	strace $0x8000004E  }
0x40: {  	_ =	swait.ge [sflag:s29], $0x1  }
0x41: {  	[sflag:s29] =	ssyncadd.s32 $0xFFFFFFFF  }
0x42: {  	_ =	strace $0x9000004E  }
0x43: {  	_ =	sfence  }
0x44: {  	s30 =	sld [smem:$0x0];
	_ =	sdelay $0x2  }
0x45: {  	s31 =	sshll.u32 s1, $0xD;
	s1 =	sshrl.u32 s1, $0x2  }
0x46: {  	s4 =	sand.u32 $0x4000, s31;
	s1 =	sadd.s32 s1, s30  }
0x47: {  	s0 =	sor.u32 s4, s0;
	s1 =	sshll.u32 s1, $0x11  }
0x48: {  	s0 =	sor.u32 s1, s0  }
0x49: {  	s0 =	sadd.s32 $0x8F2B, s0  }
0x4a: {  	[sflag:s0] =	ssyncadd.remote.s32 $0x1  }
0x4b: {  	_ =	sfence.sel $0xFFFF  }
0x4c: {  	[dreg:$0x0] =	wrdreg $0xFFFFFFFF;
	(pc) =	sbr.abs _section_cstart, $3  }
0x4d: {  	[dreg:$0x1] =	wrdreg $0xFFFFFFFF  }
0x4e: {  	_ =	task.clear_ibuf [dreg:s23], $0x2FFFF;
	_ =	strace $0x9FFFFFFF  }
0x4f: {  	(tm) =	ssettm $0x7FFFFFFF  }
tec
execute0_lowered:
.L_overlay_start_1:
0x0: {  	(tag) =	ssettag $0x1  }
0x1: {  	s0 =	srdreg.scid  }
0x2: {  	s1 =	sshll.u32 s0, $0x4  }
0x3: {  	s4 =	rddreg [dreg:$0x0];
	s0 =	stileid.u32;
	s1 =	sand.u32 $0x10, s1  }
0x4: {  	s2 =	rddreg [dreg:$0x1];
	s7 =	simm.s32 $0x1;
	s1 =	sor.u32 s0, s1  }
0x5: {  	s8 =	simm.s32 $0x2;
	s11 =	simm.s32 $0x0;
	s3 =	sshll.u32 s1, $0x7  }
0x6: {  	s10 =	simm.s32 $0x0;
	s4 =	sadd.s32 $0x900000, s4;
	s6 =	ssub.s32 $0xC3500, s3  }
.Ltmp0:
0x7: {  	s1 =	rddreg [dreg:$0x2];
	s5 =	sand.u32 $0xF80, s6;
	(pc) =	sbr.rel .LBB1_1-.Ltmp0, $4  }
0x8: {  	_ =	strace $0x8000004D;
	s9 =	smov.u32 s3;
	p0 =	sne.s32 s5, $0x0  }
0x9: {  	s6 =	sshrl.u32 s6, $0xC;
	s5 =	simm.s32 $0x1;
	s7 =	simm.s32 @!p0 $0x0  }
0xa: {  	[sflag:s5] =	ssyncpa.u1 $0x0;
	p0 =	por $0x0, $0x0;
	s6 =	sadd.s32 s7, s6  }
0xb: {  	[sflag:s8] =	ssyncpa.u1 $0x0;
	s8 =	simm.s32 $0x61A800;
	s7 =	sadd.s32 $0x1, s6  }
.LBB1_4:
0xc: {  	s14 =	sshll.u32 s11, $0x3  }
0xd: {  	s14 =	sand.u32 $0xFFFFFC00, s14  }
0xe: {  	s15 =	sshrl.u32 s14, $0x8  }
0xf: {  	s15 =	smulhi.u32 $0x14F8B59, s15;
	_ =	sdelay $0x1  }
0x10: {  	s15 =	sshrl.u32 s15, $0x4  }
0x11: {  	s28 =	sand.u32 $0x7F, s11;
	s16 =	smul.u32 $0xC3500, s15  }
0x12: {  	s11 =	sor.u32 s28, s14  }
0x13: {  	s29 =	sand.u32 $0x1F, s15;
	s11 =	ssub.s32 s11, s16  }
0x14: {  	s14 =	smul.u32 $0x186A0, s29;
	s30 =	sshrl.u32 s11, $0x3;
	s11 =	sand.u32 $0x7, s11  }
0x15: {  	s15 =	sadd.s32 s2, s30;
	s11 =	sshll.u32 s11, $0x12  }
0x16: {  	[tilespmem:s13+$0x0 ss:$0x81] =	vst.msk $0xffff, v0;
	s31 =	sadd.s32 s14, s15;
	s11 =	sor.u32 $0x400, s11  }
0x17: {  	[hbm4b:s31+s11] =	stream.strided.scatter [tilespmem:s12], [sflag:$0x2], $0x1000, s8, s11, $0x20;
	[tilespmem:$0x4040] =	vst v63  }
.LBB1_5:
0x18: {  	s13 =	sadd.s32 $0x1000, s9  }
0x19: {  	p2 =	sgt.s32 s13, $0xC34FF  }
0x1a: {  	s13 =	smov.u32 @p2 s3;
	p2 =	sne.s32 s10, s7  }
.Ltmp1:
0x1b: {  	p1 =	slt.u32 s10, $0x2;
	(pc) =	sbr.rel @!p2 .LBB1_6-.Ltmp1, $4  }
0x1c: {  	s12 =	simm.s32 @!p1 $0x2  }
0x1d: {  	s14 =	sadd.s32 $0x1, s10;
	_ =	swait.ge @!p1 [sflag:s12], $0x1000  }
0x1e: {  	s11 =	smov.u32 s9;
	p0 =	por !p0, !p0;
	[sflag:s12] =	ssyncset.done @!p1 $0x0  }
0x1f: {  	s10 =	smov.u32 s14;
	s9 =	smov.u32 s13;
	[sflag:s12] =	ssyncadd.s32 @!p1 $0xFFFFF000  }
.LBB1_1:
0x20: {  	p1 =	sge.u32 s10, s6  }
0x21: {  	s12 =	sand.u32 @!p1 $0x1FFFFFF, s9  }
0x22: {  	s13 =	smulhi.u32 @!p1 $0x14F8B59, s12;
	_ =	sdelay $0x1  }
0x23: {  	s13 =	sshrl.u32 @!p1 s13, $0xC  }
0x24: {  	s13 =	smul.u32 @!p1 $0xC3500, s13;
	_ =	sdelay $0x1  }
0x25: {  	s31 =	sadd.s32 $0xFFFFFFFF, s10;
	s14 =	sxor.u32 @!p1 $0xFFFFFFFF, s10;
	s12 =	ssub.s32 @!p1 s12, s13  }
0x26: {  	s15 =	simm.s32 @!p1 $0x80;
	s14 =	sshll.u32 @!p1 s14, $0xC;
	s12 =	sshll.u32 @!p1 s12, $0x4  }
0x27: {  	s13 =	sand.u32 @!p1 $0x1000, s14;
	s14 =	simm.s32 @!p1 $0x20;
	s12 =	sadd.s32 @!p1 s4, s12  }
0x28: {  	[tilespmem:s13], [sflag:$0x1] =	stream.strided.gather @!p1 [hbm4b:s12+s14], $0x1000, s15, s14, $0x38;
	[tilespmem:$0x4040] =	vst v63  }
0x29: {  	p1 =	sge.u32 s31, s6  }
.Ltmp2:
0x2a: {  	_ = 	snop;
	(pc) =	sbr.rel @p1 .LBB1_5-.Ltmp2, $1  }
0x2b: {  	_ =	sdelay $0x3  }
0x2c: {  	s12 =	simm.s32 $0x1  }
0x2d: {  	_ =	swait.ge [sflag:s5], $0x1000;
	s12 =	simm.s32 @!p0 $0x0  }
0x2e: {  	[sflag:s5] =	ssyncset.done $0x0;
	s13 =	sshll.u32 s12, $0xC  }
0x2f: {  	[sflag:s5] =	ssyncadd.s32 $0xFFFFF000;
	s16 =	sor.u32 $0x10, s13  }
0x30: {  	s12 =	smul.u32 $0x4080, s12;
	v1 =	vld [tilespmem:s16+$0x0]  }
0x31: {  	s30 =	sand.u32 $0x1, s10;
	v0 =	vld [tilespmem:s16+$0xFFFFFFF0]  }
0x32: {  	s13 =	smul.u32 $0x4080, s30;
	s12 =	sshrl.u32 s12, $0x2  }
0x33: {  	s14 =	sor.u32 $0x2000, s12  }
0x34: {  	s31 =	sshrl.u32 s13, $0x2;
	s13 =	sadd.s32 $0x0, s14  }
0x35: {  	s15 =	simm.s32 $0x4;
	s16 =	sadd.s32 $0x20, s16;
	s12 =	sor.u32 $0x2000, s31;
	[tilespmem:s13+$0x810 ss:$0x81] =	vst.msk $0xffff, v1  }
.LBB1_3:
0x36: {  	v1 =	vld [tilespmem:s16+$0x0];
	p1 =	sne.s32 s15, $0x1FC;
	[tilespmem:s13+$0x0 ss:$0x81] =	vst.msk $0xffff, v0;
	s13 =	smov.u32 s15;
	s15 =	sadd.s32 $0x4, s15  }
.Ltmp3:
0x37: {  	v0 =	vld [tilespmem:s16+$0xFFFFFFF0];
	(pc) =	sbr.rel @p1 .LBB1_3-.Ltmp3, $4  }
0x38: {  	_ = 	snop  }
0x39: {  	s13 =	sshra.s32 s13, $0x2  }
0x3a: {  	s13 =	sadd.s32 s13, s14  }
0x3b: {  	s16 =	sadd.s32 $0x20, s16;
	[tilespmem:s13+$0x810 ss:$0x81] =	vst.msk $0xffff, v1  }
.Ltmp4:
0x3c: {  	_ = 	snop;
	(pc) =	sbr.rel .LBB1_4-.Ltmp4, $1  }
0x3d: {  	_ =	sdelay $0x3  }
.LBB1_6:
0x3e: {  	_ =	sfence.sel $0x180000  }
0x3f: {  	s2 =	simm.s32 $0x1;
	[bflag:$0x0] =	sbarrier.arrive $0xFFFF  }
0x40: {  	s31 =	simm.s32 $0x2;
	[sflag:s2] =	ssyncpa.u1 $0x1  }
0x41: {  	[sflag:s31] =	ssyncpa.u1 $0x1  }
0x42: {  	p0 =	sne.s32 s0, $0x0;
	_ =	strace $0x9000004D  }
0x43: {  	s0 =	sadd.s32 @!p0 $0x100000, s1;
	[bflag:$0x2] =	sbarrier.arrive $0xFFFF  }
0x44: {  	[sflag:s0] =	ssyncadd.tile.s32 @!p0 $0x1;
	_ =	shalt  }
.Lfunc_end1:
_tile_overlayer_lowered:
.L_overlay_start_2:
0x45: {  	(tag) =	ssettag $0x2  }
0x46: {  	s0 =	rddreg [dreg:$0x0];
	s2 =	stileid.u32  }
0x47: {  	s1 =	rddreg [dreg:$0x1];
	p0 =	sne.s32 s2, $0x0  }
0x48: {  	s3 =	rddreg [dreg:$0x2];
	[bflag:$0x3] =	sbarrier.arrive $0xFFFF;
	s2 =	simm.s32 @!p0 $0x1C01  }
0x49: {  	[timem:s3], [sflag:s2] =	dma.local @!p0 [hbm:s0], s1  }
0x4a: {  	s0 =	simm.s32 @!p0 $0x1  }
0x4b: {  	_ =	swait.ge @!p0 [sflag:s0], s1  }
0x4c: {  	s1 =	ssub.s32 @!p0 $0x0, s1;
	[sflag:s0] =	ssyncset.done @!p0 $0x0  }
0x4d: {  	[sflag:s0] =	ssyncadd.s32 @!p0 s1  }
0x4e: {  	[bflag:$0x3] =	sbarrier.arrive $0xFFFF  }
0x4f: {  	_ =	shalt  }

</sc_bundles>
